<compile_context>
chip_gen: v7x
topology: tpu7x:2x2x1
jax: 0.10.2.dev20260603
libtpu: 0.0.44.dev20260713+nightly
codegen_flags: <defaults>
</compile_context>

<pallas_src>
import functools

import jax
import jax.numpy as jnp
from jax import lax
from jax.experimental import pallas as pl
from jax.experimental.pallas import tpu as pltpu
from jax.experimental.pallas import tpu_sc as plsc

_NI = 100
_PAIRS = _NI * _NI
_D = 128

_NC = 2
_NS = 16
_NW = _NC * _NS

_CHUNK = 128
_BR = 64
_TB = _BR * 50


_J1B = 10


def _h12_body(g2m_ref, g1t_ref, out_ref):
    lhs = g2m_ref[...]
    w = _D * _J1B
    gc = jnp.repeat(g1t_ref[...], 2, axis=0)
    row_m2 = lax.broadcasted_iota(jnp.int32, (32, 1), 0) % 2
    col_m2 = lax.broadcasted_iota(jnp.int32, (1, w), 1) % 2
    rhs = jnp.where(row_m2 == col_m2, gc, 0.0)
    res = jnp.dot(lhs, rhs, preferred_element_type=jnp.float32)
    for h in range(_J1B):
        out_ref[h * _NI:(h + 1) * _NI, :] = res[:, h * _D:(h + 1) * _D]


def _make_pair_table(G1, G2):
    g1t = jnp.repeat(
        jnp.transpose(G1, (3, 1, 0, 2)).reshape(16, _NI * 64), 2, axis=1)
    g2m = jnp.transpose(G2[:, :, :, 0], (1, 0, 2)).reshape(_NI, 32)
    return pl.pallas_call(
        _h12_body,
        grid=(_NI // _J1B,),
        in_specs=[
            pl.BlockSpec((_NI, 32), lambda i: (0, 0)),
            pl.BlockSpec((16, 128 * _J1B), lambda i: (0, i)),
        ],
        out_specs=pl.BlockSpec((_J1B * _NI, _D), lambda i: (i, 0)),
        out_shape=jax.ShapeDtypeStruct((_PAIRS, _D), jnp.float32),
    )(g2m, g1t)


def _sc_gather(xflat, table, bpw):
    B = xflat.shape[0]
    nch = bpw // _CHUNK
    mesh = plsc.VectorSubcoreMesh(core_axis_name="c", subcore_axis_name="s")

    @functools.partial(
        pl.kernel,
        mesh=mesh,
        out_type=jax.ShapeDtypeStruct((B, _D), jnp.float32),
        scratch_types=[
            pltpu.VMEM((bpw,), jnp.int32),
            pltpu.VMEM((bpw,), jnp.int32),
            pltpu.VMEM((_CHUNK, _D), jnp.float32),
            pltpu.VMEM((_CHUNK, _D), jnp.float32),
            pltpu.SemaphoreType.DMA,
            pltpu.SemaphoreType.DMA,
        ],
    )
    def gather(x_hbm, tab_hbm, out_hbm, xv, idxv, rows0, rows1, sem0, sem1):
        wid = lax.axis_index("s") * _NC + lax.axis_index("c")
        base = wid * bpw
        pltpu.sync_copy(x_hbm.at[pl.ds(base, bpw)], xv)

        def idx_body(i, carry):
            v = xv[pl.ds(i * 16, 16)]
            idxv[pl.ds(i * 16, 16)] = lax.rem(v, _PAIRS)
            return carry

        lax.fori_loop(0, bpw // 16, idx_body, 0)

        def pair_body(p, carry):
            c = p * 2
            d0 = pltpu.async_copy(
                tab_hbm.at[idxv.at[pl.ds(c * _CHUNK, _CHUNK)]], rows0, sem0)
            d1 = pltpu.async_copy(
                tab_hbm.at[idxv.at[pl.ds((c + 1) * _CHUNK, _CHUNK)]], rows1, sem1)
            d0.wait()
            pltpu.sync_copy(rows0, out_hbm.at[pl.ds(base + c * _CHUNK, _CHUNK)])
            d1.wait()
            pltpu.sync_copy(rows1, out_hbm.at[pl.ds(base + (c + 1) * _CHUNK, _CHUNK)])
            return carry

        lax.fori_loop(0, nch // 2, pair_body, 0)
        if nch % 2:
            c = nch - 1
            d0 = pltpu.async_copy(
                tab_hbm.at[idxv.at[pl.ds(c * _CHUNK, _CHUNK)]], rows0, sem0)
            d0.wait()
            pltpu.sync_copy(rows0, out_hbm.at[pl.ds(base + c * _CHUNK, _CHUNK)])

    return gather(xflat, table)


def _contract_body(x_ref, hg_ref, g0_ref, out_ref):
    xr = x_ref[0]
    i0 = xr // _PAIRS
    iot = lax.broadcasted_iota(jnp.int32, (128, _TB), 0)
    oh = (iot == i0).astype(jnp.float32)
    a_t = jnp.dot(g0_ref[...], oh,
                  preferred_element_type=jnp.float32)
    hg_t = hg_ref[...].T
    q = _TB // 4
    rows = []
    for j in range(4):
        aj = a_t[:, j * q:(j + 1) * q]
        hj = hg_t[:, j * q:(j + 1) * q]
        for m0 in range(4):
            acc = aj[m0 * 16:m0 * 16 + 1, :] * hj[0:8, :]
            for r1 in range(1, 16):
                acc = acc + (aj[m0 * 16 + r1:m0 * 16 + r1 + 1, :]
                             * hj[r1 * 8:(r1 + 1) * 8, :])
            rows.append(acc)
    out_t = jnp.concatenate(rows, axis=0)
    out_ref[...] = out_t.T


def _contract(xflat, hg, g0m):
    B = xflat.shape[0]
    nb = B // _TB
    x3 = xflat.reshape(nb, 1, _TB)
    return pl.pallas_call(
        _contract_body,
        grid=(nb,),
        in_specs=[
            pl.BlockSpec((1, 1, _TB), lambda i: (i, 0, 0)),
            pl.BlockSpec((_TB, _D), lambda i: (i, 0)),
            pl.BlockSpec((64, 128), lambda i: (0, 0)),
        ],
        out_specs=pl.BlockSpec((_TB // 4, _D), lambda i: (i, 0)),
        out_shape=jax.ShapeDtypeStruct((B * 32 // _D, _D), jnp.float32),
        compiler_params=pltpu.CompilerParams(
            dimension_semantics=("parallel",)),
    )(x3, hg, g0m)


def _g0_mat(G0):
    g = jnp.transpose(G0[0], (1, 2, 0)).reshape(64, _NI)
    return jnp.pad(g, ((0, 0), (0, 128 - _NI)))


def kernel(x, G0, G1, G2):
    xshape = x.shape
    xflat = x.reshape(-1)
    B = xflat.shape[0]
    bpw = B // _NW
    nb = B // _TB

    xperm = xflat.reshape(nb, _TB // 4, 4).transpose(0, 2, 1).reshape(-1)

    table = _make_pair_table(G1, G2)
    hg = _sc_gather(xperm, table, bpw)
    out = _contract(xperm, hg, _g0_mat(G0))
    return out.reshape(xshape + (32,))

# --- scband reference (transcript-rebuilt; emitter-appended) ---
"""Pipeline reference for scband-tensorized-embedding-26809185862239 (READ-ONLY COPY).

The authoritative reference and input builder live on the scoring server;
editing this copy changes nothing except your own understanding.
"""

import jax, jax.numpy as jnp
import numpy as np

# TensorTrainMatrix config: shape [[100,100,100],[4,4,2]], ranks [1,16,16,1]
# in_features = 100*100*100 = 1_000_000, out_features = 4*4*2 = 32
# cum_prod for mixed-radix index decomposition: [10000, 100, 1]

N = (100, 100, 100)
M = (4, 4, 2)
R = (1, 16, 16, 1)
# target_stddev = 1.0 -> per-core std s with r1*r2*s^6 = 1 -> s = (16*16)**(-1/6)
CORE_STD = float((16.0 * 16.0) ** (-1.0 / 6.0))


def setup_inputs(seed: int = 0) -> dict:
    key = jax.random.key(seed)
    k1, k2, k3, k4 = jax.random.split(key, 4)
    x = jax.random.randint(k1, (4096, 50), 0, 1000000, dtype=jnp.int32)
    G0 = jax.random.normal(k2, (R[0], N[0], M[0], R[1]), dtype=jnp.float32) * CORE_STD
    G1 = jax.random.normal(k3, (R[1], N[1], M[1], R[2]), dtype=jnp.float32) * CORE_STD
    G2 = jax.random.normal(k4, (R[2], N[2], M[2], R[3]), dtype=jnp.float32) * CORE_STD
    return {"x": x, "G0": G0, "G1": G1, "G2": G2}


def _tt_lookup(x, G0, G1, G2):
    xshape = x.shape
    flat = jnp.reshape(x, (-1,))
    B = flat.shape[0]
    # mixed-radix decomposition with cum_prod [10000, 100, 1]
    i0 = (flat // 10000) % 100
    i1 = (flat // 100) % 100
    i2 = flat % 100
    # gather TT-core slices for each token (SparseCore-style gathers)
    a = jnp.take(G0[0], i0, axis=0)                                 # [B, m0=4, r1=16]
    b = jnp.transpose(jnp.take(G1, i1, axis=1), (1, 0, 2, 3))       # [B, r1=16, m1=4, r2=16]
    c = jnp.transpose(jnp.take(G2, i2, axis=1), (1, 0, 2, 3))       # [B, r2=16, m2=2, r3=1]
    # contract TT cores left-to-right
    res = jnp.einsum('bmr,brnq->bmnq', a, b).reshape(B, M[0] * M[1], R[2])   # [B, 16, 16]
    res = jnp.einsum('bmr,brnq->bmnq', res, c).reshape(B, M[0] * M[1] * M[2])  # [B, 32]
    return jnp.reshape(res, xshape + (32,))


def reference(x, G0, G1, G2):
    return _tt_lookup(x, G0, G1, G2)

if __name__ == "__main__":
    import jax
    _d = setup_inputs()
    print(jax.jit(kernel)(*tuple(_d.values())))

</pallas_src>

<mosaic_0001>
#map = affine_map<(d0, d1) -> (0)>
#map1 = affine_map<(d0, d1) -> (0, 0)>
module attributes {stable_mosaic.version = 14 : i64} {
  func.func @gather(%arg0: i32, %arg1: i32, %arg2: memref<204800xi32, #tpu.memory_space<hbm>>, %arg3: memref<10000x128xf32, #tpu.memory_space<hbm>>, %arg4: memref<204800x128xf32, #tpu.memory_space<hbm>>, %arg5: memref<6400xi32, #tpu.memory_space<vmem>>, %arg6: memref<6400xi32, #tpu.memory_space<vmem>>, %arg7: memref<128x128xf32, #tpu.memory_space<vmem>>, %arg8: memref<128x128xf32, #tpu.memory_space<vmem>>, %arg9: memref<!tpu.dma_semaphore, #tpu.memory_space<semaphore_mem>>, %arg10: memref<!tpu.dma_semaphore, #tpu.memory_space<semaphore_mem>>) attributes {dimension_semantics = [#tpu.dimension_semantics<core_parallel>, #tpu.dimension_semantics<subcore_parallel>], iteration_bounds = array<i64: 2, 16>, scalar_prefetch = 0 : i64, scratch_operands = 6 : i64, tpu.core_type = #tpu.core_type<sc_vector_subcore>, window_params = [{transform_indices = #map}, {transform_indices = #map1}, {transform_indices = #map1}]} {
    %mul3A = arith.constant 2 : i32
    %mul3A_0 = arith.muli %arg1, %mul3A : i32
    %add3A = arith.addi %mul3A_0, %arg0 : i32
    %mul3A_1 = arith.constant 6400 : i32
    %mul3A_2 = arith.muli %add3A, %mul3A_1 : i32
    "tpu.region"() ({
      %run_scoped3A = tpu.sem_alloc : memref<!tpu.dma_semaphore, #tpu.memory_space<semaphore_mem>>
      %dma_start3A = tpu.memref_slice %arg2[%mul3A_2] : memref<204800xi32, #tpu.memory_space<hbm>> -> memref<6400xi32, #tpu.memory_space<hbm>>
      %dma_start3A_14 = tpu.memref_slice %arg2[%mul3A_2] : memref<204800xi32, #tpu.memory_space<hbm>> -> memref<6400xi32, #tpu.memory_space<hbm>>
      tpu.enqueue_dma source(%dma_start3A_14 : memref<6400xi32, #tpu.memory_space<hbm>>) target(%arg5 : memref<6400xi32, #tpu.memory_space<vmem>>) target_semaphore(%run_scoped3A : memref<!tpu.dma_semaphore, #tpu.memory_space<semaphore_mem>>)
      %dma_wait3A = tpu.memref_slice %arg2[%mul3A_2] : memref<204800xi32, #tpu.memory_space<hbm>> -> memref<6400xi32, #tpu.memory_space<hbm>>
      %dma_wait3A_15 = tpu.memref_slice %arg2[%mul3A_2] : memref<204800xi32, #tpu.memory_space<hbm>> -> memref<6400xi32, #tpu.memory_space<hbm>>
      tpu.wait_dma2 semaphore(%run_scoped3A : memref<!tpu.dma_semaphore, #tpu.memory_space<semaphore_mem>>) src(%dma_wait3A_15 : memref<6400xi32, #tpu.memory_space<hbm>>) dst(%arg5 : memref<6400xi32, #tpu.memory_space<vmem>>)
      tpu.yield
    }) : () -> ()
    %scan3A = arith.constant 0 : i32
    %scan3A_3 = arith.constant 0 : i32
    %scan3A_4 = arith.constant 400 : i32
    %scan3A_5 = arith.addi %scan3A_3, %scan3A_4 : i32
    %scan3A_6 = arith.constant 1 : i32
    scf.for %scan3A_14 = %scan3A_3 to %scan3A_5 step %scan3A_6  : i32 {
      %mul3A_15 = arith.constant 16 : i32
      %mul3A_16 = arith.muli %scan3A_14, %mul3A_15 : i32
      %get3A = arith.index_cast %mul3A_16 : i32 to index
      %get3A_17 = tpu.vector_load %arg5[%get3A] {strides = array<i32>} : memref<6400xi32, #tpu.memory_space<vmem>>, vector<16xi32>,
      %get3A_18 = vector.shape_cast %get3A_17 : vector<16xi32> to vector<16xi32>
      %rem3A = arith.constant 10000 : i32
      %rem3A_19 = vector.broadcast %rem3A : i32 to vector<16xi32>
      %rem3A_20 = arith.remsi %get3A_18, %rem3A_19 : vector<16xi32>
      %mul3A_21 = arith.constant 16 : i32
      %mul3A_22 = arith.muli %scan3A_14, %mul3A_21 : i32
      %swap3A = arith.index_cast %mul3A_22 : i32 to index
      %swap3A_23 = tpu.vector_load %arg6[%swap3A] {strides = array<i32>} : memref<6400xi32, #tpu.memory_space<vmem>>, vector<16xi32>,
      %swap3A_24 = vector.shape_cast %swap3A_23 : vector<16xi32> to vector<16xi32>
      %swap3A_25 = vector.shape_cast %rem3A_20 : vector<16xi32> to vector<16xi32>
      tpu.vector_store %arg6[%swap3A], %swap3A_25 {strides = array<i32>} : memref<6400xi32, #tpu.memory_space<vmem>>, vector<16xi32>,
    }
    %scan3A_7 = arith.constant 400 : i32
    %scan3A_8 = arith.constant 0 : i32
    %scan3A_9 = arith.constant 0 : i32
    %scan3A_10 = arith.constant 25 : i32
    %scan3A_11 = arith.addi %scan3A_9, %scan3A_10 : i32
    %scan3A_12 = arith.constant 1 : i32
    scf.for %scan3A_14 = %scan3A_9 to %scan3A_11 step %scan3A_12  : i32 {
      %mul3A_15 = arith.constant 2 : i32
      %mul3A_16 = arith.muli %scan3A_14, %mul3A_15 : i32
      %mul3A_17 = arith.constant 128 : i32
      %mul3A_18 = arith.muli %mul3A_16, %mul3A_17 : i32
      %dma_start3A = tpu.memref_slice %arg6[%mul3A_18] : memref<6400xi32, #tpu.memory_space<vmem>> -> memref<128xi32, #tpu.memory_space<vmem>>
      %dma_start3A_19 = arith.constant 0 : i32
      %dma_start3A_20 = arith.constant 0 : i32
      %dma_start3A_21 = tpu.memref_slice %arg3[%dma_start3A_19, %dma_start3A_20] : memref<10000x128xf32, #tpu.memory_space<hbm>> -> memref<10000x128xf32, #tpu.memory_space<hbm>>
      tpu.enqueue_indirect_dma source(%dma_start3A_21 : memref<10000x128xf32, #tpu.memory_space<hbm>>) target(%arg7 : memref<128x128xf32, #tpu.memory_space<vmem>>) offsets(%dma_start3A : memref<128xi32, #tpu.memory_space<vmem>>) semaphore(%arg9 : memref<!tpu.dma_semaphore, #tpu.memory_space<semaphore_mem>>)
      %add3A_22 = arith.constant 1 : i32
      %add3A_23 = arith.addi %mul3A_16, %add3A_22 : i32
      %mul3A_24 = arith.constant 128 : i32
      %mul3A_25 = arith.muli %add3A_23, %mul3A_24 : i32
      %dma_start3A_26 = tpu.memref_slice %arg6[%mul3A_25] : memref<6400xi32, #tpu.memory_space<vmem>> -> memref<128xi32, #tpu.memory_space<vmem>>
      %dma_start3A_27 = arith.constant 0 : i32
      %dma_start3A_28 = arith.constant 0 : i32
      %dma_start3A_29 = tpu.memref_slice %arg3[%dma_start3A_27, %dma_start3A_28] : memref<10000x128xf32, #tpu.memory_space<hbm>> -> memref<10000x128xf32, #tpu.memory_space<hbm>>
      tpu.enqueue_indirect_dma source(%dma_start3A_29 : memref<10000x128xf32, #tpu.memory_space<hbm>>) target(%arg8 : memref<128x128xf32, #tpu.memory_space<vmem>>) offsets(%dma_start3A_26 : memref<128xi32, #tpu.memory_space<vmem>>) semaphore(%arg10 : memref<!tpu.dma_semaphore, #tpu.memory_space<semaphore_mem>>)
      %dma_wait3A = tpu.memref_slice %arg6[%mul3A_18] : memref<6400xi32, #tpu.memory_space<vmem>> -> memref<128xi32, #tpu.memory_space<vmem>>
      %dma_wait3A_30 = arith.constant 0 : i32
      %dma_wait3A_31 = arith.constant 0 : i32
      %dma_wait3A_32 = tpu.memref_slice %arg3[%dma_wait3A_30, %dma_wait3A_31] : memref<10000x128xf32, #tpu.memory_space<hbm>> -> memref<10000x128xf32, #tpu.memory_space<hbm>>
      tpu.wait_indirect_dma semaphore(%arg9 : memref<!tpu.dma_semaphore, #tpu.memory_space<semaphore_mem>>) src(%dma_wait3A_32 : memref<10000x128xf32, #tpu.memory_space<hbm>>) dst(%arg7 : memref<128x128xf32, #tpu.memory_space<vmem>>)
      %mul3A_33 = arith.constant 128 : i32
      %mul3A_34 = arith.muli %mul3A_16, %mul3A_33 : i32
      %add3A_35 = arith.addi %mul3A_2, %mul3A_34 : i32
      "tpu.region"() ({
        %run_scoped3A = tpu.sem_alloc : memref<!tpu.dma_semaphore, #tpu.memory_space<semaphore_mem>>
        %dma_start3A_45 = arith.constant 0 : i32
        %dma_start3A_46 = tpu.memref_slice %arg4[%add3A_35, %dma_start3A_45] : memref<204800x128xf32, #tpu.memory_space<hbm>> -> memref<128x128xf32, #tpu.memory_space<hbm>>
        %dma_start3A_47 = arith.constant 0 : i32
        %dma_start3A_48 = tpu.memref_slice %arg4[%add3A_35, %dma_start3A_47] : memref<204800x128xf32, #tpu.memory_space<hbm>> -> memref<128x128xf32, #tpu.memory_space<hbm>>
        tpu.enqueue_dma source(%arg7 : memref<128x128xf32, #tpu.memory_space<vmem>>) target(%dma_start3A_48 : memref<128x128xf32, #tpu.memory_space<hbm>>) target_semaphore(%run_scoped3A : memref<!tpu.dma_semaphore, #tpu.memory_space<semaphore_mem>>)
        %dma_wait3A_49 = arith.constant 0 : i32
        %dma_wait3A_50 = tpu.memref_slice %arg4[%add3A_35, %dma_wait3A_49] : memref<204800x128xf32, #tpu.memory_space<hbm>> -> memref<128x128xf32, #tpu.memory_space<hbm>>
        %dma_wait3A_51 = arith.constant 0 : i32
        %dma_wait3A_52 = tpu.memref_slice %arg4[%add3A_35, %dma_wait3A_51] : memref<204800x128xf32, #tpu.memory_space<hbm>> -> memref<128x128xf32, #tpu.memory_space<hbm>>
        tpu.wait_dma2 semaphore(%run_scoped3A : memref<!tpu.dma_semaphore, #tpu.memory_space<semaphore_mem>>) src(%arg7 : memref<128x128xf32, #tpu.memory_space<vmem>>) dst(%dma_wait3A_52 : memref<128x128xf32, #tpu.memory_space<hbm>>)
        tpu.yield
      }) : () -> ()
      %dma_wait3A_36 = tpu.memref_slice %arg6[%mul3A_25] : memref<6400xi32, #tpu.memory_space<vmem>> -> memref<128xi32, #tpu.memory_space<vmem>>
      %dma_wait3A_37 = arith.constant 0 : i32
      %dma_wait3A_38 = arith.constant 0 : i32
      %dma_wait3A_39 = tpu.memref_slice %arg3[%dma_wait3A_37, %dma_wait3A_38] : memref<10000x128xf32, #tpu.memory_space<hbm>> -> memref<10000x128xf32, #tpu.memory_space<hbm>>
      tpu.wait_indirect_dma semaphore(%arg10 : memref<!tpu.dma_semaphore, #tpu.memory_space<semaphore_mem>>) src(%dma_wait3A_39 : memref<10000x128xf32, #tpu.memory_space<hbm>>) dst(%arg8 : memref<128x128xf32, #tpu.memory_space<vmem>>)
      %add3A_40 = arith.constant 1 : i32
      %add3A_41 = arith.addi %mul3A_16, %add3A_40 : i32
      %mul3A_42 = arith.constant 128 : i32
      %mul3A_43 = arith.muli %add3A_41, %mul3A_42 : i32
      %add3A_44 = arith.addi %mul3A_2, %mul3A_43 : i32
      "tpu.region"() ({
        %run_scoped3A = tpu.sem_alloc : memref<!tpu.dma_semaphore, #tpu.memory_space<semaphore_mem>>
        %dma_start3A_45 = arith.constant 0 : i32
        %dma_start3A_46 = tpu.memref_slice %arg4[%add3A_44, %dma_start3A_45] : memref<204800x128xf32, #tpu.memory_space<hbm>> -> memref<128x128xf32, #tpu.memory_space<hbm>>
        %dma_start3A_47 = arith.constant 0 : i32
        %dma_start3A_48 = tpu.memref_slice %arg4[%add3A_44, %dma_start3A_47] : memref<204800x128xf32, #tpu.memory_space<hbm>> -> memref<128x128xf32, #tpu.memory_space<hbm>>
        tpu.enqueue_dma source(%arg8 : memref<128x128xf32, #tpu.memory_space<vmem>>) target(%dma_start3A_48 : memref<128x128xf32, #tpu.memory_space<hbm>>) target_semaphore(%run_scoped3A : memref<!tpu.dma_semaphore, #tpu.memory_space<semaphore_mem>>)
        %dma_wait3A_49 = arith.constant 0 : i32
        %dma_wait3A_50 = tpu.memref_slice %arg4[%add3A_44, %dma_wait3A_49] : memref<204800x128xf32, #tpu.memory_space<hbm>> -> memref<128x128xf32, #tpu.memory_space<hbm>>
        %dma_wait3A_51 = arith.constant 0 : i32
        %dma_wait3A_52 = tpu.memref_slice %arg4[%add3A_44, %dma_wait3A_51] : memref<204800x128xf32, #tpu.memory_space<hbm>> -> memref<128x128xf32, #tpu.memory_space<hbm>>
        tpu.wait_dma2 semaphore(%run_scoped3A : memref<!tpu.dma_semaphore, #tpu.memory_space<semaphore_mem>>) src(%arg8 : memref<128x128xf32, #tpu.memory_space<vmem>>) dst(%dma_wait3A_52 : memref<128x128xf32, #tpu.memory_space<hbm>>)
        tpu.yield
      }) : () -> ()
    }
    %scan3A_13 = arith.constant 25 : i32
    return
  }
}

module attributes {stable_mosaic.version = 14 : i64} {
  func.func @_h12_body(%arg0: i32, %arg1: memref<100x32xf32, #tpu.memory_space<vmem>>, %arg2: memref<16x1280xf32, #tpu.memory_space<vmem>>, %arg3: memref<1000x128xf32, #tpu.memory_space<vmem>>) attributes {dimension_semantics = [#tpu.dimension_semantics<arbitrary>], iteration_bounds = array<i64: 10>, scalar_prefetch = 0 : i64, scratch_operands = 0 : i64, tpu.core_type = #tpu.core_type<tc>, window_params = [{pipeline_mode = #tpu.pipeline_mode<synchronous>, transform_indices = @transform_0, window_bounds = array<i64: 100, 32>}, {transform_indices = @transform_1, window_bounds = array<i64: 16, 1280>}, {transform_indices = @transform_2, window_bounds = array<i64: 1000, 128>}]} {
    %get3A = arith.constant 0 : index
    %get3A_0 = arith.constant 0 : index
    %get3A_1 = vector.load %arg1[%get3A, %get3A_0] : memref<100x32xf32, #tpu.memory_space<vmem>>, vector<100x32xf32>
    %get3A_2 = arith.constant 0 : index
    %get3A_3 = arith.constant 0 : index
    %get3A_4 = vector.load %arg2[%get3A_2, %get3A_3] : memref<16x1280xf32, #tpu.memory_space<vmem>>, vector<16x1280xf32>
    %broadcast_in_dim3A = vector.shape_cast %get3A_4 : vector<16x1280xf32> to vector<16x1x1280xf32>
    %broadcast_in_dim3A_5 = vector.broadcast %broadcast_in_dim3A : vector<16x1x1280xf32> to vector<16x2x1280xf32>
    %reshape3A = vector.shape_cast %broadcast_in_dim3A_5 : vector<16x2x1280xf32> to vector<32x1280xf32>
    %iota3A = tpu.iota {dimensions = array<i32: 0>} : vector<32x1xi32>
    %jit3A = arith.constant 2 : i32
    %eq3A = arith.constant 0 : i32
    %eq3A_6 = arith.cmpi eq, %jit3A, %eq3A : i32
    %jit3A_7 = arith.constant 1 : i32
    %select_n3A = arith.select %eq3A_6, %jit3A_7, %jit3A : i32
    %rem3A = vector.broadcast %select_n3A : i32 to vector<32x1xi32>
    %rem3A_8 = arith.remsi %iota3A, %rem3A : vector<32x1xi32>
    %ne3A = arith.constant 0 : i32
    %ne3A_9 = vector.broadcast %ne3A : i32 to vector<32x1xi32>
    %ne3A_10 = arith.cmpi ne, %rem3A_8, %ne3A_9 : vector<32x1xi32>
    %lt3A = arith.constant 0 : i32
    %lt3A_11 = vector.broadcast %lt3A : i32 to vector<32x1xi32>
    %lt3A_12 = arith.cmpi slt, %rem3A_8, %lt3A_11 : vector<32x1xi32>
    %lt3A_13 = arith.constant 0 : i32
    %lt3A_14 = arith.cmpi slt, %select_n3A, %lt3A_13 : i32
    %ne3A_15 = vector.broadcast %lt3A_14 : i1 to vector<32x1xi1>
    %ne3A_16 = vector.broadcast %ne3A_15 : vector<32x1xi1> to vector<32x1xi1>
    %ne3A_17 = arith.xori %lt3A_12, %ne3A_16 : vector<32x1xi1>
    %and3A = arith.andi %ne3A_17, %ne3A_10 : vector<32x1xi1>
    %add3A = vector.broadcast %select_n3A : i32 to vector<32x1xi32>
    %add3A_18 = arith.addi %rem3A_8, %add3A : vector<32x1xi32>
    %select_n3A_19 = arith.select %and3A, %add3A_18, %rem3A_8 : vector<32x1xi1>, vector<32x1xi32>
    %iota3A_20 = tpu.iota {dimensions = array<i32: 1>} : vector<1x1280xi32>
    %jit3A_21 = arith.constant 2 : i32
    %eq3A_22 = arith.constant 0 : i32
    %eq3A_23 = arith.cmpi eq, %jit3A_21, %eq3A_22 : i32
    %jit3A_24 = arith.constant 1 : i32
    %select_n3A_25 = arith.select %eq3A_23, %jit3A_24, %jit3A_21 : i32
    %rem3A_26 = vector.broadcast %select_n3A_25 : i32 to vector<1x1280xi32>
    %rem3A_27 = arith.remsi %iota3A_20, %rem3A_26 : vector<1x1280xi32>
    %ne3A_28 = arith.constant 0 : i32
    %ne3A_29 = vector.broadcast %ne3A_28 : i32 to vector<1x1280xi32>
    %ne3A_30 = arith.cmpi ne, %rem3A_27, %ne3A_29 : vector<1x1280xi32>
    %lt3A_31 = arith.constant 0 : i32
    %lt3A_32 = vector.broadcast %lt3A_31 : i32 to vector<1x1280xi32>
    %lt3A_33 = arith.cmpi slt, %rem3A_27, %lt3A_32 : vector<1x1280xi32>
    %lt3A_34 = arith.constant 0 : i32
    %lt3A_35 = arith.cmpi slt, %select_n3A_25, %lt3A_34 : i32
    %ne3A_36 = vector.broadcast %lt3A_35 : i1 to vector<1x1280xi1>
    %ne3A_37 = vector.broadcast %ne3A_36 : vector<1x1280xi1> to vector<1x1280xi1>
    %ne3A_38 = arith.xori %lt3A_33, %ne3A_37 : vector<1x1280xi1>
    %and3A_39 = arith.andi %ne3A_38, %ne3A_30 : vector<1x1280xi1>
    %add3A_40 = vector.broadcast %select_n3A_25 : i32 to vector<1x1280xi32>
    %add3A_41 = arith.addi %rem3A_27, %add3A_40 : vector<1x1280xi32>
    %select_n3A_42 = arith.select %and3A_39, %add3A_41, %rem3A_27 : vector<1x1280xi1>, vector<1x1280xi32>
    %eq3A_43 = vector.broadcast %select_n3A_19 : vector<32x1xi32> to vector<32x1280xi32>
    %eq3A_44 = vector.broadcast %select_n3A_42 : vector<1x1280xi32> to vector<32x1280xi32>
    %eq3A_45 = arith.cmpi eq, %eq3A_43, %eq3A_44 : vector<32x1280xi32>
    %jit3A_46 = arith.constant 0.000000e+00 : f32
    %broadcast_in_dim3A_47 = vector.broadcast %jit3A_46 : f32 to vector<32x1280xf32>
    %select_n3A_48 = arith.select %eq3A_45, %reshape3A, %broadcast_in_dim3A_47 : vector<32x1280xi1>, vector<32x1280xf32>
    %dot_general3A = arith.constant dense<0.000000e+00> : vector<100x1280xf32>
    %dot_general3A_49 = tpu.matmul %get3A_1, %select_n3A_48, %dot_general3A {dimension_numbers = #tpu.dot_dimension_numbers<[1], [0], [0], [1], [0, 0, 1, 1], [], []>, transpose_lhs_hint = false} : vector<100x32xf32>, vector<32x1280xf32>, vector<100x1280xf32> -> vector<100x1280xf32>
    %slice3A = vector.extract_strided_slice %dot_general3A_49 {offsets = [0, 0], sizes = [100, 128], strides = [1, 1]} : vector<100x1280xf32> to vector<100x128xf32>
    %swap3A = arith.constant 0 : index
    %swap3A_50 = arith.constant 0 : index
    %swap3A_51 = vector.load %arg3[%swap3A, %swap3A_50] : memref<1000x128xf32, #tpu.memory_space<vmem>>, vector<100x128xf32>
    tpu.vector_store %arg3[%swap3A, %swap3A_50], %slice3A {strides = array<i32>} : memref<1000x128xf32, #tpu.memory_space<vmem>>, vector<100x128xf32>,
    %slice3A_52 = vector.extract_strided_slice %dot_general3A_49 {offsets = [0, 128], sizes = [100, 128], strides = [1, 1]} : vector<100x1280xf32> to vector<100x128xf32>
    %swap3A_53 = arith.constant 100 : index
    %swap3A_54 = arith.constant 0 : index
    %swap3A_55 = vector.load %arg3[%swap3A_53, %swap3A_54] : memref<1000x128xf32, #tpu.memory_space<vmem>>, vector<100x128xf32>
    tpu.vector_store %arg3[%swap3A_53, %swap3A_54], %slice3A_52 {strides = array<i32>} : memref<1000x128xf32, #tpu.memory_space<vmem>>, vector<100x128xf32>,
    %slice3A_56 = vector.extract_strided_slice %dot_general3A_49 {offsets = [0, 256], sizes = [100, 128], strides = [1, 1]} : vector<100x1280xf32> to vector<100x128xf32>
    %swap3A_57 = arith.constant 200 : index
    %swap3A_58 = arith.constant 0 : index
    %swap3A_59 = vector.load %arg3[%swap3A_57, %swap3A_58] : memref<1000x128xf32, #tpu.memory_space<vmem>>, vector<100x128xf32>
    tpu.vector_store %arg3[%swap3A_57, %swap3A_58], %slice3A_56 {strides = array<i32>} : memref<1000x128xf32, #tpu.memory_space<vmem>>, vector<100x128xf32>,
    %slice3A_60 = vector.extract_strided_slice %dot_general3A_49 {offsets = [0, 384], sizes = [100, 128], strides = [1, 1]} : vector<100x1280xf32> to vector<100x128xf32>
    %swap3A_61 = arith.constant 300 : index
    %swap3A_62 = arith.constant 0 : index
    %swap3A_63 = vector.load %arg3[%swap3A_61, %swap3A_62] : memref<1000x128xf32, #tpu.memory_space<vmem>>, vector<100x128xf32>
    tpu.vector_store %arg3[%swap3A_61, %swap3A_62], %slice3A_60 {strides = array<i32>} : memref<1000x128xf32, #tpu.memory_space<vmem>>, vector<100x128xf32>,
    %slice3A_64 = vector.extract_strided_slice %dot_general3A_49 {offsets = [0, 512], sizes = [100, 128], strides = [1, 1]} : vector<100x1280xf32> to vector<100x128xf32>
    %swap3A_65 = arith.constant 400 : index
    %swap3A_66 = arith.constant 0 : index
    %swap3A_67 = vector.load %arg3[%swap3A_65, %swap3A_66] : memref<1000x128xf32, #tpu.memory_space<vmem>>, vector<100x128xf32>
    tpu.vector_store %arg3[%swap3A_65, %swap3A_66], %slice3A_64 {strides = array<i32>} : memref<1000x128xf32, #tpu.memory_space<vmem>>, vector<100x128xf32>,
    %slice3A_68 = vector.extract_strided_slice %dot_general3A_49 {offsets = [0, 640], sizes = [100, 128], strides = [1, 1]} : vector<100x1280xf32> to vector<100x128xf32>
    %swap3A_69 = arith.constant 500 : index
    %swap3A_70 = arith.constant 0 : index
    %swap3A_71 = vector.load %arg3[%swap3A_69, %swap3A_70] : memref<1000x128xf32, #tpu.memory_space<vmem>>, vector<100x128xf32>
    tpu.vector_store %arg3[%swap3A_69, %swap3A_70], %slice3A_68 {strides = array<i32>} : memref<1000x128xf32, #tpu.memory_space<vmem>>, vector<100x128xf32>,
    %slice3A_72 = vector.extract_strided_slice %dot_general3A_49 {offsets = [0, 768], sizes = [100, 128], strides = [1, 1]} : vector<100x1280xf32> to vector<100x128xf32>
    %swap3A_73 = arith.constant 600 : index
    %swap3A_74 = arith.constant 0 : index
    %swap3A_75 = vector.load %arg3[%swap3A_73, %swap3A_74] : memref<1000x128xf32, #tpu.memory_space<vmem>>, vector<100x128xf32>
    tpu.vector_store %arg3[%swap3A_73, %swap3A_74], %slice3A_72 {strides = array<i32>} : memref<1000x128xf32, #tpu.memory_space<vmem>>, vector<100x128xf32>,
    %slice3A_76 = vector.extract_strided_slice %dot_general3A_49 {offsets = [0, 896], sizes = [100, 128], strides = [1, 1]} : vector<100x1280xf32> to vector<100x128xf32>
    %swap3A_77 = arith.constant 700 : index
    %swap3A_78 = arith.constant 0 : index
    %swap3A_79 = vector.load %arg3[%swap3A_77, %swap3A_78] : memref<1000x128xf32, #tpu.memory_space<vmem>>, vector<100x128xf32>
    tpu.vector_store %arg3[%swap3A_77, %swap3A_78], %slice3A_76 {strides = array<i32>} : memref<1000x128xf32, #tpu.memory_space<vmem>>, vector<100x128xf32>,
    %slice3A_80 = vector.extract_strided_slice %dot_general3A_49 {offsets = [0, 1024], sizes = [100, 128], strides = [1, 1]} : vector<100x1280xf32> to vector<100x128xf32>
    %swap3A_81 = arith.constant 800 : index
    %swap3A_82 = arith.constant 0 : index
    %swap3A_83 = vector.load %arg3[%swap3A_81, %swap3A_82] : memref<1000x128xf32, #tpu.memory_space<vmem>>, vector<100x128xf32>
    tpu.vector_store %arg3[%swap3A_81, %swap3A_82], %slice3A_80 {strides = array<i32>} : memref<1000x128xf32, #tpu.memory_space<vmem>>, vector<100x128xf32>,
    %slice3A_84 = vector.extract_strided_slice %dot_general3A_49 {offsets = [0, 1152], sizes = [100, 128], strides = [1, 1]} : vector<100x1280xf32> to vector<100x128xf32>
    %swap3A_85 = arith.constant 900 : index
    %swap3A_86 = arith.constant 0 : index
    %swap3A_87 = vector.load %arg3[%swap3A_85, %swap3A_86] : memref<1000x128xf32, #tpu.memory_space<vmem>>, vector<100x128xf32>
    tpu.vector_store %arg3[%swap3A_85, %swap3A_86], %slice3A_84 {strides = array<i32>} : memref<1000x128xf32, #tpu.memory_space<vmem>>, vector<100x128xf32>,
    return
  }
  func.func @transform_0(%arg0: i32) -> (i32, i32) {
    %c0_i32 = arith.constant 0 : i32
    %c0_i32_0 = arith.constant 0 : i32
    %c0_i32_1 = arith.constant 0 : i32
    return %c0_i32, %c0_i32_0 : i32, i32
  }
  func.func @transform_1(%arg0: i32) -> (i32, i32) {
    %c0_i32 = arith.constant 0 : i32
    %c0_i32_0 = arith.constant 0 : i32
    return %c0_i32, %arg0 : i32, i32
  }
  func.func @transform_2(%arg0: i32) -> (i32, i32) {
    %c0_i32 = arith.constant 0 : i32
    %c0_i32_0 = arith.constant 0 : i32
    return %arg0, %c0_i32 : i32, i32
  }
}

module attributes {stable_mosaic.version = 14 : i64} {
  func.func @_contract_body(%arg0: i32, %arg1: memref<1x1x3200xi32, #tpu.memory_space<vmem>>, %arg2: memref<3200x128xf32, #tpu.memory_space<vmem>>, %arg3: memref<64x128xf32, #tpu.memory_space<vmem>>, %arg4: memref<800x128xf32, #tpu.memory_space<vmem>>) attributes {dimension_semantics = [#tpu.dimension_semantics<parallel>], iteration_bounds = array<i64: 64>, scalar_prefetch = 0 : i64, scratch_operands = 0 : i64, tpu.core_type = #tpu.core_type<tc>, window_params = [{transform_indices = @transform_0, window_bounds = array<i64: 1, 1, 3200>}, {transform_indices = @transform_1, window_bounds = array<i64: 3200, 128>}, {pipeline_mode = #tpu.pipeline_mode<synchronous>, transform_indices = @transform_2, window_bounds = array<i64: 64, 128>}, {transform_indices = @transform_3, window_bounds = array<i64: 800, 128>}]} {
    %get3A = arith.constant 0 : index
    %get3A_0 = arith.constant 0 : index
    %get3A_1 = arith.constant 0 : index
    %get3A_2 = vector.load %arg1[%get3A, %get3A_0, %get3A_1] : memref<1x1x3200xi32, #tpu.memory_space<vmem>>, vector<1x1x3200xi32>
    %get3A_3 = vector.shape_cast %get3A_2 : vector<1x1x3200xi32> to vector<1x3200xi32>
    %jit3A = arith.constant 10000 : i32
    %div3A = vector.broadcast %jit3A : i32 to vector<1x3200xi32>
    %div3A_4 = arith.divsi %get3A_3, %div3A : vector<1x3200xi32>
    %sign3A = arith.constant 0 : i32
    %sign3A_5 = vector.broadcast %sign3A : i32 to vector<1x3200xi32>
    %sign3A_6 = arith.cmpi sgt, %get3A_3, %sign3A_5 : vector<1x3200xi32>
    %sign3A_7 = arith.extui %sign3A_6 : vector<1x3200xi1> to vector<1x3200xi32>
    %sign3A_8 = arith.constant 0 : i32
    %sign3A_9 = vector.broadcast %sign3A_8 : i32 to vector<1x3200xi32>
    %sign3A_10 = arith.cmpi slt, %get3A_3, %sign3A_9 : vector<1x3200xi32>
    %sign3A_11 = arith.extui %sign3A_10 : vector<1x3200xi1> to vector<1x3200xi32>
    %sign3A_12 = arith.subi %sign3A_7, %sign3A_11 : vector<1x3200xi32>
    %sign3A_13 = arith.constant 0 : i32
    %sign3A_14 = arith.cmpi sgt, %jit3A, %sign3A_13 : i32
    %sign3A_15 = arith.extui %sign3A_14 : i1 to i32
    %sign3A_16 = arith.constant 0 : i32
    %sign3A_17 = arith.cmpi slt, %jit3A, %sign3A_16 : i32
    %sign3A_18 = arith.extui %sign3A_17 : i1 to i32
    %sign3A_19 = arith.subi %sign3A_15, %sign3A_18 : i32
    %ne3A = vector.broadcast %sign3A_19 : i32 to vector<1x3200xi32>
    %ne3A_20 = arith.cmpi ne, %sign3A_12, %ne3A : vector<1x3200xi32>
    %rem3A = vector.broadcast %jit3A : i32 to vector<1x3200xi32>
    %rem3A_21 = arith.remsi %get3A_3, %rem3A : vector<1x3200xi32>
    %ne3A_22 = arith.constant 0 : i32
    %ne3A_23 = vector.broadcast %ne3A_22 : i32 to vector<1x3200xi32>
    %ne3A_24 = arith.cmpi ne, %rem3A_21, %ne3A_23 : vector<1x3200xi32>
    %and3A = arith.andi %ne3A_20, %ne3A_24 : vector<1x3200xi1>
    %sub3A = arith.constant 1 : i32
    %sub3A_25 = vector.broadcast %sub3A : i32 to vector<1x3200xi32>
    %sub3A_26 = arith.subi %div3A_4, %sub3A_25 : vector<1x3200xi32>
    %select_n3A = arith.select %and3A, %sub3A_26, %div3A_4 : vector<1x3200xi1>, vector<1x3200xi32>
    %iota3A = tpu.iota {dimensions = array<i32: 0>} : vector<128x3200xi32>
    %eq3A = vector.broadcast %select_n3A : vector<1x3200xi32> to vector<128x3200xi32>
    %eq3A_27 = arith.cmpi eq, %iota3A, %eq3A : vector<128x3200xi32>
    %convert_element_type3A = arith.extui %eq3A_27 : vector<128x3200xi1> to vector<128x3200xi32>
    %convert_element_type3A_28 = arith.sitofp %convert_element_type3A : vector<128x3200xi32> to vector<128x3200xf32>
    %get3A_29 = arith.constant 0 : index
    %get3A_30 = arith.constant 0 : index
    %get3A_31 = vector.load %arg3[%get3A_29, %get3A_30] : memref<64x128xf32, #tpu.memory_space<vmem>>, vector<64x128xf32>
    %dot_general3A = arith.constant dense<0.000000e+00> : vector<64x3200xf32>
    %dot_general3A_32 = tpu.matmul %get3A_31, %convert_element_type3A_28, %dot_general3A {dimension_numbers = #tpu.dot_dimension_numbers<[1], [0], [0], [1], [0, 0, 1, 1], [], []>, transpose_lhs_hint = false} : vector<64x128xf32>, vector<128x3200xf32>, vector<64x3200xf32> -> vector<64x3200xf32>
    %get3A_33 = arith.constant 0 : index
    %get3A_34 = arith.constant 0 : index
    %get3A_35 = vector.load %arg2[%get3A_33, %get3A_34] : memref<3200x128xf32, #tpu.memory_space<vmem>>, vector<3200x128xf32>
    %transpose3A = tpu.transpose %get3A_35, [1, 0] : vector<3200x128xf32> -> vector<128x3200xf32>
    %slice3A = vector.extract_strided_slice %dot_general3A_32 {offsets = [0, 0], sizes = [64, 800], strides = [1, 1]} : vector<64x3200xf32> to vector<64x800xf32>
    %slice3A_36 = vector.extract_strided_slice %transpose3A {offsets = [0, 0], sizes = [128, 800], strides = [1, 1]} : vector<128x3200xf32> to vector<128x800xf32>
    %slice3A_37 = vector.extract_strided_slice %slice3A {offsets = [0, 0], sizes = [1, 800], strides = [1, 1]} : vector<64x800xf32> to vector<1x800xf32>
    %slice3A_38 = vector.extract_strided_slice %slice3A_36 {offsets = [0, 0], sizes = [8, 800], strides = [1, 1]} : vector<128x800xf32> to vector<8x800xf32>
    %mul3A = vector.broadcast %slice3A_37 : vector<1x800xf32> to vector<8x800xf32>
    %mul3A_39 = arith.mulf %mul3A, %slice3A_38 : vector<8x800xf32>
    %slice3A_40 = vector.extract_strided_slice %slice3A {offsets = [1, 0], sizes = [1, 800], strides = [1, 1]} : vector<64x800xf32> to vector<1x800xf32>
    %slice3A_41 = vector.extract_strided_slice %slice3A_36 {offsets = [8, 0], sizes = [8, 800], strides = [1, 1]} : vector<128x800xf32> to vector<8x800xf32>
    %mul3A_42 = vector.broadcast %slice3A_40 : vector<1x800xf32> to vector<8x800xf32>
    %mul3A_43 = arith.mulf %mul3A_42, %slice3A_41 : vector<8x800xf32>
    %add3A = arith.addf %mul3A_39, %mul3A_43 : vector<8x800xf32>
    %slice3A_44 = vector.extract_strided_slice %slice3A {offsets = [2, 0], sizes = [1, 800], strides = [1, 1]} : vector<64x800xf32> to vector<1x800xf32>
    %slice3A_45 = vector.extract_strided_slice %slice3A_36 {offsets = [16, 0], sizes = [8, 800], strides = [1, 1]} : vector<128x800xf32> to vector<8x800xf32>
    %mul3A_46 = vector.broadcast %slice3A_44 : vector<1x800xf32> to vector<8x800xf32>
    %mul3A_47 = arith.mulf %mul3A_46, %slice3A_45 : vector<8x800xf32>
    %add3A_48 = arith.addf %add3A, %mul3A_47 : vector<8x800xf32>
    %slice3A_49 = vector.extract_strided_slice %slice3A {offsets = [3, 0], sizes = [1, 800], strides = [1, 1]} : vector<64x800xf32> to vector<1x800xf32>
    %slice3A_50 = vector.extract_strided_slice %slice3A_36 {offsets = [24, 0], sizes = [8, 800], strides = [1, 1]} : vector<128x800xf32> to vector<8x800xf32>
    %mul3A_51 = vector.broadcast %slice3A_49 : vector<1x800xf32> to vector<8x800xf32>
    %mul3A_52 = arith.mulf %mul3A_51, %slice3A_50 : vector<8x800xf32>
    %add3A_53 = arith.addf %add3A_48, %mul3A_52 : vector<8x800xf32>
    %slice3A_54 = vector.extract_strided_slice %slice3A {offsets = [4, 0], sizes = [1, 800], strides = [1, 1]} : vector<64x800xf32> to vector<1x800xf32>
    %slice3A_55 = vector.extract_strided_slice %slice3A_36 {offsets = [32, 0], sizes = [8, 800], strides = [1, 1]} : vector<128x800xf32> to vector<8x800xf32>
    %mul3A_56 = vector.broadcast %slice3A_54 : vector<1x800xf32> to vector<8x800xf32>
    %mul3A_57 = arith.mulf %mul3A_56, %slice3A_55 : vector<8x800xf32>
    %add3A_58 = arith.addf %add3A_53, %mul3A_57 : vector<8x800xf32>
    %slice3A_59 = vector.extract_strided_slice %slice3A {offsets = [5, 0], sizes = [1, 800], strides = [1, 1]} : vector<64x800xf32> to vector<1x800xf32>
    %slice3A_60 = vector.extract_strided_slice %slice3A_36 {offsets = [40, 0], sizes = [8, 800], strides = [1, 1]} : vector<128x800xf32> to vector<8x800xf32>
    %mul3A_61 = vector.broadcast %slice3A_59 : vector<1x800xf32> to vector<8x800xf32>
    %mul3A_62 = arith.mulf %mul3A_61, %slice3A_60 : vector<8x800xf32>
    %add3A_63 = arith.addf %add3A_58, %mul3A_62 : vector<8x800xf32>
    %slice3A_64 = vector.extract_strided_slice %slice3A {offsets = [6, 0], sizes = [1, 800], strides = [1, 1]} : vector<64x800xf32> to vector<1x800xf32>
    %slice3A_65 = vector.extract_strided_slice %slice3A_36 {offsets = [48, 0], sizes = [8, 800], strides = [1, 1]} : vector<128x800xf32> to vector<8x800xf32>
    %mul3A_66 = vector.broadcast %slice3A_64 : vector<1x800xf32> to vector<8x800xf32>
    %mul3A_67 = arith.mulf %mul3A_66, %slice3A_65 : vector<8x800xf32>
    %add3A_68 = arith.addf %add3A_63, %mul3A_67 : vector<8x800xf32>
    %slice3A_69 = vector.extract_strided_slice %slice3A {offsets = [7, 0], sizes = [1, 800], strides = [1, 1]} : vector<64x800xf32> to vector<1x800xf32>
    %slice3A_70 = vector.extract_strided_slice %slice3A_36 {offsets = [56, 0], sizes = [8, 800], strides = [1, 1]} : vector<128x800xf32> to vector<8x800xf32>
    %mul3A_71 = vector.broadcast %slice3A_69 : vector<1x800xf32> to vector<8x800xf32>
    %mul3A_72 = arith.mulf %mul3A_71, %slice3A_70 : vector<8x800xf32>
    %add3A_73 = arith.addf %add3A_68, %mul3A_72 : vector<8x800xf32>
    %slice3A_74 = vector.extract_strided_slice %slice3A {offsets = [8, 0], sizes = [1, 800], strides = [1, 1]} : vector<64x800xf32> to vector<1x800xf32>
    %slice3A_75 = vector.extract_strided_slice %slice3A_36 {offsets = [64, 0], sizes = [8, 800], strides = [1, 1]} : vector<128x800xf32> to vector<8x800xf32>
    %mul3A_76 = vector.broadcast %slice3A_74 : vector<1x800xf32> to vector<8x800xf32>
    %mul3A_77 = arith.mulf %mul3A_76, %slice3A_75 : vector<8x800xf32>
    %add3A_78 = arith.addf %add3A_73, %mul3A_77 : vector<8x800xf32>
    %slice3A_79 = vector.extract_strided_slice %slice3A {offsets = [9, 0], sizes = [1, 800], strides = [1, 1]} : vector<64x800xf32> to vector<1x800xf32>
    %slice3A_80 = vector.extract_strided_slice %slice3A_36 {offsets = [72, 0], sizes = [8, 800], strides = [1, 1]} : vector<128x800xf32> to vector<8x800xf32>
    %mul3A_81 = vector.broadcast %slice3A_79 : vector<1x800xf32> to vector<8x800xf32>
    %mul3A_82 = arith.mulf %mul3A_81, %slice3A_80 : vector<8x800xf32>
    %add3A_83 = arith.addf %add3A_78, %mul3A_82 : vector<8x800xf32>
    %slice3A_84 = vector.extract_strided_slice %slice3A {offsets = [10, 0], sizes = [1, 800], strides = [1, 1]} : vector<64x800xf32> to vector<1x800xf32>
    %slice3A_85 = vector.extract_strided_slice %slice3A_36 {offsets = [80, 0], sizes = [8, 800], strides = [1, 1]} : vector<128x800xf32> to vector<8x800xf32>
    %mul3A_86 = vector.broadcast %slice3A_84 : vector<1x800xf32> to vector<8x800xf32>
    %mul3A_87 = arith.mulf %mul3A_86, %slice3A_85 : vector<8x800xf32>
    %add3A_88 = arith.addf %add3A_83, %mul3A_87 : vector<8x800xf32>
    %slice3A_89 = vector.extract_strided_slice %slice3A {offsets = [11, 0], sizes = [1, 800], strides = [1, 1]} : vector<64x800xf32> to vector<1x800xf32>
    %slice3A_90 = vector.extract_strided_slice %slice3A_36 {offsets = [88, 0], sizes = [8, 800], strides = [1, 1]} : vector<128x800xf32> to vector<8x800xf32>
    %mul3A_91 = vector.broadcast %slice3A_89 : vector<1x800xf32> to vector<8x800xf32>
    %mul3A_92 = arith.mulf %mul3A_91, %slice3A_90 : vector<8x800xf32>
    %add3A_93 = arith.addf %add3A_88, %mul3A_92 : vector<8x800xf32>
    %slice3A_94 = vector.extract_strided_slice %slice3A {offsets = [12, 0], sizes = [1, 800], strides = [1, 1]} : vector<64x800xf32> to vector<1x800xf32>
    %slice3A_95 = vector.extract_strided_slice %slice3A_36 {offsets = [96, 0], sizes = [8, 800], strides = [1, 1]} : vector<128x800xf32> to vector<8x800xf32>
    %mul3A_96 = vector.broadcast %slice3A_94 : vector<1x800xf32> to vector<8x800xf32>
    %mul3A_97 = arith.mulf %mul3A_96, %slice3A_95 : vector<8x800xf32>
    %add3A_98 = arith.addf %add3A_93, %mul3A_97 : vector<8x800xf32>
    %slice3A_99 = vector.extract_strided_slice %slice3A {offsets = [13, 0], sizes = [1, 800], strides = [1, 1]} : vector<64x800xf32> to vector<1x800xf32>
    %slice3A_100 = vector.extract_strided_slice %slice3A_36 {offsets = [104, 0], sizes = [8, 800], strides = [1, 1]} : vector<128x800xf32> to vector<8x800xf32>
    %mul3A_101 = vector.broadcast %slice3A_99 : vector<1x800xf32> to vector<8x800xf32>
    %mul3A_102 = arith.mulf %mul3A_101, %slice3A_100 : vector<8x800xf32>
    %add3A_103 = arith.addf %add3A_98, %mul3A_102 : vector<8x800xf32>
    %slice3A_104 = vector.extract_strided_slice %slice3A {offsets = [14, 0], sizes = [1, 800], strides = [1, 1]} : vector<64x800xf32> to vector<1x800xf32>
    %slice3A_105 = vector.extract_strided_slice %slice3A_36 {offsets = [112, 0], sizes = [8, 800], strides = [1, 1]} : vector<128x800xf32> to vector<8x800xf32>
    %mul3A_106 = vector.broadcast %slice3A_104 : vector<1x800xf32> to vector<8x800xf32>
    %mul3A_107 = arith.mulf %mul3A_106, %slice3A_105 : vector<8x800xf32>
    %add3A_108 = arith.addf %add3A_103, %mul3A_107 : vector<8x800xf32>
    %slice3A_109 = vector.extract_strided_slice %slice3A {offsets = [15, 0], sizes = [1, 800], strides = [1, 1]} : vector<64x800xf32> to vector<1x800xf32>
    %slice3A_110 = vector.extract_strided_slice %slice3A_36 {offsets = [120, 0], sizes = [8, 800], strides = [1, 1]} : vector<128x800xf32> to vector<8x800xf32>
    %mul3A_111 = vector.broadcast %slice3A_109 : vector<1x800xf32> to vector<8x800xf32>
    %mul3A_112 = arith.mulf %mul3A_111, %slice3A_110 : vector<8x800xf32>
    %add3A_113 = arith.addf %add3A_108, %mul3A_112 : vector<8x800xf32>
    %slice3A_114 = vector.extract_strided_slice %slice3A {offsets = [16, 0], sizes = [1, 800], strides = [1, 1]} : vector<64x800xf32> to vector<1x800xf32>
    %slice3A_115 = vector.extract_strided_slice %slice3A_36 {offsets = [0, 0], sizes = [8, 800], strides = [1, 1]} : vector<128x800xf32> to vector<8x800xf32>
    %mul3A_116 = vector.broadcast %slice3A_114 : vector<1x800xf32> to vector<8x800xf32>
    %mul3A_117 = arith.mulf %mul3A_116, %slice3A_115 : vector<8x800xf32>
    %slice3A_118 = vector.extract_strided_slice %slice3A {offsets = [17, 0], sizes = [1, 800], strides = [1, 1]} : vector<64x800xf32> to vector<1x800xf32>
    %slice3A_119 = vector.extract_strided_slice %slice3A_36 {offsets = [8, 0], sizes = [8, 800], strides = [1, 1]} : vector<128x800xf32> to vector<8x800xf32>
    %mul3A_120 = vector.broadcast %slice3A_118 : vector<1x800xf32> to vector<8x800xf32>
    %mul3A_121 = arith.mulf %mul3A_120, %slice3A_119 : vector<8x800xf32>
    %add3A_122 = arith.addf %mul3A_117, %mul3A_121 : vector<8x800xf32>
    %slice3A_123 = vector.extract_strided_slice %slice3A {offsets = [18, 0], sizes = [1, 800], strides = [1, 1]} : vector<64x800xf32> to vector<1x800xf32>
    %slice3A_124 = vector.extract_strided_slice %slice3A_36 {offsets = [16, 0], sizes = [8, 800], strides = [1, 1]} : vector<128x800xf32> to vector<8x800xf32>
    %mul3A_125 = vector.broadcast %slice3A_123 : vector<1x800xf32> to vector<8x800xf32>
    %mul3A_126 = arith.mulf %mul3A_125, %slice3A_124 : vector<8x800xf32>
    %add3A_127 = arith.addf %add3A_122, %mul3A_126 : vector<8x800xf32>
    %slice3A_128 = vector.extract_strided_slice %slice3A {offsets = [19, 0], sizes = [1, 800], strides = [1, 1]} : vector<64x800xf32> to vector<1x800xf32>
    %slice3A_129 = vector.extract_strided_slice %slice3A_36 {offsets = [24, 0], sizes = [8, 800], strides = [1, 1]} : vector<128x800xf32> to vector<8x800xf32>
    %mul3A_130 = vector.broadcast %slice3A_128 : vector<1x800xf32> to vector<8x800xf32>
    %mul3A_131 = arith.mulf %mul3A_130, %slice3A_129 : vector<8x800xf32>
    %add3A_132 = arith.addf %add3A_127, %mul3A_131 : vector<8x800xf32>
    %slice3A_133 = vector.extract_strided_slice %slice3A {offsets = [20, 0], sizes = [1, 800], strides = [1, 1]} : vector<64x800xf32> to vector<1x800xf32>
    %slice3A_134 = vector.extract_strided_slice %slice3A_36 {offsets = [32, 0], sizes = [8, 800], strides = [1, 1]} : vector<128x800xf32> to vector<8x800xf32>
    %mul3A_135 = vector.broadcast %slice3A_133 : vector<1x800xf32> to vector<8x800xf32>
    %mul3A_136 = arith.mulf %mul3A_135, %slice3A_134 : vector<8x800xf32>
    %add3A_137 = arith.addf %add3A_132, %mul3A_136 : vector<8x800xf32>
    %slice3A_138 = vector.extract_strided_slice %slice3A {offsets = [21, 0], sizes = [1, 800], strides = [1, 1]} : vector<64x800xf32> to vector<1x800xf32>
    %slice3A_139 = vector.extract_strided_slice %slice3A_36 {offsets = [40, 0], sizes = [8, 800], strides = [1, 1]} : vector<128x800xf32> to vector<8x800xf32>
    %mul3A_140 = vector.broadcast %slice3A_138 : vector<1x800xf32> to vector<8x800xf32>
    %mul3A_141 = arith.mulf %mul3A_140, %slice3A_139 : vector<8x800xf32>
    %add3A_142 = arith.addf %add3A_137, %mul3A_141 : vector<8x800xf32>
    %slice3A_143 = vector.extract_strided_slice %slice3A {offsets = [22, 0], sizes = [1, 800], strides = [1, 1]} : vector<64x800xf32> to vector<1x800xf32>
    %slice3A_144 = vector.extract_strided_slice %slice3A_36 {offsets = [48, 0], sizes = [8, 800], strides = [1, 1]} : vector<128x800xf32> to vector<8x800xf32>
    %mul3A_145 = vector.broadcast %slice3A_143 : vector<1x800xf32> to vector<8x800xf32>
    %mul3A_146 = arith.mulf %mul3A_145, %slice3A_144 : vector<8x800xf32>
    %add3A_147 = arith.addf %add3A_142, %mul3A_146 : vector<8x800xf32>
    %slice3A_148 = vector.extract_strided_slice %slice3A {offsets = [23, 0], sizes = [1, 800], strides = [1, 1]} : vector<64x800xf32> to vector<1x800xf32>
    %slice3A_149 = vector.extract_strided_slice %slice3A_36 {offsets = [56, 0], sizes = [8, 800], strides = [1, 1]} : vector<128x800xf32> to vector<8x800xf32>
    %mul3A_150 = vector.broadcast %slice3A_148 : vector<1x800xf32> to vector<8x800xf32>
    %mul3A_151 = arith.mulf %mul3A_150, %slice3A_149 : vector<8x800xf32>
    %add3A_152 = arith.addf %add3A_147, %mul3A_151 : vector<8x800xf32>
    %slice3A_153 = vector.extract_strided_slice %slice3A {offsets = [24, 0], sizes = [1, 800], strides = [1, 1]} : vector<64x800xf32> to vector<1x800xf32>
    %slice3A_154 = vector.extract_strided_slice %slice3A_36 {offsets = [64, 0], sizes = [8, 800], strides = [1, 1]} : vector<128x800xf32> to vector<8x800xf32>
    %mul3A_155 = vector.broadcast %slice3A_153 : vector<1x800xf32> to vector<8x800xf32>
    %mul3A_156 = arith.mulf %mul3A_155, %slice3A_154 : vector<8x800xf32>
    %add3A_157 = arith.addf %add3A_152, %mul3A_156 : vector<8x800xf32>
    %slice3A_158 = vector.extract_strided_slice %slice3A {offsets = [25, 0], sizes = [1, 800], strides = [1, 1]} : vector<64x800xf32> to vector<1x800xf32>
    %slice3A_159 = vector.extract_strided_slice %slice3A_36 {offsets = [72, 0], sizes = [8, 800], strides = [1, 1]} : vector<128x800xf32> to vector<8x800xf32>
    %mul3A_160 = vector.broadcast %slice3A_158 : vector<1x800xf32> to vector<8x800xf32>
    %mul3A_161 = arith.mulf %mul3A_160, %slice3A_159 : vector<8x800xf32>
    %add3A_162 = arith.addf %add3A_157, %mul3A_161 : vector<8x800xf32>
    %slice3A_163 = vector.extract_strided_slice %slice3A {offsets = [26, 0], sizes = [1, 800], strides = [1, 1]} : vector<64x800xf32> to vector<1x800xf32>
    %slice3A_164 = vector.extract_strided_slice %slice3A_36 {offsets = [80, 0], sizes = [8, 800], strides = [1, 1]} : vector<128x800xf32> to vector<8x800xf32>
    %mul3A_165 = vector.broadcast %slice3A_163 : vector<1x800xf32> to vector<8x800xf32>
    %mul3A_166 = arith.mulf %mul3A_165, %slice3A_164 : vector<8x800xf32>
    %add3A_167 = arith.addf %add3A_162, %mul3A_166 : vector<8x800xf32>
    %slice3A_168 = vector.extract_strided_slice %slice3A {offsets = [27, 0], sizes = [1, 800], strides = [1, 1]} : vector<64x800xf32> to vector<1x800xf32>
    %slice3A_169 = vector.extract_strided_slice %slice3A_36 {offsets = [88, 0], sizes = [8, 800], strides = [1, 1]} : vector<128x800xf32> to vector<8x800xf32>
    %mul3A_170 = vector.broadcast %slice3A_168 : vector<1x800xf32> to vector<8x800xf32>
    %mul3A_171 = arith.mulf %mul3A_170, %slice3A_169 : vector<8x800xf32>
    %add3A_172 = arith.addf %add3A_167, %mul3A_171 : vector<8x800xf32>
    %slice3A_173 = vector.extract_strided_slice %slice3A {offsets = [28, 0], sizes = [1, 800], strides = [1, 1]} : vector<64x800xf32> to vector<1x800xf32>
    %slice3A_174 = vector.extract_strided_slice %slice3A_36 {offsets = [96, 0], sizes = [8, 800], strides = [1, 1]} : vector<128x800xf32> to vector<8x800xf32>
    %mul3A_175 = vector.broadcast %slice3A_173 : vector<1x800xf32> to vector<8x800xf32>
    %mul3A_176 = arith.mulf %mul3A_175, %slice3A_174 : vector<8x800xf32>
    %add3A_177 = arith.addf %add3A_172, %mul3A_176 : vector<8x800xf32>
    %slice3A_178 = vector.extract_strided_slice %slice3A {offsets = [29, 0], sizes = [1, 800], strides = [1, 1]} : vector<64x800xf32> to vector<1x800xf32>
    %slice3A_179 = vector.extract_strided_slice %slice3A_36 {offsets = [104, 0], sizes = [8, 800], strides = [1, 1]} : vector<128x800xf32> to vector<8x800xf32>
    %mul3A_180 = vector.broadcast %slice3A_178 : vector<1x800xf32> to vector<8x800xf32>
    %mul3A_181 = arith.mulf %mul3A_180, %slice3A_179 : vector<8x800xf32>
    %add3A_182 = arith.addf %add3A_177, %mul3A_181 : vector<8x800xf32>
    %slice3A_183 = vector.extract_strided_slice %slice3A {offsets = [30, 0], sizes = [1, 800], strides = [1, 1]} : vector<64x800xf32> to vector<1x800xf32>
    %slice3A_184 = vector.extract_strided_slice %slice3A_36 {offsets = [112, 0], sizes = [8, 800], strides = [1, 1]} : vector<128x800xf32> to vector<8x800xf32>
    %mul3A_185 = vector.broadcast %slice3A_183 : vector<1x800xf32> to vector<8x800xf32>
    %mul3A_186 = arith.mulf %mul3A_185, %slice3A_184 : vector<8x800xf32>
    %add3A_187 = arith.addf %add3A_182, %mul3A_186 : vector<8x800xf32>
    %slice3A_188 = vector.extract_strided_slice %slice3A {offsets = [31, 0], sizes = [1, 800], strides = [1, 1]} : vector<64x800xf32> to vector<1x800xf32>
    %slice3A_189 = vector.extract_strided_slice %slice3A_36 {offsets = [120, 0], sizes = [8, 800], strides = [1, 1]} : vector<128x800xf32> to vector<8x800xf32>
    %mul3A_190 = vector.broadcast %slice3A_188 : vector<1x800xf32> to vector<8x800xf32>
    %mul3A_191 = arith.mulf %mul3A_190, %slice3A_189 : vector<8x800xf32>
    %add3A_192 = arith.addf %add3A_187, %mul3A_191 : vector<8x800xf32>
    %slice3A_193 = vector.extract_strided_slice %slice3A {offsets = [32, 0], sizes = [1, 800], strides = [1, 1]} : vector<64x800xf32> to vector<1x800xf32>
    %slice3A_194 = vector.extract_strided_slice %slice3A_36 {offsets = [0, 0], sizes = [8, 800], strides = [1, 1]} : vector<128x800xf32> to vector<8x800xf32>
    %mul3A_195 = vector.broadcast %slice3A_193 : vector<1x800xf32> to vector<8x800xf32>
    %mul3A_196 = arith.mulf %mul3A_195, %slice3A_194 : vector<8x800xf32>
    %slice3A_197 = vector.extract_strided_slice %slice3A {offsets = [33, 0], sizes = [1, 800], strides = [1, 1]} : vector<64x800xf32> to vector<1x800xf32>
    %slice3A_198 = vector.extract_strided_slice %slice3A_36 {offsets = [8, 0], sizes = [8, 800], strides = [1, 1]} : vector<128x800xf32> to vector<8x800xf32>
    %mul3A_199 = vector.broadcast %slice3A_197 : vector<1x800xf32> to vector<8x800xf32>
    %mul3A_200 = arith.mulf %mul3A_199, %slice3A_198 : vector<8x800xf32>
    %add3A_201 = arith.addf %mul3A_196, %mul3A_200 : vector<8x800xf32>
    %slice3A_202 = vector.extract_strided_slice %slice3A {offsets = [34, 0], sizes = [1, 800], strides = [1, 1]} : vector<64x800xf32> to vector<1x800xf32>
    %slice3A_203 = vector.extract_strided_slice %slice3A_36 {offsets = [16, 0], sizes = [8, 800], strides = [1, 1]} : vector<128x800xf32> to vector<8x800xf32>
    %mul3A_204 = vector.broadcast %slice3A_202 : vector<1x800xf32> to vector<8x800xf32>
    %mul3A_205 = arith.mulf %mul3A_204, %slice3A_203 : vector<8x800xf32>
    %add3A_206 = arith.addf %add3A_201, %mul3A_205 : vector<8x800xf32>
    %slice3A_207 = vector.extract_strided_slice %slice3A {offsets = [35, 0], sizes = [1, 800], strides = [1, 1]} : vector<64x800xf32> to vector<1x800xf32>
    %slice3A_208 = vector.extract_strided_slice %slice3A_36 {offsets = [24, 0], sizes = [8, 800], strides = [1, 1]} : vector<128x800xf32> to vector<8x800xf32>
    %mul3A_209 = vector.broadcast %slice3A_207 : vector<1x800xf32> to vector<8x800xf32>
    %mul3A_210 = arith.mulf %mul3A_209, %slice3A_208 : vector<8x800xf32>
    %add3A_211 = arith.addf %add3A_206, %mul3A_210 : vector<8x800xf32>
    %slice3A_212 = vector.extract_strided_slice %slice3A {offsets = [36, 0], sizes = [1, 800], strides = [1, 1]} : vector<64x800xf32> to vector<1x800xf32>
    %slice3A_213 = vector.extract_strided_slice %slice3A_36 {offsets = [32, 0], sizes = [8, 800], strides = [1, 1]} : vector<128x800xf32> to vector<8x800xf32>
    %mul3A_214 = vector.broadcast %slice3A_212 : vector<1x800xf32> to vector<8x800xf32>
    %mul3A_215 = arith.mulf %mul3A_214, %slice3A_213 : vector<8x800xf32>
    %add3A_216 = arith.addf %add3A_211, %mul3A_215 : vector<8x800xf32>
    %slice3A_217 = vector.extract_strided_slice %slice3A {offsets = [37, 0], sizes = [1, 800], strides = [1, 1]} : vector<64x800xf32> to vector<1x800xf32>
    %slice3A_218 = vector.extract_strided_slice %slice3A_36 {offsets = [40, 0], sizes = [8, 800], strides = [1, 1]} : vector<128x800xf32> to vector<8x800xf32>
    %mul3A_219 = vector.broadcast %slice3A_217 : vector<1x800xf32> to vector<8x800xf32>
    %mul3A_220 = arith.mulf %mul3A_219, %slice3A_218 : vector<8x800xf32>
    %add3A_221 = arith.addf %add3A_216, %mul3A_220 : vector<8x800xf32>
    %slice3A_222 = vector.extract_strided_slice %slice3A {offsets = [38, 0], sizes = [1, 800], strides = [1, 1]} : vector<64x800xf32> to vector<1x800xf32>
    %slice3A_223 = vector.extract_strided_slice %slice3A_36 {offsets = [48, 0], sizes = [8, 800], strides = [1, 1]} : vector<128x800xf32> to vector<8x800xf32>
    %mul3A_224 = vector.broadcast %slice3A_222 : vector<1x800xf32> to vector<8x800xf32>
    %mul3A_225 = arith.mulf %mul3A_224, %slice3A_223 : vector<8x800xf32>
    %add3A_226 = arith.addf %add3A_221, %mul3A_225 : vector<8x800xf32>
    %slice3A_227 = vector.extract_strided_slice %slice3A {offsets = [39, 0], sizes = [1, 800], strides = [1, 1]} : vector<64x800xf32> to vector<1x800xf32>
    %slice3A_228 = vector.extract_strided_slice %slice3A_36 {offsets = [56, 0], sizes = [8, 800], strides = [1, 1]} : vector<128x800xf32> to vector<8x800xf32>
    %mul3A_229 = vector.broadcast %slice3A_227 : vector<1x800xf32> to vector<8x800xf32>
    %mul3A_230 = arith.mulf %mul3A_229, %slice3A_228 : vector<8x800xf32>
    %add3A_231 = arith.addf %add3A_226, %mul3A_230 : vector<8x800xf32>
    %slice3A_232 = vector.extract_strided_slice %slice3A {offsets = [40, 0], sizes = [1, 800], strides = [1, 1]} : vector<64x800xf32> to vector<1x800xf32>
    %slice3A_233 = vector.extract_strided_slice %slice3A_36 {offsets = [64, 0], sizes = [8, 800], strides = [1, 1]} : vector<128x800xf32> to vector<8x800xf32>
    %mul3A_234 = vector.broadcast %slice3A_232 : vector<1x800xf32> to vector<8x800xf32>
    %mul3A_235 = arith.mulf %mul3A_234, %slice3A_233 : vector<8x800xf32>
    %add3A_236 = arith.addf %add3A_231, %mul3A_235 : vector<8x800xf32>
    %slice3A_237 = vector.extract_strided_slice %slice3A {offsets = [41, 0], sizes = [1, 800], strides = [1, 1]} : vector<64x800xf32> to vector<1x800xf32>
    %slice3A_238 = vector.extract_strided_slice %slice3A_36 {offsets = [72, 0], sizes = [8, 800], strides = [1, 1]} : vector<128x800xf32> to vector<8x800xf32>
    %mul3A_239 = vector.broadcast %slice3A_237 : vector<1x800xf32> to vector<8x800xf32>
    %mul3A_240 = arith.mulf %mul3A_239, %slice3A_238 : vector<8x800xf32>
    %add3A_241 = arith.addf %add3A_236, %mul3A_240 : vector<8x800xf32>
    %slice3A_242 = vector.extract_strided_slice %slice3A {offsets = [42, 0], sizes = [1, 800], strides = [1, 1]} : vector<64x800xf32> to vector<1x800xf32>
    %slice3A_243 = vector.extract_strided_slice %slice3A_36 {offsets = [80, 0], sizes = [8, 800], strides = [1, 1]} : vector<128x800xf32> to vector<8x800xf32>
    %mul3A_244 = vector.broadcast %slice3A_242 : vector<1x800xf32> to vector<8x800xf32>
    %mul3A_245 = arith.mulf %mul3A_244, %slice3A_243 : vector<8x800xf32>
    %add3A_246 = arith.addf %add3A_241, %mul3A_245 : vector<8x800xf32>
    %slice3A_247 = vector.extract_strided_slice %slice3A {offsets = [43, 0], sizes = [1, 800], strides = [1, 1]} : vector<64x800xf32> to vector<1x800xf32>
    %slice3A_248 = vector.extract_strided_slice %slice3A_36 {offsets = [88, 0], sizes = [8, 800], strides = [1, 1]} : vector<128x800xf32> to vector<8x800xf32>
    %mul3A_249 = vector.broadcast %slice3A_247 : vector<1x800xf32> to vector<8x800xf32>
    %mul3A_250 = arith.mulf %mul3A_249, %slice3A_248 : vector<8x800xf32>
    %add3A_251 = arith.addf %add3A_246, %mul3A_250 : vector<8x800xf32>
    %slice3A_252 = vector.extract_strided_slice %slice3A {offsets = [44, 0], sizes = [1, 800], strides = [1, 1]} : vector<64x800xf32> to vector<1x800xf32>
    %slice3A_253 = vector.extract_strided_slice %slice3A_36 {offsets = [96, 0], sizes = [8, 800], strides = [1, 1]} : vector<128x800xf32> to vector<8x800xf32>
    %mul3A_254 = vector.broadcast %slice3A_252 : vector<1x800xf32> to vector<8x800xf32>
    %mul3A_255 = arith.mulf %mul3A_254, %slice3A_253 : vector<8x800xf32>
    %add3A_256 = arith.addf %add3A_251, %mul3A_255 : vector<8x800xf32>
    %slice3A_257 = vector.extract_strided_slice %slice3A {offsets = [45, 0], sizes = [1, 800], strides = [1, 1]} : vector<64x800xf32> to vector<1x800xf32>
    %slice3A_258 = vector.extract_strided_slice %slice3A_36 {offsets = [104, 0], sizes = [8, 800], strides = [1, 1]} : vector<128x800xf32> to vector<8x800xf32>
    %mul3A_259 = vector.broadcast %slice3A_257 : vector<1x800xf32> to vector<8x800xf32>
    %mul3A_260 = arith.mulf %mul3A_259, %slice3A_258 : vector<8x800xf32>
    %add3A_261 = arith.addf %add3A_256, %mul3A_260 : vector<8x800xf32>
    %slice3A_262 = vector.extract_strided_slice %slice3A {offsets = [46, 0], sizes = [1, 800], strides = [1, 1]} : vector<64x800xf32> to vector<1x800xf32>
    %slice3A_263 = vector.extract_strided_slice %slice3A_36 {offsets = [112, 0], sizes = [8, 800], strides = [1, 1]} : vector<128x800xf32> to vector<8x800xf32>
    %mul3A_264 = vector.broadcast %slice3A_262 : vector<1x800xf32> to vector<8x800xf32>
    %mul3A_265 = arith.mulf %mul3A_264, %slice3A_263 : vector<8x800xf32>
    %add3A_266 = arith.addf %add3A_261, %mul3A_265 : vector<8x800xf32>
    %slice3A_267 = vector.extract_strided_slice %slice3A {offsets = [47, 0], sizes = [1, 800], strides = [1, 1]} : vector<64x800xf32> to vector<1x800xf32>
    %slice3A_268 = vector.extract_strided_slice %slice3A_36 {offsets = [120, 0], sizes = [8, 800], strides = [1, 1]} : vector<128x800xf32> to vector<8x800xf32>
    %mul3A_269 = vector.broadcast %slice3A_267 : vector<1x800xf32> to vector<8x800xf32>
    %mul3A_270 = arith.mulf %mul3A_269, %slice3A_268 : vector<8x800xf32>
    %add3A_271 = arith.addf %add3A_266, %mul3A_270 : vector<8x800xf32>
    %slice3A_272 = vector.extract_strided_slice %slice3A {offsets = [48, 0], sizes = [1, 800], strides = [1, 1]} : vector<64x800xf32> to vector<1x800xf32>
    %slice3A_273 = vector.extract_strided_slice %slice3A_36 {offsets = [0, 0], sizes = [8, 800], strides = [1, 1]} : vector<128x800xf32> to vector<8x800xf32>
    %mul3A_274 = vector.broadcast %slice3A_272 : vector<1x800xf32> to vector<8x800xf32>
    %mul3A_275 = arith.mulf %mul3A_274, %slice3A_273 : vector<8x800xf32>
    %slice3A_276 = vector.extract_strided_slice %slice3A {offsets = [49, 0], sizes = [1, 800], strides = [1, 1]} : vector<64x800xf32> to vector<1x800xf32>
    %slice3A_277 = vector.extract_strided_slice %slice3A_36 {offsets = [8, 0], sizes = [8, 800], strides = [1, 1]} : vector<128x800xf32> to vector<8x800xf32>
    %mul3A_278 = vector.broadcast %slice3A_276 : vector<1x800xf32> to vector<8x800xf32>
    %mul3A_279 = arith.mulf %mul3A_278, %slice3A_277 : vector<8x800xf32>
    %add3A_280 = arith.addf %mul3A_275, %mul3A_279 : vector<8x800xf32>
    %slice3A_281 = vector.extract_strided_slice %slice3A {offsets = [50, 0], sizes = [1, 800], strides = [1, 1]} : vector<64x800xf32> to vector<1x800xf32>
    %slice3A_282 = vector.extract_strided_slice %slice3A_36 {offsets = [16, 0], sizes = [8, 800], strides = [1, 1]} : vector<128x800xf32> to vector<8x800xf32>
    %mul3A_283 = vector.broadcast %slice3A_281 : vector<1x800xf32> to vector<8x800xf32>
    %mul3A_284 = arith.mulf %mul3A_283, %slice3A_282 : vector<8x800xf32>
    %add3A_285 = arith.addf %add3A_280, %mul3A_284 : vector<8x800xf32>
    %slice3A_286 = vector.extract_strided_slice %slice3A {offsets = [51, 0], sizes = [1, 800], strides = [1, 1]} : vector<64x800xf32> to vector<1x800xf32>
    %slice3A_287 = vector.extract_strided_slice %slice3A_36 {offsets = [24, 0], sizes = [8, 800], strides = [1, 1]} : vector<128x800xf32> to vector<8x800xf32>
    %mul3A_288 = vector.broadcast %slice3A_286 : vector<1x800xf32> to vector<8x800xf32>
    %mul3A_289 = arith.mulf %mul3A_288, %slice3A_287 : vector<8x800xf32>
    %add3A_290 = arith.addf %add3A_285, %mul3A_289 : vector<8x800xf32>
    %slice3A_291 = vector.extract_strided_slice %slice3A {offsets = [52, 0], sizes = [1, 800], strides = [1, 1]} : vector<64x800xf32> to vector<1x800xf32>
    %slice3A_292 = vector.extract_strided_slice %slice3A_36 {offsets = [32, 0], sizes = [8, 800], strides = [1, 1]} : vector<128x800xf32> to vector<8x800xf32>
    %mul3A_293 = vector.broadcast %slice3A_291 : vector<1x800xf32> to vector<8x800xf32>
    %mul3A_294 = arith.mulf %mul3A_293, %slice3A_292 : vector<8x800xf32>
    %add3A_295 = arith.addf %add3A_290, %mul3A_294 : vector<8x800xf32>
    %slice3A_296 = vector.extract_strided_slice %slice3A {offsets = [53, 0], sizes = [1, 800], strides = [1, 1]} : vector<64x800xf32> to vector<1x800xf32>
    %slice3A_297 = vector.extract_strided_slice %slice3A_36 {offsets = [40, 0], sizes = [8, 800], strides = [1, 1]} : vector<128x800xf32> to vector<8x800xf32>
    %mul3A_298 = vector.broadcast %slice3A_296 : vector<1x800xf32> to vector<8x800xf32>
    %mul3A_299 = arith.mulf %mul3A_298, %slice3A_297 : vector<8x800xf32>
    %add3A_300 = arith.addf %add3A_295, %mul3A_299 : vector<8x800xf32>
    %slice3A_301 = vector.extract_strided_slice %slice3A {offsets = [54, 0], sizes = [1, 800], strides = [1, 1]} : vector<64x800xf32> to vector<1x800xf32>
    %slice3A_302 = vector.extract_strided_slice %slice3A_36 {offsets = [48, 0], sizes = [8, 800], strides = [1, 1]} : vector<128x800xf32> to vector<8x800xf32>
    %mul3A_303 = vector.broadcast %slice3A_301 : vector<1x800xf32> to vector<8x800xf32>
    %mul3A_304 = arith.mulf %mul3A_303, %slice3A_302 : vector<8x800xf32>
    %add3A_305 = arith.addf %add3A_300, %mul3A_304 : vector<8x800xf32>
    %slice3A_306 = vector.extract_strided_slice %slice3A {offsets = [55, 0], sizes = [1, 800], strides = [1, 1]} : vector<64x800xf32> to vector<1x800xf32>
    %slice3A_307 = vector.extract_strided_slice %slice3A_36 {offsets = [56, 0], sizes = [8, 800], strides = [1, 1]} : vector<128x800xf32> to vector<8x800xf32>
    %mul3A_308 = vector.broadcast %slice3A_306 : vector<1x800xf32> to vector<8x800xf32>
    %mul3A_309 = arith.mulf %mul3A_308, %slice3A_307 : vector<8x800xf32>
    %add3A_310 = arith.addf %add3A_305, %mul3A_309 : vector<8x800xf32>
    %slice3A_311 = vector.extract_strided_slice %slice3A {offsets = [56, 0], sizes = [1, 800], strides = [1, 1]} : vector<64x800xf32> to vector<1x800xf32>
    %slice3A_312 = vector.extract_strided_slice %slice3A_36 {offsets = [64, 0], sizes = [8, 800], strides = [1, 1]} : vector<128x800xf32> to vector<8x800xf32>
    %mul3A_313 = vector.broadcast %slice3A_311 : vector<1x800xf32> to vector<8x800xf32>
    %mul3A_314 = arith.mulf %mul3A_313, %slice3A_312 : vector<8x800xf32>
    %add3A_315 = arith.addf %add3A_310, %mul3A_314 : vector<8x800xf32>
    %slice3A_316 = vector.extract_strided_slice %slice3A {offsets = [57, 0], sizes = [1, 800], strides = [1, 1]} : vector<64x800xf32> to vector<1x800xf32>
    %slice3A_317 = vector.extract_strided_slice %slice3A_36 {offsets = [72, 0], sizes = [8, 800], strides = [1, 1]} : vector<128x800xf32> to vector<8x800xf32>
    %mul3A_318 = vector.broadcast %slice3A_316 : vector<1x800xf32> to vector<8x800xf32>
    %mul3A_319 = arith.mulf %mul3A_318, %slice3A_317 : vector<8x800xf32>
    %add3A_320 = arith.addf %add3A_315, %mul3A_319 : vector<8x800xf32>
    %slice3A_321 = vector.extract_strided_slice %slice3A {offsets = [58, 0], sizes = [1, 800], strides = [1, 1]} : vector<64x800xf32> to vector<1x800xf32>
    %slice3A_322 = vector.extract_strided_slice %slice3A_36 {offsets = [80, 0], sizes = [8, 800], strides = [1, 1]} : vector<128x800xf32> to vector<8x800xf32>
    %mul3A_323 = vector.broadcast %slice3A_321 : vector<1x800xf32> to vector<8x800xf32>
    %mul3A_324 = arith.mulf %mul3A_323, %slice3A_322 : vector<8x800xf32>
    %add3A_325 = arith.addf %add3A_320, %mul3A_324 : vector<8x800xf32>
    %slice3A_326 = vector.extract_strided_slice %slice3A {offsets = [59, 0], sizes = [1, 800], strides = [1, 1]} : vector<64x800xf32> to vector<1x800xf32>
    %slice3A_327 = vector.extract_strided_slice %slice3A_36 {offsets = [88, 0], sizes = [8, 800], strides = [1, 1]} : vector<128x800xf32> to vector<8x800xf32>
    %mul3A_328 = vector.broadcast %slice3A_326 : vector<1x800xf32> to vector<8x800xf32>
    %mul3A_329 = arith.mulf %mul3A_328, %slice3A_327 : vector<8x800xf32>
    %add3A_330 = arith.addf %add3A_325, %mul3A_329 : vector<8x800xf32>
    %slice3A_331 = vector.extract_strided_slice %slice3A {offsets = [60, 0], sizes = [1, 800], strides = [1, 1]} : vector<64x800xf32> to vector<1x800xf32>
    %slice3A_332 = vector.extract_strided_slice %slice3A_36 {offsets = [96, 0], sizes = [8, 800], strides = [1, 1]} : vector<128x800xf32> to vector<8x800xf32>
    %mul3A_333 = vector.broadcast %slice3A_331 : vector<1x800xf32> to vector<8x800xf32>
    %mul3A_334 = arith.mulf %mul3A_333, %slice3A_332 : vector<8x800xf32>
    %add3A_335 = arith.addf %add3A_330, %mul3A_334 : vector<8x800xf32>
    %slice3A_336 = vector.extract_strided_slice %slice3A {offsets = [61, 0], sizes = [1, 800], strides = [1, 1]} : vector<64x800xf32> to vector<1x800xf32>
    %slice3A_337 = vector.extract_strided_slice %slice3A_36 {offsets = [104, 0], sizes = [8, 800], strides = [1, 1]} : vector<128x800xf32> to vector<8x800xf32>
    %mul3A_338 = vector.broadcast %slice3A_336 : vector<1x800xf32> to vector<8x800xf32>
    %mul3A_339 = arith.mulf %mul3A_338, %slice3A_337 : vector<8x800xf32>
    %add3A_340 = arith.addf %add3A_335, %mul3A_339 : vector<8x800xf32>
    %slice3A_341 = vector.extract_strided_slice %slice3A {offsets = [62, 0], sizes = [1, 800], strides = [1, 1]} : vector<64x800xf32> to vector<1x800xf32>
    %slice3A_342 = vector.extract_strided_slice %slice3A_36 {offsets = [112, 0], sizes = [8, 800], strides = [1, 1]} : vector<128x800xf32> to vector<8x800xf32>
    %mul3A_343 = vector.broadcast %slice3A_341 : vector<1x800xf32> to vector<8x800xf32>
    %mul3A_344 = arith.mulf %mul3A_343, %slice3A_342 : vector<8x800xf32>
    %add3A_345 = arith.addf %add3A_340, %mul3A_344 : vector<8x800xf32>
    %slice3A_346 = vector.extract_strided_slice %slice3A {offsets = [63, 0], sizes = [1, 800], strides = [1, 1]} : vector<64x800xf32> to vector<1x800xf32>
    %slice3A_347 = vector.extract_strided_slice %slice3A_36 {offsets = [120, 0], sizes = [8, 800], strides = [1, 1]} : vector<128x800xf32> to vector<8x800xf32>
    %mul3A_348 = vector.broadcast %slice3A_346 : vector<1x800xf32> to vector<8x800xf32>
    %mul3A_349 = arith.mulf %mul3A_348, %slice3A_347 : vector<8x800xf32>
    %add3A_350 = arith.addf %add3A_345, %mul3A_349 : vector<8x800xf32>
    %slice3A_351 = vector.extract_strided_slice %dot_general3A_32 {offsets = [0, 800], sizes = [64, 800], strides = [1, 1]} : vector<64x3200xf32> to vector<64x800xf32>
    %slice3A_352 = vector.extract_strided_slice %transpose3A {offsets = [0, 800], sizes = [128, 800], strides = [1, 1]} : vector<128x3200xf32> to vector<128x800xf32>
    %slice3A_353 = vector.extract_strided_slice %slice3A_351 {offsets = [0, 0], sizes = [1, 800], strides = [1, 1]} : vector<64x800xf32> to vector<1x800xf32>
    %slice3A_354 = vector.extract_strided_slice %slice3A_352 {offsets = [0, 0], sizes = [8, 800], strides = [1, 1]} : vector<128x800xf32> to vector<8x800xf32>
    %mul3A_355 = vector.broadcast %slice3A_353 : vector<1x800xf32> to vector<8x800xf32>
    %mul3A_356 = arith.mulf %mul3A_355, %slice3A_354 : vector<8x800xf32>
    %slice3A_357 = vector.extract_strided_slice %slice3A_351 {offsets = [1, 0], sizes = [1, 800], strides = [1, 1]} : vector<64x800xf32> to vector<1x800xf32>
    %slice3A_358 = vector.extract_strided_slice %slice3A_352 {offsets = [8, 0], sizes = [8, 800], strides = [1, 1]} : vector<128x800xf32> to vector<8x800xf32>
    %mul3A_359 = vector.broadcast %slice3A_357 : vector<1x800xf32> to vector<8x800xf32>
    %mul3A_360 = arith.mulf %mul3A_359, %slice3A_358 : vector<8x800xf32>
    %add3A_361 = arith.addf %mul3A_356, %mul3A_360 : vector<8x800xf32>
    %slice3A_362 = vector.extract_strided_slice %slice3A_351 {offsets = [2, 0], sizes = [1, 800], strides = [1, 1]} : vector<64x800xf32> to vector<1x800xf32>
    %slice3A_363 = vector.extract_strided_slice %slice3A_352 {offsets = [16, 0], sizes = [8, 800], strides = [1, 1]} : vector<128x800xf32> to vector<8x800xf32>
    %mul3A_364 = vector.broadcast %slice3A_362 : vector<1x800xf32> to vector<8x800xf32>
    %mul3A_365 = arith.mulf %mul3A_364, %slice3A_363 : vector<8x800xf32>
    %add3A_366 = arith.addf %add3A_361, %mul3A_365 : vector<8x800xf32>
    %slice3A_367 = vector.extract_strided_slice %slice3A_351 {offsets = [3, 0], sizes = [1, 800], strides = [1, 1]} : vector<64x800xf32> to vector<1x800xf32>
    %slice3A_368 = vector.extract_strided_slice %slice3A_352 {offsets = [24, 0], sizes = [8, 800], strides = [1, 1]} : vector<128x800xf32> to vector<8x800xf32>
    %mul3A_369 = vector.broadcast %slice3A_367 : vector<1x800xf32> to vector<8x800xf32>
    %mul3A_370 = arith.mulf %mul3A_369, %slice3A_368 : vector<8x800xf32>
    %add3A_371 = arith.addf %add3A_366, %mul3A_370 : vector<8x800xf32>
    %slice3A_372 = vector.extract_strided_slice %slice3A_351 {offsets = [4, 0], sizes = [1, 800], strides = [1, 1]} : vector<64x800xf32> to vector<1x800xf32>
    %slice3A_373 = vector.extract_strided_slice %slice3A_352 {offsets = [32, 0], sizes = [8, 800], strides = [1, 1]} : vector<128x800xf32> to vector<8x800xf32>
    %mul3A_374 = vector.broadcast %slice3A_372 : vector<1x800xf32> to vector<8x800xf32>
    %mul3A_375 = arith.mulf %mul3A_374, %slice3A_373 : vector<8x800xf32>
    %add3A_376 = arith.addf %add3A_371, %mul3A_375 : vector<8x800xf32>
    %slice3A_377 = vector.extract_strided_slice %slice3A_351 {offsets = [5, 0], sizes = [1, 800], strides = [1, 1]} : vector<64x800xf32> to vector<1x800xf32>
    %slice3A_378 = vector.extract_strided_slice %slice3A_352 {offsets = [40, 0], sizes = [8, 800], strides = [1, 1]} : vector<128x800xf32> to vector<8x800xf32>
    %mul3A_379 = vector.broadcast %slice3A_377 : vector<1x800xf32> to vector<8x800xf32>
    %mul3A_380 = arith.mulf %mul3A_379, %slice3A_378 : vector<8x800xf32>
    %add3A_381 = arith.addf %add3A_376, %mul3A_380 : vector<8x800xf32>
    %slice3A_382 = vector.extract_strided_slice %slice3A_351 {offsets = [6, 0], sizes = [1, 800], strides = [1, 1]} : vector<64x800xf32> to vector<1x800xf32>
    %slice3A_383 = vector.extract_strided_slice %slice3A_352 {offsets = [48, 0], sizes = [8, 800], strides = [1, 1]} : vector<128x800xf32> to vector<8x800xf32>
    %mul3A_384 = vector.broadcast %slice3A_382 : vector<1x800xf32> to vector<8x800xf32>
    %mul3A_385 = arith.mulf %mul3A_384, %slice3A_383 : vector<8x800xf32>
    %add3A_386 = arith.addf %add3A_381, %mul3A_385 : vector<8x800xf32>
    %slice3A_387 = vector.extract_strided_slice %slice3A_351 {offsets = [7, 0], sizes = [1, 800], strides = [1, 1]} : vector<64x800xf32> to vector<1x800xf32>
    %slice3A_388 = vector.extract_strided_slice %slice3A_352 {offsets = [56, 0], sizes = [8, 800], strides = [1, 1]} : vector<128x800xf32> to vector<8x800xf32>
    %mul3A_389 = vector.broadcast %slice3A_387 : vector<1x800xf32> to vector<8x800xf32>
    %mul3A_390 = arith.mulf %mul3A_389, %slice3A_388 : vector<8x800xf32>
    %add3A_391 = arith.addf %add3A_386, %mul3A_390 : vector<8x800xf32>
    %slice3A_392 = vector.extract_strided_slice %slice3A_351 {offsets = [8, 0], sizes = [1, 800], strides = [1, 1]} : vector<64x800xf32> to vector<1x800xf32>
    %slice3A_393 = vector.extract_strided_slice %slice3A_352 {offsets = [64, 0], sizes = [8, 800], strides = [1, 1]} : vector<128x800xf32> to vector<8x800xf32>
    %mul3A_394 = vector.broadcast %slice3A_392 : vector<1x800xf32> to vector<8x800xf32>
    %mul3A_395 = arith.mulf %mul3A_394, %slice3A_393 : vector<8x800xf32>
    %add3A_396 = arith.addf %add3A_391, %mul3A_395 : vector<8x800xf32>
    %slice3A_397 = vector.extract_strided_slice %slice3A_351 {offsets = [9, 0], sizes = [1, 800], strides = [1, 1]} : vector<64x800xf32> to vector<1x800xf32>
    %slice3A_398 = vector.extract_strided_slice %slice3A_352 {offsets = [72, 0], sizes = [8, 800], strides = [1, 1]} : vector<128x800xf32> to vector<8x800xf32>
    %mul3A_399 = vector.broadcast %slice3A_397 : vector<1x800xf32> to vector<8x800xf32>
    %mul3A_400 = arith.mulf %mul3A_399, %slice3A_398 : vector<8x800xf32>
    %add3A_401 = arith.addf %add3A_396, %mul3A_400 : vector<8x800xf32>
    %slice3A_402 = vector.extract_strided_slice %slice3A_351 {offsets = [10, 0], sizes = [1, 800], strides = [1, 1]} : vector<64x800xf32> to vector<1x800xf32>
    %slice3A_403 = vector.extract_strided_slice %slice3A_352 {offsets = [80, 0], sizes = [8, 800], strides = [1, 1]} : vector<128x800xf32> to vector<8x800xf32>
    %mul3A_404 = vector.broadcast %slice3A_402 : vector<1x800xf32> to vector<8x800xf32>
    %mul3A_405 = arith.mulf %mul3A_404, %slice3A_403 : vector<8x800xf32>
    %add3A_406 = arith.addf %add3A_401, %mul3A_405 : vector<8x800xf32>
    %slice3A_407 = vector.extract_strided_slice %slice3A_351 {offsets = [11, 0], sizes = [1, 800], strides = [1, 1]} : vector<64x800xf32> to vector<1x800xf32>
    %slice3A_408 = vector.extract_strided_slice %slice3A_352 {offsets = [88, 0], sizes = [8, 800], strides = [1, 1]} : vector<128x800xf32> to vector<8x800xf32>
    %mul3A_409 = vector.broadcast %slice3A_407 : vector<1x800xf32> to vector<8x800xf32>
    %mul3A_410 = arith.mulf %mul3A_409, %slice3A_408 : vector<8x800xf32>
    %add3A_411 = arith.addf %add3A_406, %mul3A_410 : vector<8x800xf32>
    %slice3A_412 = vector.extract_strided_slice %slice3A_351 {offsets = [12, 0], sizes = [1, 800], strides = [1, 1]} : vector<64x800xf32> to vector<1x800xf32>
    %slice3A_413 = vector.extract_strided_slice %slice3A_352 {offsets = [96, 0], sizes = [8, 800], strides = [1, 1]} : vector<128x800xf32> to vector<8x800xf32>
    %mul3A_414 = vector.broadcast %slice3A_412 : vector<1x800xf32> to vector<8x800xf32>
    %mul3A_415 = arith.mulf %mul3A_414, %slice3A_413 : vector<8x800xf32>
    %add3A_416 = arith.addf %add3A_411, %mul3A_415 : vector<8x800xf32>
    %slice3A_417 = vector.extract_strided_slice %slice3A_351 {offsets = [13, 0], sizes = [1, 800], strides = [1, 1]} : vector<64x800xf32> to vector<1x800xf32>
    %slice3A_418 = vector.extract_strided_slice %slice3A_352 {offsets = [104, 0], sizes = [8, 800], strides = [1, 1]} : vector<128x800xf32> to vector<8x800xf32>
    %mul3A_419 = vector.broadcast %slice3A_417 : vector<1x800xf32> to vector<8x800xf32>
    %mul3A_420 = arith.mulf %mul3A_419, %slice3A_418 : vector<8x800xf32>
    %add3A_421 = arith.addf %add3A_416, %mul3A_420 : vector<8x800xf32>
    %slice3A_422 = vector.extract_strided_slice %slice3A_351 {offsets = [14, 0], sizes = [1, 800], strides = [1, 1]} : vector<64x800xf32> to vector<1x800xf32>
    %slice3A_423 = vector.extract_strided_slice %slice3A_352 {offsets = [112, 0], sizes = [8, 800], strides = [1, 1]} : vector<128x800xf32> to vector<8x800xf32>
    %mul3A_424 = vector.broadcast %slice3A_422 : vector<1x800xf32> to vector<8x800xf32>
    %mul3A_425 = arith.mulf %mul3A_424, %slice3A_423 : vector<8x800xf32>
    %add3A_426 = arith.addf %add3A_421, %mul3A_425 : vector<8x800xf32>
    %slice3A_427 = vector.extract_strided_slice %slice3A_351 {offsets = [15, 0], sizes = [1, 800], strides = [1, 1]} : vector<64x800xf32> to vector<1x800xf32>
    %slice3A_428 = vector.extract_strided_slice %slice3A_352 {offsets = [120, 0], sizes = [8, 800], strides = [1, 1]} : vector<128x800xf32> to vector<8x800xf32>
    %mul3A_429 = vector.broadcast %slice3A_427 : vector<1x800xf32> to vector<8x800xf32>
    %mul3A_430 = arith.mulf %mul3A_429, %slice3A_428 : vector<8x800xf32>
    %add3A_431 = arith.addf %add3A_426, %mul3A_430 : vector<8x800xf32>
    %slice3A_432 = vector.extract_strided_slice %slice3A_351 {offsets = [16, 0], sizes = [1, 800], strides = [1, 1]} : vector<64x800xf32> to vector<1x800xf32>
    %slice3A_433 = vector.extract_strided_slice %slice3A_352 {offsets = [0, 0], sizes = [8, 800], strides = [1, 1]} : vector<128x800xf32> to vector<8x800xf32>
    %mul3A_434 = vector.broadcast %slice3A_432 : vector<1x800xf32> to vector<8x800xf32>
    %mul3A_435 = arith.mulf %mul3A_434, %slice3A_433 : vector<8x800xf32>
    %slice3A_436 = vector.extract_strided_slice %slice3A_351 {offsets = [17, 0], sizes = [1, 800], strides = [1, 1]} : vector<64x800xf32> to vector<1x800xf32>
    %slice3A_437 = vector.extract_strided_slice %slice3A_352 {offsets = [8, 0], sizes = [8, 800], strides = [1, 1]} : vector<128x800xf32> to vector<8x800xf32>
    %mul3A_438 = vector.broadcast %slice3A_436 : vector<1x800xf32> to vector<8x800xf32>
    %mul3A_439 = arith.mulf %mul3A_438, %slice3A_437 : vector<8x800xf32>
    %add3A_440 = arith.addf %mul3A_435, %mul3A_439 : vector<8x800xf32>
    %slice3A_441 = vector.extract_strided_slice %slice3A_351 {offsets = [18, 0], sizes = [1, 800], strides = [1, 1]} : vector<64x800xf32> to vector<1x800xf32>
    %slice3A_442 = vector.extract_strided_slice %slice3A_352 {offsets = [16, 0], sizes = [8, 800], strides = [1, 1]} : vector<128x800xf32> to vector<8x800xf32>
    %mul3A_443 = vector.broadcast %slice3A_441 : vector<1x800xf32> to vector<8x800xf32>
    %mul3A_444 = arith.mulf %mul3A_443, %slice3A_442 : vector<8x800xf32>
    %add3A_445 = arith.addf %add3A_440, %mul3A_444 : vector<8x800xf32>
    %slice3A_446 = vector.extract_strided_slice %slice3A_351 {offsets = [19, 0], sizes = [1, 800], strides = [1, 1]} : vector<64x800xf32> to vector<1x800xf32>
    %slice3A_447 = vector.extract_strided_slice %slice3A_352 {offsets = [24, 0], sizes = [8, 800], strides = [1, 1]} : vector<128x800xf32> to vector<8x800xf32>
    %mul3A_448 = vector.broadcast %slice3A_446 : vector<1x800xf32> to vector<8x800xf32>
    %mul3A_449 = arith.mulf %mul3A_448, %slice3A_447 : vector<8x800xf32>
    %add3A_450 = arith.addf %add3A_445, %mul3A_449 : vector<8x800xf32>
    %slice3A_451 = vector.extract_strided_slice %slice3A_351 {offsets = [20, 0], sizes = [1, 800], strides = [1, 1]} : vector<64x800xf32> to vector<1x800xf32>
    %slice3A_452 = vector.extract_strided_slice %slice3A_352 {offsets = [32, 0], sizes = [8, 800], strides = [1, 1]} : vector<128x800xf32> to vector<8x800xf32>
    %mul3A_453 = vector.broadcast %slice3A_451 : vector<1x800xf32> to vector<8x800xf32>
    %mul3A_454 = arith.mulf %mul3A_453, %slice3A_452 : vector<8x800xf32>
    %add3A_455 = arith.addf %add3A_450, %mul3A_454 : vector<8x800xf32>
    %slice3A_456 = vector.extract_strided_slice %slice3A_351 {offsets = [21, 0], sizes = [1, 800], strides = [1, 1]} : vector<64x800xf32> to vector<1x800xf32>
    %slice3A_457 = vector.extract_strided_slice %slice3A_352 {offsets = [40, 0], sizes = [8, 800], strides = [1, 1]} : vector<128x800xf32> to vector<8x800xf32>
    %mul3A_458 = vector.broadcast %slice3A_456 : vector<1x800xf32> to vector<8x800xf32>
    %mul3A_459 = arith.mulf %mul3A_458, %slice3A_457 : vector<8x800xf32>
    %add3A_460 = arith.addf %add3A_455, %mul3A_459 : vector<8x800xf32>
    %slice3A_461 = vector.extract_strided_slice %slice3A_351 {offsets = [22, 0], sizes = [1, 800], strides = [1, 1]} : vector<64x800xf32> to vector<1x800xf32>
    %slice3A_462 = vector.extract_strided_slice %slice3A_352 {offsets = [48, 0], sizes = [8, 800], strides = [1, 1]} : vector<128x800xf32> to vector<8x800xf32>
    %mul3A_463 = vector.broadcast %slice3A_461 : vector<1x800xf32> to vector<8x800xf32>
    %mul3A_464 = arith.mulf %mul3A_463, %slice3A_462 : vector<8x800xf32>
    %add3A_465 = arith.addf %add3A_460, %mul3A_464 : vector<8x800xf32>
    %slice3A_466 = vector.extract_strided_slice %slice3A_351 {offsets = [23, 0], sizes = [1, 800], strides = [1, 1]} : vector<64x800xf32> to vector<1x800xf32>
    %slice3A_467 = vector.extract_strided_slice %slice3A_352 {offsets = [56, 0], sizes = [8, 800], strides = [1, 1]} : vector<128x800xf32> to vector<8x800xf32>
    %mul3A_468 = vector.broadcast %slice3A_466 : vector<1x800xf32> to vector<8x800xf32>
    %mul3A_469 = arith.mulf %mul3A_468, %slice3A_467 : vector<8x800xf32>
    %add3A_470 = arith.addf %add3A_465, %mul3A_469 : vector<8x800xf32>
    %slice3A_471 = vector.extract_strided_slice %slice3A_351 {offsets = [24, 0], sizes = [1, 800], strides = [1, 1]} : vector<64x800xf32> to vector<1x800xf32>
    %slice3A_472 = vector.extract_strided_slice %slice3A_352 {offsets = [64, 0], sizes = [8, 800], strides = [1, 1]} : vector<128x800xf32> to vector<8x800xf32>
    %mul3A_473 = vector.broadcast %slice3A_471 : vector<1x800xf32> to vector<8x800xf32>
    %mul3A_474 = arith.mulf %mul3A_473, %slice3A_472 : vector<8x800xf32>
    %add3A_475 = arith.addf %add3A_470, %mul3A_474 : vector<8x800xf32>
    %slice3A_476 = vector.extract_strided_slice %slice3A_351 {offsets = [25, 0], sizes = [1, 800], strides = [1, 1]} : vector<64x800xf32> to vector<1x800xf32>
    %slice3A_477 = vector.extract_strided_slice %slice3A_352 {offsets = [72, 0], sizes = [8, 800], strides = [1, 1]} : vector<128x800xf32> to vector<8x800xf32>
    %mul3A_478 = vector.broadcast %slice3A_476 : vector<1x800xf32> to vector<8x800xf32>
    %mul3A_479 = arith.mulf %mul3A_478, %slice3A_477 : vector<8x800xf32>
    %add3A_480 = arith.addf %add3A_475, %mul3A_479 : vector<8x800xf32>
    %slice3A_481 = vector.extract_strided_slice %slice3A_351 {offsets = [26, 0], sizes = [1, 800], strides = [1, 1]} : vector<64x800xf32> to vector<1x800xf32>
    %slice3A_482 = vector.extract_strided_slice %slice3A_352 {offsets = [80, 0], sizes = [8, 800], strides = [1, 1]} : vector<128x800xf32> to vector<8x800xf32>
    %mul3A_483 = vector.broadcast %slice3A_481 : vector<1x800xf32> to vector<8x800xf32>
    %mul3A_484 = arith.mulf %mul3A_483, %slice3A_482 : vector<8x800xf32>
    %add3A_485 = arith.addf %add3A_480, %mul3A_484 : vector<8x800xf32>
    %slice3A_486 = vector.extract_strided_slice %slice3A_351 {offsets = [27, 0], sizes = [1, 800], strides = [1, 1]} : vector<64x800xf32> to vector<1x800xf32>
    %slice3A_487 = vector.extract_strided_slice %slice3A_352 {offsets = [88, 0], sizes = [8, 800], strides = [1, 1]} : vector<128x800xf32> to vector<8x800xf32>
    %mul3A_488 = vector.broadcast %slice3A_486 : vector<1x800xf32> to vector<8x800xf32>
    %mul3A_489 = arith.mulf %mul3A_488, %slice3A_487 : vector<8x800xf32>
    %add3A_490 = arith.addf %add3A_485, %mul3A_489 : vector<8x800xf32>
    %slice3A_491 = vector.extract_strided_slice %slice3A_351 {offsets = [28, 0], sizes = [1, 800], strides = [1, 1]} : vector<64x800xf32> to vector<1x800xf32>
    %slice3A_492 = vector.extract_strided_slice %slice3A_352 {offsets = [96, 0], sizes = [8, 800], strides = [1, 1]} : vector<128x800xf32> to vector<8x800xf32>
    %mul3A_493 = vector.broadcast %slice3A_491 : vector<1x800xf32> to vector<8x800xf32>
    %mul3A_494 = arith.mulf %mul3A_493, %slice3A_492 : vector<8x800xf32>
    %add3A_495 = arith.addf %add3A_490, %mul3A_494 : vector<8x800xf32>
    %slice3A_496 = vector.extract_strided_slice %slice3A_351 {offsets = [29, 0], sizes = [1, 800], strides = [1, 1]} : vector<64x800xf32> to vector<1x800xf32>
    %slice3A_497 = vector.extract_strided_slice %slice3A_352 {offsets = [104, 0], sizes = [8, 800], strides = [1, 1]} : vector<128x800xf32> to vector<8x800xf32>
    %mul3A_498 = vector.broadcast %slice3A_496 : vector<1x800xf32> to vector<8x800xf32>
    %mul3A_499 = arith.mulf %mul3A_498, %slice3A_497 : vector<8x800xf32>
    %add3A_500 = arith.addf %add3A_495, %mul3A_499 : vector<8x800xf32>
    %slice3A_501 = vector.extract_strided_slice %slice3A_351 {offsets = [30, 0], sizes = [1, 800], strides = [1, 1]} : vector<64x800xf32> to vector<1x800xf32>
    %slice3A_502 = vector.extract_strided_slice %slice3A_352 {offsets = [112, 0], sizes = [8, 800], strides = [1, 1]} : vector<128x800xf32> to vector<8x800xf32>
    %mul3A_503 = vector.broadcast %slice3A_501 : vector<1x800xf32> to vector<8x800xf32>
    %mul3A_504 = arith.mulf %mul3A_503, %slice3A_502 : vector<8x800xf32>
    %add3A_505 = arith.addf %add3A_500, %mul3A_504 : vector<8x800xf32>
    %slice3A_506 = vector.extract_strided_slice %slice3A_351 {offsets = [31, 0], sizes = [1, 800], strides = [1, 1]} : vector<64x800xf32> to vector<1x800xf32>
    %slice3A_507 = vector.extract_strided_slice %slice3A_352 {offsets = [120, 0], sizes = [8, 800], strides = [1, 1]} : vector<128x800xf32> to vector<8x800xf32>
    %mul3A_508 = vector.broadcast %slice3A_506 : vector<1x800xf32> to vector<8x800xf32>
    %mul3A_509 = arith.mulf %mul3A_508, %slice3A_507 : vector<8x800xf32>
    %add3A_510 = arith.addf %add3A_505, %mul3A_509 : vector<8x800xf32>
    %slice3A_511 = vector.extract_strided_slice %slice3A_351 {offsets = [32, 0], sizes = [1, 800], strides = [1, 1]} : vector<64x800xf32> to vector<1x800xf32>
    %slice3A_512 = vector.extract_strided_slice %slice3A_352 {offsets = [0, 0], sizes = [8, 800], strides = [1, 1]} : vector<128x800xf32> to vector<8x800xf32>
    %mul3A_513 = vector.broadcast %slice3A_511 : vector<1x800xf32> to vector<8x800xf32>
    %mul3A_514 = arith.mulf %mul3A_513, %slice3A_512 : vector<8x800xf32>
    %slice3A_515 = vector.extract_strided_slice %slice3A_351 {offsets = [33, 0], sizes = [1, 800], strides = [1, 1]} : vector<64x800xf32> to vector<1x800xf32>
    %slice3A_516 = vector.extract_strided_slice %slice3A_352 {offsets = [8, 0], sizes = [8, 800], strides = [1, 1]} : vector<128x800xf32> to vector<8x800xf32>
    %mul3A_517 = vector.broadcast %slice3A_515 : vector<1x800xf32> to vector<8x800xf32>
    %mul3A_518 = arith.mulf %mul3A_517, %slice3A_516 : vector<8x800xf32>
    %add3A_519 = arith.addf %mul3A_514, %mul3A_518 : vector<8x800xf32>
    %slice3A_520 = vector.extract_strided_slice %slice3A_351 {offsets = [34, 0], sizes = [1, 800], strides = [1, 1]} : vector<64x800xf32> to vector<1x800xf32>
    %slice3A_521 = vector.extract_strided_slice %slice3A_352 {offsets = [16, 0], sizes = [8, 800], strides = [1, 1]} : vector<128x800xf32> to vector<8x800xf32>
    %mul3A_522 = vector.broadcast %slice3A_520 : vector<1x800xf32> to vector<8x800xf32>
    %mul3A_523 = arith.mulf %mul3A_522, %slice3A_521 : vector<8x800xf32>
    %add3A_524 = arith.addf %add3A_519, %mul3A_523 : vector<8x800xf32>
    %slice3A_525 = vector.extract_strided_slice %slice3A_351 {offsets = [35, 0], sizes = [1, 800], strides = [1, 1]} : vector<64x800xf32> to vector<1x800xf32>
    %slice3A_526 = vector.extract_strided_slice %slice3A_352 {offsets = [24, 0], sizes = [8, 800], strides = [1, 1]} : vector<128x800xf32> to vector<8x800xf32>
    %mul3A_527 = vector.broadcast %slice3A_525 : vector<1x800xf32> to vector<8x800xf32>
    %mul3A_528 = arith.mulf %mul3A_527, %slice3A_526 : vector<8x800xf32>
    %add3A_529 = arith.addf %add3A_524, %mul3A_528 : vector<8x800xf32>
    %slice3A_530 = vector.extract_strided_slice %slice3A_351 {offsets = [36, 0], sizes = [1, 800], strides = [1, 1]} : vector<64x800xf32> to vector<1x800xf32>
    %slice3A_531 = vector.extract_strided_slice %slice3A_352 {offsets = [32, 0], sizes = [8, 800], strides = [1, 1]} : vector<128x800xf32> to vector<8x800xf32>
    %mul3A_532 = vector.broadcast %slice3A_530 : vector<1x800xf32> to vector<8x800xf32>
    %mul3A_533 = arith.mulf %mul3A_532, %slice3A_531 : vector<8x800xf32>
    %add3A_534 = arith.addf %add3A_529, %mul3A_533 : vector<8x800xf32>
    %slice3A_535 = vector.extract_strided_slice %slice3A_351 {offsets = [37, 0], sizes = [1, 800], strides = [1, 1]} : vector<64x800xf32> to vector<1x800xf32>
    %slice3A_536 = vector.extract_strided_slice %slice3A_352 {offsets = [40, 0], sizes = [8, 800], strides = [1, 1]} : vector<128x800xf32> to vector<8x800xf32>
    %mul3A_537 = vector.broadcast %slice3A_535 : vector<1x800xf32> to vector<8x800xf32>
    %mul3A_538 = arith.mulf %mul3A_537, %slice3A_536 : vector<8x800xf32>
    %add3A_539 = arith.addf %add3A_534, %mul3A_538 : vector<8x800xf32>
    %slice3A_540 = vector.extract_strided_slice %slice3A_351 {offsets = [38, 0], sizes = [1, 800], strides = [1, 1]} : vector<64x800xf32> to vector<1x800xf32>
    %slice3A_541 = vector.extract_strided_slice %slice3A_352 {offsets = [48, 0], sizes = [8, 800], strides = [1, 1]} : vector<128x800xf32> to vector<8x800xf32>
    %mul3A_542 = vector.broadcast %slice3A_540 : vector<1x800xf32> to vector<8x800xf32>
    %mul3A_543 = arith.mulf %mul3A_542, %slice3A_541 : vector<8x800xf32>
    %add3A_544 = arith.addf %add3A_539, %mul3A_543 : vector<8x800xf32>
    %slice3A_545 = vector.extract_strided_slice %slice3A_351 {offsets = [39, 0], sizes = [1, 800], strides = [1, 1]} : vector<64x800xf32> to vector<1x800xf32>
    %slice3A_546 = vector.extract_strided_slice %slice3A_352 {offsets = [56, 0], sizes = [8, 800], strides = [1, 1]} : vector<128x800xf32> to vector<8x800xf32>
    %mul3A_547 = vector.broadcast %slice3A_545 : vector<1x800xf32> to vector<8x800xf32>
    %mul3A_548 = arith.mulf %mul3A_547, %slice3A_546 : vector<8x800xf32>
    %add3A_549 = arith.addf %add3A_544, %mul3A_548 : vector<8x800xf32>
    %slice3A_550 = vector.extract_strided_slice %slice3A_351 {offsets = [40, 0], sizes = [1, 800], strides = [1, 1]} : vector<64x800xf32> to vector<1x800xf32>
    %slice3A_551 = vector.extract_strided_slice %slice3A_352 {offsets = [64, 0], sizes = [8, 800], strides = [1, 1]} : vector<128x800xf32> to vector<8x800xf32>
    %mul3A_552 = vector.broadcast %slice3A_550 : vector<1x800xf32> to vector<8x800xf32>
    %mul3A_553 = arith.mulf %mul3A_552, %slice3A_551 : vector<8x800xf32>
    %add3A_554 = arith.addf %add3A_549, %mul3A_553 : vector<8x800xf32>
    %slice3A_555 = vector.extract_strided_slice %slice3A_351 {offsets = [41, 0], sizes = [1, 800], strides = [1, 1]} : vector<64x800xf32> to vector<1x800xf32>
    %slice3A_556 = vector.extract_strided_slice %slice3A_352 {offsets = [72, 0], sizes = [8, 800], strides = [1, 1]} : vector<128x800xf32> to vector<8x800xf32>
    %mul3A_557 = vector.broadcast %slice3A_555 : vector<1x800xf32> to vector<8x800xf32>
    %mul3A_558 = arith.mulf %mul3A_557, %slice3A_556 : vector<8x800xf32>
    %add3A_559 = arith.addf %add3A_554, %mul3A_558 : vector<8x800xf32>
    %slice3A_560 = vector.extract_strided_slice %slice3A_351 {offsets = [42, 0], sizes = [1, 800], strides = [1, 1]} : vector<64x800xf32> to vector<1x800xf32>
    %slice3A_561 = vector.extract_strided_slice %slice3A_352 {offsets = [80, 0], sizes = [8, 800], strides = [1, 1]} : vector<128x800xf32> to vector<8x800xf32>
    %mul3A_562 = vector.broadcast %slice3A_560 : vector<1x800xf32> to vector<8x800xf32>
    %mul3A_563 = arith.mulf %mul3A_562, %slice3A_561 : vector<8x800xf32>
    %add3A_564 = arith.addf %add3A_559, %mul3A_563 : vector<8x800xf32>
    %slice3A_565 = vector.extract_strided_slice %slice3A_351 {offsets = [43, 0], sizes = [1, 800], strides = [1, 1]} : vector<64x800xf32> to vector<1x800xf32>
    %slice3A_566 = vector.extract_strided_slice %slice3A_352 {offsets = [88, 0], sizes = [8, 800], strides = [1, 1]} : vector<128x800xf32> to vector<8x800xf32>
    %mul3A_567 = vector.broadcast %slice3A_565 : vector<1x800xf32> to vector<8x800xf32>
    %mul3A_568 = arith.mulf %mul3A_567, %slice3A_566 : vector<8x800xf32>
    %add3A_569 = arith.addf %add3A_564, %mul3A_568 : vector<8x800xf32>
    %slice3A_570 = vector.extract_strided_slice %slice3A_351 {offsets = [44, 0], sizes = [1, 800], strides = [1, 1]} : vector<64x800xf32> to vector<1x800xf32>
    %slice3A_571 = vector.extract_strided_slice %slice3A_352 {offsets = [96, 0], sizes = [8, 800], strides = [1, 1]} : vector<128x800xf32> to vector<8x800xf32>
    %mul3A_572 = vector.broadcast %slice3A_570 : vector<1x800xf32> to vector<8x800xf32>
    %mul3A_573 = arith.mulf %mul3A_572, %slice3A_571 : vector<8x800xf32>
    %add3A_574 = arith.addf %add3A_569, %mul3A_573 : vector<8x800xf32>
    %slice3A_575 = vector.extract_strided_slice %slice3A_351 {offsets = [45, 0], sizes = [1, 800], strides = [1, 1]} : vector<64x800xf32> to vector<1x800xf32>
    %slice3A_576 = vector.extract_strided_slice %slice3A_352 {offsets = [104, 0], sizes = [8, 800], strides = [1, 1]} : vector<128x800xf32> to vector<8x800xf32>
    %mul3A_577 = vector.broadcast %slice3A_575 : vector<1x800xf32> to vector<8x800xf32>
    %mul3A_578 = arith.mulf %mul3A_577, %slice3A_576 : vector<8x800xf32>
    %add3A_579 = arith.addf %add3A_574, %mul3A_578 : vector<8x800xf32>
    %slice3A_580 = vector.extract_strided_slice %slice3A_351 {offsets = [46, 0], sizes = [1, 800], strides = [1, 1]} : vector<64x800xf32> to vector<1x800xf32>
    %slice3A_581 = vector.extract_strided_slice %slice3A_352 {offsets = [112, 0], sizes = [8, 800], strides = [1, 1]} : vector<128x800xf32> to vector<8x800xf32>
    %mul3A_582 = vector.broadcast %slice3A_580 : vector<1x800xf32> to vector<8x800xf32>
    %mul3A_583 = arith.mulf %mul3A_582, %slice3A_581 : vector<8x800xf32>
    %add3A_584 = arith.addf %add3A_579, %mul3A_583 : vector<8x800xf32>
    %slice3A_585 = vector.extract_strided_slice %slice3A_351 {offsets = [47, 0], sizes = [1, 800], strides = [1, 1]} : vector<64x800xf32> to vector<1x800xf32>
    %slice3A_586 = vector.extract_strided_slice %slice3A_352 {offsets = [120, 0], sizes = [8, 800], strides = [1, 1]} : vector<128x800xf32> to vector<8x800xf32>
    %mul3A_587 = vector.broadcast %slice3A_585 : vector<1x800xf32> to vector<8x800xf32>
    %mul3A_588 = arith.mulf %mul3A_587, %slice3A_586 : vector<8x800xf32>
    %add3A_589 = arith.addf %add3A_584, %mul3A_588 : vector<8x800xf32>
    %slice3A_590 = vector.extract_strided_slice %slice3A_351 {offsets = [48, 0], sizes = [1, 800], strides = [1, 1]} : vector<64x800xf32> to vector<1x800xf32>
    %slice3A_591 = vector.extract_strided_slice %slice3A_352 {offsets = [0, 0], sizes = [8, 800], strides = [1, 1]} : vector<128x800xf32> to vector<8x800xf32>
    %mul3A_592 = vector.broadcast %slice3A_590 : vector<1x800xf32> to vector<8x800xf32>
    %mul3A_593 = arith.mulf %mul3A_592, %slice3A_591 : vector<8x800xf32>
    %slice3A_594 = vector.extract_strided_slice %slice3A_351 {offsets = [49, 0], sizes = [1, 800], strides = [1, 1]} : vector<64x800xf32> to vector<1x800xf32>
    %slice3A_595 = vector.extract_strided_slice %slice3A_352 {offsets = [8, 0], sizes = [8, 800], strides = [1, 1]} : vector<128x800xf32> to vector<8x800xf32>
    %mul3A_596 = vector.broadcast %slice3A_594 : vector<1x800xf32> to vector<8x800xf32>
    %mul3A_597 = arith.mulf %mul3A_596, %slice3A_595 : vector<8x800xf32>
    %add3A_598 = arith.addf %mul3A_593, %mul3A_597 : vector<8x800xf32>
    %slice3A_599 = vector.extract_strided_slice %slice3A_351 {offsets = [50, 0], sizes = [1, 800], strides = [1, 1]} : vector<64x800xf32> to vector<1x800xf32>
    %slice3A_600 = vector.extract_strided_slice %slice3A_352 {offsets = [16, 0], sizes = [8, 800], strides = [1, 1]} : vector<128x800xf32> to vector<8x800xf32>
    %mul3A_601 = vector.broadcast %slice3A_599 : vector<1x800xf32> to vector<8x800xf32>
    %mul3A_602 = arith.mulf %mul3A_601, %slice3A_600 : vector<8x800xf32>
    %add3A_603 = arith.addf %add3A_598, %mul3A_602 : vector<8x800xf32>
    %slice3A_604 = vector.extract_strided_slice %slice3A_351 {offsets = [51, 0], sizes = [1, 800], strides = [1, 1]} : vector<64x800xf32> to vector<1x800xf32>
    %slice3A_605 = vector.extract_strided_slice %slice3A_352 {offsets = [24, 0], sizes = [8, 800], strides = [1, 1]} : vector<128x800xf32> to vector<8x800xf32>
    %mul3A_606 = vector.broadcast %slice3A_604 : vector<1x800xf32> to vector<8x800xf32>
    %mul3A_607 = arith.mulf %mul3A_606, %slice3A_605 : vector<8x800xf32>
    %add3A_608 = arith.addf %add3A_603, %mul3A_607 : vector<8x800xf32>
    %slice3A_609 = vector.extract_strided_slice %slice3A_351 {offsets = [52, 0], sizes = [1, 800], strides = [1, 1]} : vector<64x800xf32> to vector<1x800xf32>
    %slice3A_610 = vector.extract_strided_slice %slice3A_352 {offsets = [32, 0], sizes = [8, 800], strides = [1, 1]} : vector<128x800xf32> to vector<8x800xf32>
    %mul3A_611 = vector.broadcast %slice3A_609 : vector<1x800xf32> to vector<8x800xf32>
    %mul3A_612 = arith.mulf %mul3A_611, %slice3A_610 : vector<8x800xf32>
    %add3A_613 = arith.addf %add3A_608, %mul3A_612 : vector<8x800xf32>
    %slice3A_614 = vector.extract_strided_slice %slice3A_351 {offsets = [53, 0], sizes = [1, 800], strides = [1, 1]} : vector<64x800xf32> to vector<1x800xf32>
    %slice3A_615 = vector.extract_strided_slice %slice3A_352 {offsets = [40, 0], sizes = [8, 800], strides = [1, 1]} : vector<128x800xf32> to vector<8x800xf32>
    %mul3A_616 = vector.broadcast %slice3A_614 : vector<1x800xf32> to vector<8x800xf32>
    %mul3A_617 = arith.mulf %mul3A_616, %slice3A_615 : vector<8x800xf32>
    %add3A_618 = arith.addf %add3A_613, %mul3A_617 : vector<8x800xf32>
    %slice3A_619 = vector.extract_strided_slice %slice3A_351 {offsets = [54, 0], sizes = [1, 800], strides = [1, 1]} : vector<64x800xf32> to vector<1x800xf32>
    %slice3A_620 = vector.extract_strided_slice %slice3A_352 {offsets = [48, 0], sizes = [8, 800], strides = [1, 1]} : vector<128x800xf32> to vector<8x800xf32>
    %mul3A_621 = vector.broadcast %slice3A_619 : vector<1x800xf32> to vector<8x800xf32>
    %mul3A_622 = arith.mulf %mul3A_621, %slice3A_620 : vector<8x800xf32>
    %add3A_623 = arith.addf %add3A_618, %mul3A_622 : vector<8x800xf32>
    %slice3A_624 = vector.extract_strided_slice %slice3A_351 {offsets = [55, 0], sizes = [1, 800], strides = [1, 1]} : vector<64x800xf32> to vector<1x800xf32>
    %slice3A_625 = vector.extract_strided_slice %slice3A_352 {offsets = [56, 0], sizes = [8, 800], strides = [1, 1]} : vector<128x800xf32> to vector<8x800xf32>
    %mul3A_626 = vector.broadcast %slice3A_624 : vector<1x800xf32> to vector<8x800xf32>
    %mul3A_627 = arith.mulf %mul3A_626, %slice3A_625 : vector<8x800xf32>
    %add3A_628 = arith.addf %add3A_623, %mul3A_627 : vector<8x800xf32>
    %slice3A_629 = vector.extract_strided_slice %slice3A_351 {offsets = [56, 0], sizes = [1, 800], strides = [1, 1]} : vector<64x800xf32> to vector<1x800xf32>
    %slice3A_630 = vector.extract_strided_slice %slice3A_352 {offsets = [64, 0], sizes = [8, 800], strides = [1, 1]} : vector<128x800xf32> to vector<8x800xf32>
    %mul3A_631 = vector.broadcast %slice3A_629 : vector<1x800xf32> to vector<8x800xf32>
    %mul3A_632 = arith.mulf %mul3A_631, %slice3A_630 : vector<8x800xf32>
    %add3A_633 = arith.addf %add3A_628, %mul3A_632 : vector<8x800xf32>
    %slice3A_634 = vector.extract_strided_slice %slice3A_351 {offsets = [57, 0], sizes = [1, 800], strides = [1, 1]} : vector<64x800xf32> to vector<1x800xf32>
    %slice3A_635 = vector.extract_strided_slice %slice3A_352 {offsets = [72, 0], sizes = [8, 800], strides = [1, 1]} : vector<128x800xf32> to vector<8x800xf32>
    %mul3A_636 = vector.broadcast %slice3A_634 : vector<1x800xf32> to vector<8x800xf32>
    %mul3A_637 = arith.mulf %mul3A_636, %slice3A_635 : vector<8x800xf32>
    %add3A_638 = arith.addf %add3A_633, %mul3A_637 : vector<8x800xf32>
    %slice3A_639 = vector.extract_strided_slice %slice3A_351 {offsets = [58, 0], sizes = [1, 800], strides = [1, 1]} : vector<64x800xf32> to vector<1x800xf32>
    %slice3A_640 = vector.extract_strided_slice %slice3A_352 {offsets = [80, 0], sizes = [8, 800], strides = [1, 1]} : vector<128x800xf32> to vector<8x800xf32>
    %mul3A_641 = vector.broadcast %slice3A_639 : vector<1x800xf32> to vector<8x800xf32>
    %mul3A_642 = arith.mulf %mul3A_641, %slice3A_640 : vector<8x800xf32>
    %add3A_643 = arith.addf %add3A_638, %mul3A_642 : vector<8x800xf32>
    %slice3A_644 = vector.extract_strided_slice %slice3A_351 {offsets = [59, 0], sizes = [1, 800], strides = [1, 1]} : vector<64x800xf32> to vector<1x800xf32>
    %slice3A_645 = vector.extract_strided_slice %slice3A_352 {offsets = [88, 0], sizes = [8, 800], strides = [1, 1]} : vector<128x800xf32> to vector<8x800xf32>
    %mul3A_646 = vector.broadcast %slice3A_644 : vector<1x800xf32> to vector<8x800xf32>
    %mul3A_647 = arith.mulf %mul3A_646, %slice3A_645 : vector<8x800xf32>
    %add3A_648 = arith.addf %add3A_643, %mul3A_647 : vector<8x800xf32>
    %slice3A_649 = vector.extract_strided_slice %slice3A_351 {offsets = [60, 0], sizes = [1, 800], strides = [1, 1]} : vector<64x800xf32> to vector<1x800xf32>
    %slice3A_650 = vector.extract_strided_slice %slice3A_352 {offsets = [96, 0], sizes = [8, 800], strides = [1, 1]} : vector<128x800xf32> to vector<8x800xf32>
    %mul3A_651 = vector.broadcast %slice3A_649 : vector<1x800xf32> to vector<8x800xf32>
    %mul3A_652 = arith.mulf %mul3A_651, %slice3A_650 : vector<8x800xf32>
    %add3A_653 = arith.addf %add3A_648, %mul3A_652 : vector<8x800xf32>
    %slice3A_654 = vector.extract_strided_slice %slice3A_351 {offsets = [61, 0], sizes = [1, 800], strides = [1, 1]} : vector<64x800xf32> to vector<1x800xf32>
    %slice3A_655 = vector.extract_strided_slice %slice3A_352 {offsets = [104, 0], sizes = [8, 800], strides = [1, 1]} : vector<128x800xf32> to vector<8x800xf32>
    %mul3A_656 = vector.broadcast %slice3A_654 : vector<1x800xf32> to vector<8x800xf32>
    %mul3A_657 = arith.mulf %mul3A_656, %slice3A_655 : vector<8x800xf32>
    %add3A_658 = arith.addf %add3A_653, %mul3A_657 : vector<8x800xf32>
    %slice3A_659 = vector.extract_strided_slice %slice3A_351 {offsets = [62, 0], sizes = [1, 800], strides = [1, 1]} : vector<64x800xf32> to vector<1x800xf32>
    %slice3A_660 = vector.extract_strided_slice %slice3A_352 {offsets = [112, 0], sizes = [8, 800], strides = [1, 1]} : vector<128x800xf32> to vector<8x800xf32>
    %mul3A_661 = vector.broadcast %slice3A_659 : vector<1x800xf32> to vector<8x800xf32>
    %mul3A_662 = arith.mulf %mul3A_661, %slice3A_660 : vector<8x800xf32>
    %add3A_663 = arith.addf %add3A_658, %mul3A_662 : vector<8x800xf32>
    %slice3A_664 = vector.extract_strided_slice %slice3A_351 {offsets = [63, 0], sizes = [1, 800], strides = [1, 1]} : vector<64x800xf32> to vector<1x800xf32>
    %slice3A_665 = vector.extract_strided_slice %slice3A_352 {offsets = [120, 0], sizes = [8, 800], strides = [1, 1]} : vector<128x800xf32> to vector<8x800xf32>
    %mul3A_666 = vector.broadcast %slice3A_664 : vector<1x800xf32> to vector<8x800xf32>
    %mul3A_667 = arith.mulf %mul3A_666, %slice3A_665 : vector<8x800xf32>
    %add3A_668 = arith.addf %add3A_663, %mul3A_667 : vector<8x800xf32>
    %slice3A_669 = vector.extract_strided_slice %dot_general3A_32 {offsets = [0, 1600], sizes = [64, 800], strides = [1, 1]} : vector<64x3200xf32> to vector<64x800xf32>
    %slice3A_670 = vector.extract_strided_slice %transpose3A {offsets = [0, 1600], sizes = [128, 800], strides = [1, 1]} : vector<128x3200xf32> to vector<128x800xf32>
    %slice3A_671 = vector.extract_strided_slice %slice3A_669 {offsets = [0, 0], sizes = [1, 800], strides = [1, 1]} : vector<64x800xf32> to vector<1x800xf32>
    %slice3A_672 = vector.extract_strided_slice %slice3A_670 {offsets = [0, 0], sizes = [8, 800], strides = [1, 1]} : vector<128x800xf32> to vector<8x800xf32>
    %mul3A_673 = vector.broadcast %slice3A_671 : vector<1x800xf32> to vector<8x800xf32>
    %mul3A_674 = arith.mulf %mul3A_673, %slice3A_672 : vector<8x800xf32>
    %slice3A_675 = vector.extract_strided_slice %slice3A_669 {offsets = [1, 0], sizes = [1, 800], strides = [1, 1]} : vector<64x800xf32> to vector<1x800xf32>
    %slice3A_676 = vector.extract_strided_slice %slice3A_670 {offsets = [8, 0], sizes = [8, 800], strides = [1, 1]} : vector<128x800xf32> to vector<8x800xf32>
    %mul3A_677 = vector.broadcast %slice3A_675 : vector<1x800xf32> to vector<8x800xf32>
    %mul3A_678 = arith.mulf %mul3A_677, %slice3A_676 : vector<8x800xf32>
    %add3A_679 = arith.addf %mul3A_674, %mul3A_678 : vector<8x800xf32>
    %slice3A_680 = vector.extract_strided_slice %slice3A_669 {offsets = [2, 0], sizes = [1, 800], strides = [1, 1]} : vector<64x800xf32> to vector<1x800xf32>
    %slice3A_681 = vector.extract_strided_slice %slice3A_670 {offsets = [16, 0], sizes = [8, 800], strides = [1, 1]} : vector<128x800xf32> to vector<8x800xf32>
    %mul3A_682 = vector.broadcast %slice3A_680 : vector<1x800xf32> to vector<8x800xf32>
    %mul3A_683 = arith.mulf %mul3A_682, %slice3A_681 : vector<8x800xf32>
    %add3A_684 = arith.addf %add3A_679, %mul3A_683 : vector<8x800xf32>
    %slice3A_685 = vector.extract_strided_slice %slice3A_669 {offsets = [3, 0], sizes = [1, 800], strides = [1, 1]} : vector<64x800xf32> to vector<1x800xf32>
    %slice3A_686 = vector.extract_strided_slice %slice3A_670 {offsets = [24, 0], sizes = [8, 800], strides = [1, 1]} : vector<128x800xf32> to vector<8x800xf32>
    %mul3A_687 = vector.broadcast %slice3A_685 : vector<1x800xf32> to vector<8x800xf32>
    %mul3A_688 = arith.mulf %mul3A_687, %slice3A_686 : vector<8x800xf32>
    %add3A_689 = arith.addf %add3A_684, %mul3A_688 : vector<8x800xf32>
    %slice3A_690 = vector.extract_strided_slice %slice3A_669 {offsets = [4, 0], sizes = [1, 800], strides = [1, 1]} : vector<64x800xf32> to vector<1x800xf32>
    %slice3A_691 = vector.extract_strided_slice %slice3A_670 {offsets = [32, 0], sizes = [8, 800], strides = [1, 1]} : vector<128x800xf32> to vector<8x800xf32>
    %mul3A_692 = vector.broadcast %slice3A_690 : vector<1x800xf32> to vector<8x800xf32>
    %mul3A_693 = arith.mulf %mul3A_692, %slice3A_691 : vector<8x800xf32>
    %add3A_694 = arith.addf %add3A_689, %mul3A_693 : vector<8x800xf32>
    %slice3A_695 = vector.extract_strided_slice %slice3A_669 {offsets = [5, 0], sizes = [1, 800], strides = [1, 1]} : vector<64x800xf32> to vector<1x800xf32>
    %slice3A_696 = vector.extract_strided_slice %slice3A_670 {offsets = [40, 0], sizes = [8, 800], strides = [1, 1]} : vector<128x800xf32> to vector<8x800xf32>
    %mul3A_697 = vector.broadcast %slice3A_695 : vector<1x800xf32> to vector<8x800xf32>
    %mul3A_698 = arith.mulf %mul3A_697, %slice3A_696 : vector<8x800xf32>
    %add3A_699 = arith.addf %add3A_694, %mul3A_698 : vector<8x800xf32>
    %slice3A_700 = vector.extract_strided_slice %slice3A_669 {offsets = [6, 0], sizes = [1, 800], strides = [1, 1]} : vector<64x800xf32> to vector<1x800xf32>
    %slice3A_701 = vector.extract_strided_slice %slice3A_670 {offsets = [48, 0], sizes = [8, 800], strides = [1, 1]} : vector<128x800xf32> to vector<8x800xf32>
    %mul3A_702 = vector.broadcast %slice3A_700 : vector<1x800xf32> to vector<8x800xf32>
    %mul3A_703 = arith.mulf %mul3A_702, %slice3A_701 : vector<8x800xf32>
    %add3A_704 = arith.addf %add3A_699, %mul3A_703 : vector<8x800xf32>
    %slice3A_705 = vector.extract_strided_slice %slice3A_669 {offsets = [7, 0], sizes = [1, 800], strides = [1, 1]} : vector<64x800xf32> to vector<1x800xf32>
    %slice3A_706 = vector.extract_strided_slice %slice3A_670 {offsets = [56, 0], sizes = [8, 800], strides = [1, 1]} : vector<128x800xf32> to vector<8x800xf32>
    %mul3A_707 = vector.broadcast %slice3A_705 : vector<1x800xf32> to vector<8x800xf32>
    %mul3A_708 = arith.mulf %mul3A_707, %slice3A_706 : vector<8x800xf32>
    %add3A_709 = arith.addf %add3A_704, %mul3A_708 : vector<8x800xf32>
    %slice3A_710 = vector.extract_strided_slice %slice3A_669 {offsets = [8, 0], sizes = [1, 800], strides = [1, 1]} : vector<64x800xf32> to vector<1x800xf32>
    %slice3A_711 = vector.extract_strided_slice %slice3A_670 {offsets = [64, 0], sizes = [8, 800], strides = [1, 1]} : vector<128x800xf32> to vector<8x800xf32>
    %mul3A_712 = vector.broadcast %slice3A_710 : vector<1x800xf32> to vector<8x800xf32>
    %mul3A_713 = arith.mulf %mul3A_712, %slice3A_711 : vector<8x800xf32>
    %add3A_714 = arith.addf %add3A_709, %mul3A_713 : vector<8x800xf32>
    %slice3A_715 = vector.extract_strided_slice %slice3A_669 {offsets = [9, 0], sizes = [1, 800], strides = [1, 1]} : vector<64x800xf32> to vector<1x800xf32>
    %slice3A_716 = vector.extract_strided_slice %slice3A_670 {offsets = [72, 0], sizes = [8, 800], strides = [1, 1]} : vector<128x800xf32> to vector<8x800xf32>
    %mul3A_717 = vector.broadcast %slice3A_715 : vector<1x800xf32> to vector<8x800xf32>
    %mul3A_718 = arith.mulf %mul3A_717, %slice3A_716 : vector<8x800xf32>
    %add3A_719 = arith.addf %add3A_714, %mul3A_718 : vector<8x800xf32>
    %slice3A_720 = vector.extract_strided_slice %slice3A_669 {offsets = [10, 0], sizes = [1, 800], strides = [1, 1]} : vector<64x800xf32> to vector<1x800xf32>
    %slice3A_721 = vector.extract_strided_slice %slice3A_670 {offsets = [80, 0], sizes = [8, 800], strides = [1, 1]} : vector<128x800xf32> to vector<8x800xf32>
    %mul3A_722 = vector.broadcast %slice3A_720 : vector<1x800xf32> to vector<8x800xf32>
    %mul3A_723 = arith.mulf %mul3A_722, %slice3A_721 : vector<8x800xf32>
    %add3A_724 = arith.addf %add3A_719, %mul3A_723 : vector<8x800xf32>
    %slice3A_725 = vector.extract_strided_slice %slice3A_669 {offsets = [11, 0], sizes = [1, 800], strides = [1, 1]} : vector<64x800xf32> to vector<1x800xf32>
    %slice3A_726 = vector.extract_strided_slice %slice3A_670 {offsets = [88, 0], sizes = [8, 800], strides = [1, 1]} : vector<128x800xf32> to vector<8x800xf32>
    %mul3A_727 = vector.broadcast %slice3A_725 : vector<1x800xf32> to vector<8x800xf32>
    %mul3A_728 = arith.mulf %mul3A_727, %slice3A_726 : vector<8x800xf32>
    %add3A_729 = arith.addf %add3A_724, %mul3A_728 : vector<8x800xf32>
    %slice3A_730 = vector.extract_strided_slice %slice3A_669 {offsets = [12, 0], sizes = [1, 800], strides = [1, 1]} : vector<64x800xf32> to vector<1x800xf32>
    %slice3A_731 = vector.extract_strided_slice %slice3A_670 {offsets = [96, 0], sizes = [8, 800], strides = [1, 1]} : vector<128x800xf32> to vector<8x800xf32>
    %mul3A_732 = vector.broadcast %slice3A_730 : vector<1x800xf32> to vector<8x800xf32>
    %mul3A_733 = arith.mulf %mul3A_732, %slice3A_731 : vector<8x800xf32>
    %add3A_734 = arith.addf %add3A_729, %mul3A_733 : vector<8x800xf32>
    %slice3A_735 = vector.extract_strided_slice %slice3A_669 {offsets = [13, 0], sizes = [1, 800], strides = [1, 1]} : vector<64x800xf32> to vector<1x800xf32>
    %slice3A_736 = vector.extract_strided_slice %slice3A_670 {offsets = [104, 0], sizes = [8, 800], strides = [1, 1]} : vector<128x800xf32> to vector<8x800xf32>
    %mul3A_737 = vector.broadcast %slice3A_735 : vector<1x800xf32> to vector<8x800xf32>
    %mul3A_738 = arith.mulf %mul3A_737, %slice3A_736 : vector<8x800xf32>
    %add3A_739 = arith.addf %add3A_734, %mul3A_738 : vector<8x800xf32>
    %slice3A_740 = vector.extract_strided_slice %slice3A_669 {offsets = [14, 0], sizes = [1, 800], strides = [1, 1]} : vector<64x800xf32> to vector<1x800xf32>
    %slice3A_741 = vector.extract_strided_slice %slice3A_670 {offsets = [112, 0], sizes = [8, 800], strides = [1, 1]} : vector<128x800xf32> to vector<8x800xf32>
    %mul3A_742 = vector.broadcast %slice3A_740 : vector<1x800xf32> to vector<8x800xf32>
    %mul3A_743 = arith.mulf %mul3A_742, %slice3A_741 : vector<8x800xf32>
    %add3A_744 = arith.addf %add3A_739, %mul3A_743 : vector<8x800xf32>
    %slice3A_745 = vector.extract_strided_slice %slice3A_669 {offsets = [15, 0], sizes = [1, 800], strides = [1, 1]} : vector<64x800xf32> to vector<1x800xf32>
    %slice3A_746 = vector.extract_strided_slice %slice3A_670 {offsets = [120, 0], sizes = [8, 800], strides = [1, 1]} : vector<128x800xf32> to vector<8x800xf32>
    %mul3A_747 = vector.broadcast %slice3A_745 : vector<1x800xf32> to vector<8x800xf32>
    %mul3A_748 = arith.mulf %mul3A_747, %slice3A_746 : vector<8x800xf32>
    %add3A_749 = arith.addf %add3A_744, %mul3A_748 : vector<8x800xf32>
    %slice3A_750 = vector.extract_strided_slice %slice3A_669 {offsets = [16, 0], sizes = [1, 800], strides = [1, 1]} : vector<64x800xf32> to vector<1x800xf32>
    %slice3A_751 = vector.extract_strided_slice %slice3A_670 {offsets = [0, 0], sizes = [8, 800], strides = [1, 1]} : vector<128x800xf32> to vector<8x800xf32>
    %mul3A_752 = vector.broadcast %slice3A_750 : vector<1x800xf32> to vector<8x800xf32>
    %mul3A_753 = arith.mulf %mul3A_752, %slice3A_751 : vector<8x800xf32>
    %slice3A_754 = vector.extract_strided_slice %slice3A_669 {offsets = [17, 0], sizes = [1, 800], strides = [1, 1]} : vector<64x800xf32> to vector<1x800xf32>
    %slice3A_755 = vector.extract_strided_slice %slice3A_670 {offsets = [8, 0], sizes = [8, 800], strides = [1, 1]} : vector<128x800xf32> to vector<8x800xf32>
    %mul3A_756 = vector.broadcast %slice3A_754 : vector<1x800xf32> to vector<8x800xf32>
    %mul3A_757 = arith.mulf %mul3A_756, %slice3A_755 : vector<8x800xf32>
    %add3A_758 = arith.addf %mul3A_753, %mul3A_757 : vector<8x800xf32>
    %slice3A_759 = vector.extract_strided_slice %slice3A_669 {offsets = [18, 0], sizes = [1, 800], strides = [1, 1]} : vector<64x800xf32> to vector<1x800xf32>
    %slice3A_760 = vector.extract_strided_slice %slice3A_670 {offsets = [16, 0], sizes = [8, 800], strides = [1, 1]} : vector<128x800xf32> to vector<8x800xf32>
    %mul3A_761 = vector.broadcast %slice3A_759 : vector<1x800xf32> to vector<8x800xf32>
    %mul3A_762 = arith.mulf %mul3A_761, %slice3A_760 : vector<8x800xf32>
    %add3A_763 = arith.addf %add3A_758, %mul3A_762 : vector<8x800xf32>
    %slice3A_764 = vector.extract_strided_slice %slice3A_669 {offsets = [19, 0], sizes = [1, 800], strides = [1, 1]} : vector<64x800xf32> to vector<1x800xf32>
    %slice3A_765 = vector.extract_strided_slice %slice3A_670 {offsets = [24, 0], sizes = [8, 800], strides = [1, 1]} : vector<128x800xf32> to vector<8x800xf32>
    %mul3A_766 = vector.broadcast %slice3A_764 : vector<1x800xf32> to vector<8x800xf32>
    %mul3A_767 = arith.mulf %mul3A_766, %slice3A_765 : vector<8x800xf32>
    %add3A_768 = arith.addf %add3A_763, %mul3A_767 : vector<8x800xf32>
    %slice3A_769 = vector.extract_strided_slice %slice3A_669 {offsets = [20, 0], sizes = [1, 800], strides = [1, 1]} : vector<64x800xf32> to vector<1x800xf32>
    %slice3A_770 = vector.extract_strided_slice %slice3A_670 {offsets = [32, 0], sizes = [8, 800], strides = [1, 1]} : vector<128x800xf32> to vector<8x800xf32>
    %mul3A_771 = vector.broadcast %slice3A_769 : vector<1x800xf32> to vector<8x800xf32>
    %mul3A_772 = arith.mulf %mul3A_771, %slice3A_770 : vector<8x800xf32>
    %add3A_773 = arith.addf %add3A_768, %mul3A_772 : vector<8x800xf32>
    %slice3A_774 = vector.extract_strided_slice %slice3A_669 {offsets = [21, 0], sizes = [1, 800], strides = [1, 1]} : vector<64x800xf32> to vector<1x800xf32>
    %slice3A_775 = vector.extract_strided_slice %slice3A_670 {offsets = [40, 0], sizes = [8, 800], strides = [1, 1]} : vector<128x800xf32> to vector<8x800xf32>
    %mul3A_776 = vector.broadcast %slice3A_774 : vector<1x800xf32> to vector<8x800xf32>
    %mul3A_777 = arith.mulf %mul3A_776, %slice3A_775 : vector<8x800xf32>
    %add3A_778 = arith.addf %add3A_773, %mul3A_777 : vector<8x800xf32>
    %slice3A_779 = vector.extract_strided_slice %slice3A_669 {offsets = [22, 0], sizes = [1, 800], strides = [1, 1]} : vector<64x800xf32> to vector<1x800xf32>
    %slice3A_780 = vector.extract_strided_slice %slice3A_670 {offsets = [48, 0], sizes = [8, 800], strides = [1, 1]} : vector<128x800xf32> to vector<8x800xf32>
    %mul3A_781 = vector.broadcast %slice3A_779 : vector<1x800xf32> to vector<8x800xf32>
    %mul3A_782 = arith.mulf %mul3A_781, %slice3A_780 : vector<8x800xf32>
    %add3A_783 = arith.addf %add3A_778, %mul3A_782 : vector<8x800xf32>
    %slice3A_784 = vector.extract_strided_slice %slice3A_669 {offsets = [23, 0], sizes = [1, 800], strides = [1, 1]} : vector<64x800xf32> to vector<1x800xf32>
    %slice3A_785 = vector.extract_strided_slice %slice3A_670 {offsets = [56, 0], sizes = [8, 800], strides = [1, 1]} : vector<128x800xf32> to vector<8x800xf32>
    %mul3A_786 = vector.broadcast %slice3A_784 : vector<1x800xf32> to vector<8x800xf32>
    %mul3A_787 = arith.mulf %mul3A_786, %slice3A_785 : vector<8x800xf32>
    %add3A_788 = arith.addf %add3A_783, %mul3A_787 : vector<8x800xf32>
    %slice3A_789 = vector.extract_strided_slice %slice3A_669 {offsets = [24, 0], sizes = [1, 800], strides = [1, 1]} : vector<64x800xf32> to vector<1x800xf32>
    %slice3A_790 = vector.extract_strided_slice %slice3A_670 {offsets = [64, 0], sizes = [8, 800], strides = [1, 1]} : vector<128x800xf32> to vector<8x800xf32>
    %mul3A_791 = vector.broadcast %slice3A_789 : vector<1x800xf32> to vector<8x800xf32>
    %mul3A_792 = arith.mulf %mul3A_791, %slice3A_790 : vector<8x800xf32>
    %add3A_793 = arith.addf %add3A_788, %mul3A_792 : vector<8x800xf32>
    %slice3A_794 = vector.extract_strided_slice %slice3A_669 {offsets = [25, 0], sizes = [1, 800], strides = [1, 1]} : vector<64x800xf32> to vector<1x800xf32>
    %slice3A_795 = vector.extract_strided_slice %slice3A_670 {offsets = [72, 0], sizes = [8, 800], strides = [1, 1]} : vector<128x800xf32> to vector<8x800xf32>
    %mul3A_796 = vector.broadcast %slice3A_794 : vector<1x800xf32> to vector<8x800xf32>
    %mul3A_797 = arith.mulf %mul3A_796, %slice3A_795 : vector<8x800xf32>
    %add3A_798 = arith.addf %add3A_793, %mul3A_797 : vector<8x800xf32>
    %slice3A_799 = vector.extract_strided_slice %slice3A_669 {offsets = [26, 0], sizes = [1, 800], strides = [1, 1]} : vector<64x800xf32> to vector<1x800xf32>
    %slice3A_800 = vector.extract_strided_slice %slice3A_670 {offsets = [80, 0], sizes = [8, 800], strides = [1, 1]} : vector<128x800xf32> to vector<8x800xf32>
    %mul3A_801 = vector.broadcast %slice3A_799 : vector<1x800xf32> to vector<8x800xf32>
    %mul3A_802 = arith.mulf %mul3A_801, %slice3A_800 : vector<8x800xf32>
    %add3A_803 = arith.addf %add3A_798, %mul3A_802 : vector<8x800xf32>
    %slice3A_804 = vector.extract_strided_slice %slice3A_669 {offsets = [27, 0], sizes = [1, 800], strides = [1, 1]} : vector<64x800xf32> to vector<1x800xf32>
    %slice3A_805 = vector.extract_strided_slice %slice3A_670 {offsets = [88, 0], sizes = [8, 800], strides = [1, 1]} : vector<128x800xf32> to vector<8x800xf32>
    %mul3A_806 = vector.broadcast %slice3A_804 : vector<1x800xf32> to vector<8x800xf32>
    %mul3A_807 = arith.mulf %mul3A_806, %slice3A_805 : vector<8x800xf32>
    %add3A_808 = arith.addf %add3A_803, %mul3A_807 : vector<8x800xf32>
    %slice3A_809 = vector.extract_strided_slice %slice3A_669 {offsets = [28, 0], sizes = [1, 800], strides = [1, 1]} : vector<64x800xf32> to vector<1x800xf32>
    %slice3A_810 = vector.extract_strided_slice %slice3A_670 {offsets = [96, 0], sizes = [8, 800], strides = [1, 1]} : vector<128x800xf32> to vector<8x800xf32>
    %mul3A_811 = vector.broadcast %slice3A_809 : vector<1x800xf32> to vector<8x800xf32>
    %mul3A_812 = arith.mulf %mul3A_811, %slice3A_810 : vector<8x800xf32>
    %add3A_813 = arith.addf %add3A_808, %mul3A_812 : vector<8x800xf32>
    %slice3A_814 = vector.extract_strided_slice %slice3A_669 {offsets = [29, 0], sizes = [1, 800], strides = [1, 1]} : vector<64x800xf32> to vector<1x800xf32>
    %slice3A_815 = vector.extract_strided_slice %slice3A_670 {offsets = [104, 0], sizes = [8, 800], strides = [1, 1]} : vector<128x800xf32> to vector<8x800xf32>
    %mul3A_816 = vector.broadcast %slice3A_814 : vector<1x800xf32> to vector<8x800xf32>
    %mul3A_817 = arith.mulf %mul3A_816, %slice3A_815 : vector<8x800xf32>
    %add3A_818 = arith.addf %add3A_813, %mul3A_817 : vector<8x800xf32>
    %slice3A_819 = vector.extract_strided_slice %slice3A_669 {offsets = [30, 0], sizes = [1, 800], strides = [1, 1]} : vector<64x800xf32> to vector<1x800xf32>
    %slice3A_820 = vector.extract_strided_slice %slice3A_670 {offsets = [112, 0], sizes = [8, 800], strides = [1, 1]} : vector<128x800xf32> to vector<8x800xf32>
    %mul3A_821 = vector.broadcast %slice3A_819 : vector<1x800xf32> to vector<8x800xf32>
    %mul3A_822 = arith.mulf %mul3A_821, %slice3A_820 : vector<8x800xf32>
    %add3A_823 = arith.addf %add3A_818, %mul3A_822 : vector<8x800xf32>
    %slice3A_824 = vector.extract_strided_slice %slice3A_669 {offsets = [31, 0], sizes = [1, 800], strides = [1, 1]} : vector<64x800xf32> to vector<1x800xf32>
    %slice3A_825 = vector.extract_strided_slice %slice3A_670 {offsets = [120, 0], sizes = [8, 800], strides = [1, 1]} : vector<128x800xf32> to vector<8x800xf32>
    %mul3A_826 = vector.broadcast %slice3A_824 : vector<1x800xf32> to vector<8x800xf32>
    %mul3A_827 = arith.mulf %mul3A_826, %slice3A_825 : vector<8x800xf32>
    %add3A_828 = arith.addf %add3A_823, %mul3A_827 : vector<8x800xf32>
    %slice3A_829 = vector.extract_strided_slice %slice3A_669 {offsets = [32, 0], sizes = [1, 800], strides = [1, 1]} : vector<64x800xf32> to vector<1x800xf32>
    %slice3A_830 = vector.extract_strided_slice %slice3A_670 {offsets = [0, 0], sizes = [8, 800], strides = [1, 1]} : vector<128x800xf32> to vector<8x800xf32>
    %mul3A_831 = vector.broadcast %slice3A_829 : vector<1x800xf32> to vector<8x800xf32>
    %mul3A_832 = arith.mulf %mul3A_831, %slice3A_830 : vector<8x800xf32>
    %slice3A_833 = vector.extract_strided_slice %slice3A_669 {offsets = [33, 0], sizes = [1, 800], strides = [1, 1]} : vector<64x800xf32> to vector<1x800xf32>
    %slice3A_834 = vector.extract_strided_slice %slice3A_670 {offsets = [8, 0], sizes = [8, 800], strides = [1, 1]} : vector<128x800xf32> to vector<8x800xf32>
    %mul3A_835 = vector.broadcast %slice3A_833 : vector<1x800xf32> to vector<8x800xf32>
    %mul3A_836 = arith.mulf %mul3A_835, %slice3A_834 : vector<8x800xf32>
    %add3A_837 = arith.addf %mul3A_832, %mul3A_836 : vector<8x800xf32>
    %slice3A_838 = vector.extract_strided_slice %slice3A_669 {offsets = [34, 0], sizes = [1, 800], strides = [1, 1]} : vector<64x800xf32> to vector<1x800xf32>
    %slice3A_839 = vector.extract_strided_slice %slice3A_670 {offsets = [16, 0], sizes = [8, 800], strides = [1, 1]} : vector<128x800xf32> to vector<8x800xf32>
    %mul3A_840 = vector.broadcast %slice3A_838 : vector<1x800xf32> to vector<8x800xf32>
    %mul3A_841 = arith.mulf %mul3A_840, %slice3A_839 : vector<8x800xf32>
    %add3A_842 = arith.addf %add3A_837, %mul3A_841 : vector<8x800xf32>
    %slice3A_843 = vector.extract_strided_slice %slice3A_669 {offsets = [35, 0], sizes = [1, 800], strides = [1, 1]} : vector<64x800xf32> to vector<1x800xf32>
    %slice3A_844 = vector.extract_strided_slice %slice3A_670 {offsets = [24, 0], sizes = [8, 800], strides = [1, 1]} : vector<128x800xf32> to vector<8x800xf32>
    %mul3A_845 = vector.broadcast %slice3A_843 : vector<1x800xf32> to vector<8x800xf32>
    %mul3A_846 = arith.mulf %mul3A_845, %slice3A_844 : vector<8x800xf32>
    %add3A_847 = arith.addf %add3A_842, %mul3A_846 : vector<8x800xf32>
    %slice3A_848 = vector.extract_strided_slice %slice3A_669 {offsets = [36, 0], sizes = [1, 800], strides = [1, 1]} : vector<64x800xf32> to vector<1x800xf32>
    %slice3A_849 = vector.extract_strided_slice %slice3A_670 {offsets = [32, 0], sizes = [8, 800], strides = [1, 1]} : vector<128x800xf32> to vector<8x800xf32>
    %mul3A_850 = vector.broadcast %slice3A_848 : vector<1x800xf32> to vector<8x800xf32>
    %mul3A_851 = arith.mulf %mul3A_850, %slice3A_849 : vector<8x800xf32>
    %add3A_852 = arith.addf %add3A_847, %mul3A_851 : vector<8x800xf32>
    %slice3A_853 = vector.extract_strided_slice %slice3A_669 {offsets = [37, 0], sizes = [1, 800], strides = [1, 1]} : vector<64x800xf32> to vector<1x800xf32>
    %slice3A_854 = vector.extract_strided_slice %slice3A_670 {offsets = [40, 0], sizes = [8, 800], strides = [1, 1]} : vector<128x800xf32> to vector<8x800xf32>
    %mul3A_855 = vector.broadcast %slice3A_853 : vector<1x800xf32> to vector<8x800xf32>
    %mul3A_856 = arith.mulf %mul3A_855, %slice3A_854 : vector<8x800xf32>
    %add3A_857 = arith.addf %add3A_852, %mul3A_856 : vector<8x800xf32>
    %slice3A_858 = vector.extract_strided_slice %slice3A_669 {offsets = [38, 0], sizes = [1, 800], strides = [1, 1]} : vector<64x800xf32> to vector<1x800xf32>
    %slice3A_859 = vector.extract_strided_slice %slice3A_670 {offsets = [48, 0], sizes = [8, 800], strides = [1, 1]} : vector<128x800xf32> to vector<8x800xf32>
    %mul3A_860 = vector.broadcast %slice3A_858 : vector<1x800xf32> to vector<8x800xf32>
    %mul3A_861 = arith.mulf %mul3A_860, %slice3A_859 : vector<8x800xf32>
    %add3A_862 = arith.addf %add3A_857, %mul3A_861 : vector<8x800xf32>
    %slice3A_863 = vector.extract_strided_slice %slice3A_669 {offsets = [39, 0], sizes = [1, 800], strides = [1, 1]} : vector<64x800xf32> to vector<1x800xf32>
    %slice3A_864 = vector.extract_strided_slice %slice3A_670 {offsets = [56, 0], sizes = [8, 800], strides = [1, 1]} : vector<128x800xf32> to vector<8x800xf32>
    %mul3A_865 = vector.broadcast %slice3A_863 : vector<1x800xf32> to vector<8x800xf32>
    %mul3A_866 = arith.mulf %mul3A_865, %slice3A_864 : vector<8x800xf32>
    %add3A_867 = arith.addf %add3A_862, %mul3A_866 : vector<8x800xf32>
    %slice3A_868 = vector.extract_strided_slice %slice3A_669 {offsets = [40, 0], sizes = [1, 800], strides = [1, 1]} : vector<64x800xf32> to vector<1x800xf32>
    %slice3A_869 = vector.extract_strided_slice %slice3A_670 {offsets = [64, 0], sizes = [8, 800], strides = [1, 1]} : vector<128x800xf32> to vector<8x800xf32>
    %mul3A_870 = vector.broadcast %slice3A_868 : vector<1x800xf32> to vector<8x800xf32>
    %mul3A_871 = arith.mulf %mul3A_870, %slice3A_869 : vector<8x800xf32>
    %add3A_872 = arith.addf %add3A_867, %mul3A_871 : vector<8x800xf32>
    %slice3A_873 = vector.extract_strided_slice %slice3A_669 {offsets = [41, 0], sizes = [1, 800], strides = [1, 1]} : vector<64x800xf32> to vector<1x800xf32>
    %slice3A_874 = vector.extract_strided_slice %slice3A_670 {offsets = [72, 0], sizes = [8, 800], strides = [1, 1]} : vector<128x800xf32> to vector<8x800xf32>
    %mul3A_875 = vector.broadcast %slice3A_873 : vector<1x800xf32> to vector<8x800xf32>
    %mul3A_876 = arith.mulf %mul3A_875, %slice3A_874 : vector<8x800xf32>
    %add3A_877 = arith.addf %add3A_872, %mul3A_876 : vector<8x800xf32>
    %slice3A_878 = vector.extract_strided_slice %slice3A_669 {offsets = [42, 0], sizes = [1, 800], strides = [1, 1]} : vector<64x800xf32> to vector<1x800xf32>
    %slice3A_879 = vector.extract_strided_slice %slice3A_670 {offsets = [80, 0], sizes = [8, 800], strides = [1, 1]} : vector<128x800xf32> to vector<8x800xf32>
    %mul3A_880 = vector.broadcast %slice3A_878 : vector<1x800xf32> to vector<8x800xf32>
    %mul3A_881 = arith.mulf %mul3A_880, %slice3A_879 : vector<8x800xf32>
    %add3A_882 = arith.addf %add3A_877, %mul3A_881 : vector<8x800xf32>
    %slice3A_883 = vector.extract_strided_slice %slice3A_669 {offsets = [43, 0], sizes = [1, 800], strides = [1, 1]} : vector<64x800xf32> to vector<1x800xf32>
    %slice3A_884 = vector.extract_strided_slice %slice3A_670 {offsets = [88, 0], sizes = [8, 800], strides = [1, 1]} : vector<128x800xf32> to vector<8x800xf32>
    %mul3A_885 = vector.broadcast %slice3A_883 : vector<1x800xf32> to vector<8x800xf32>
    %mul3A_886 = arith.mulf %mul3A_885, %slice3A_884 : vector<8x800xf32>
    %add3A_887 = arith.addf %add3A_882, %mul3A_886 : vector<8x800xf32>
    %slice3A_888 = vector.extract_strided_slice %slice3A_669 {offsets = [44, 0], sizes = [1, 800], strides = [1, 1]} : vector<64x800xf32> to vector<1x800xf32>
    %slice3A_889 = vector.extract_strided_slice %slice3A_670 {offsets = [96, 0], sizes = [8, 800], strides = [1, 1]} : vector<128x800xf32> to vector<8x800xf32>
    %mul3A_890 = vector.broadcast %slice3A_888 : vector<1x800xf32> to vector<8x800xf32>
    %mul3A_891 = arith.mulf %mul3A_890, %slice3A_889 : vector<8x800xf32>
    %add3A_892 = arith.addf %add3A_887, %mul3A_891 : vector<8x800xf32>
    %slice3A_893 = vector.extract_strided_slice %slice3A_669 {offsets = [45, 0], sizes = [1, 800], strides = [1, 1]} : vector<64x800xf32> to vector<1x800xf32>
    %slice3A_894 = vector.extract_strided_slice %slice3A_670 {offsets = [104, 0], sizes = [8, 800], strides = [1, 1]} : vector<128x800xf32> to vector<8x800xf32>
    %mul3A_895 = vector.broadcast %slice3A_893 : vector<1x800xf32> to vector<8x800xf32>
    %mul3A_896 = arith.mulf %mul3A_895, %slice3A_894 : vector<8x800xf32>
    %add3A_897 = arith.addf %add3A_892, %mul3A_896 : vector<8x800xf32>
    %slice3A_898 = vector.extract_strided_slice %slice3A_669 {offsets = [46, 0], sizes = [1, 800], strides = [1, 1]} : vector<64x800xf32> to vector<1x800xf32>
    %slice3A_899 = vector.extract_strided_slice %slice3A_670 {offsets = [112, 0], sizes = [8, 800], strides = [1, 1]} : vector<128x800xf32> to vector<8x800xf32>
    %mul3A_900 = vector.broadcast %slice3A_898 : vector<1x800xf32> to vector<8x800xf32>
    %mul3A_901 = arith.mulf %mul3A_900, %slice3A_899 : vector<8x800xf32>
    %add3A_902 = arith.addf %add3A_897, %mul3A_901 : vector<8x800xf32>
    %slice3A_903 = vector.extract_strided_slice %slice3A_669 {offsets = [47, 0], sizes = [1, 800], strides = [1, 1]} : vector<64x800xf32> to vector<1x800xf32>
    %slice3A_904 = vector.extract_strided_slice %slice3A_670 {offsets = [120, 0], sizes = [8, 800], strides = [1, 1]} : vector<128x800xf32> to vector<8x800xf32>
    %mul3A_905 = vector.broadcast %slice3A_903 : vector<1x800xf32> to vector<8x800xf32>
    %mul3A_906 = arith.mulf %mul3A_905, %slice3A_904 : vector<8x800xf32>
    %add3A_907 = arith.addf %add3A_902, %mul3A_906 : vector<8x800xf32>
    %slice3A_908 = vector.extract_strided_slice %slice3A_669 {offsets = [48, 0], sizes = [1, 800], strides = [1, 1]} : vector<64x800xf32> to vector<1x800xf32>
    %slice3A_909 = vector.extract_strided_slice %slice3A_670 {offsets = [0, 0], sizes = [8, 800], strides = [1, 1]} : vector<128x800xf32> to vector<8x800xf32>
    %mul3A_910 = vector.broadcast %slice3A_908 : vector<1x800xf32> to vector<8x800xf32>
    %mul3A_911 = arith.mulf %mul3A_910, %slice3A_909 : vector<8x800xf32>
    %slice3A_912 = vector.extract_strided_slice %slice3A_669 {offsets = [49, 0], sizes = [1, 800], strides = [1, 1]} : vector<64x800xf32> to vector<1x800xf32>
    %slice3A_913 = vector.extract_strided_slice %slice3A_670 {offsets = [8, 0], sizes = [8, 800], strides = [1, 1]} : vector<128x800xf32> to vector<8x800xf32>
    %mul3A_914 = vector.broadcast %slice3A_912 : vector<1x800xf32> to vector<8x800xf32>
    %mul3A_915 = arith.mulf %mul3A_914, %slice3A_913 : vector<8x800xf32>
    %add3A_916 = arith.addf %mul3A_911, %mul3A_915 : vector<8x800xf32>
    %slice3A_917 = vector.extract_strided_slice %slice3A_669 {offsets = [50, 0], sizes = [1, 800], strides = [1, 1]} : vector<64x800xf32> to vector<1x800xf32>
    %slice3A_918 = vector.extract_strided_slice %slice3A_670 {offsets = [16, 0], sizes = [8, 800], strides = [1, 1]} : vector<128x800xf32> to vector<8x800xf32>
    %mul3A_919 = vector.broadcast %slice3A_917 : vector<1x800xf32> to vector<8x800xf32>
    %mul3A_920 = arith.mulf %mul3A_919, %slice3A_918 : vector<8x800xf32>
    %add3A_921 = arith.addf %add3A_916, %mul3A_920 : vector<8x800xf32>
    %slice3A_922 = vector.extract_strided_slice %slice3A_669 {offsets = [51, 0], sizes = [1, 800], strides = [1, 1]} : vector<64x800xf32> to vector<1x800xf32>
    %slice3A_923 = vector.extract_strided_slice %slice3A_670 {offsets = [24, 0], sizes = [8, 800], strides = [1, 1]} : vector<128x800xf32> to vector<8x800xf32>
    %mul3A_924 = vector.broadcast %slice3A_922 : vector<1x800xf32> to vector<8x800xf32>
    %mul3A_925 = arith.mulf %mul3A_924, %slice3A_923 : vector<8x800xf32>
    %add3A_926 = arith.addf %add3A_921, %mul3A_925 : vector<8x800xf32>
    %slice3A_927 = vector.extract_strided_slice %slice3A_669 {offsets = [52, 0], sizes = [1, 800], strides = [1, 1]} : vector<64x800xf32> to vector<1x800xf32>
    %slice3A_928 = vector.extract_strided_slice %slice3A_670 {offsets = [32, 0], sizes = [8, 800], strides = [1, 1]} : vector<128x800xf32> to vector<8x800xf32>
    %mul3A_929 = vector.broadcast %slice3A_927 : vector<1x800xf32> to vector<8x800xf32>
    %mul3A_930 = arith.mulf %mul3A_929, %slice3A_928 : vector<8x800xf32>
    %add3A_931 = arith.addf %add3A_926, %mul3A_930 : vector<8x800xf32>
    %slice3A_932 = vector.extract_strided_slice %slice3A_669 {offsets = [53, 0], sizes = [1, 800], strides = [1, 1]} : vector<64x800xf32> to vector<1x800xf32>
    %slice3A_933 = vector.extract_strided_slice %slice3A_670 {offsets = [40, 0], sizes = [8, 800], strides = [1, 1]} : vector<128x800xf32> to vector<8x800xf32>
    %mul3A_934 = vector.broadcast %slice3A_932 : vector<1x800xf32> to vector<8x800xf32>
    %mul3A_935 = arith.mulf %mul3A_934, %slice3A_933 : vector<8x800xf32>
    %add3A_936 = arith.addf %add3A_931, %mul3A_935 : vector<8x800xf32>
    %slice3A_937 = vector.extract_strided_slice %slice3A_669 {offsets = [54, 0], sizes = [1, 800], strides = [1, 1]} : vector<64x800xf32> to vector<1x800xf32>
    %slice3A_938 = vector.extract_strided_slice %slice3A_670 {offsets = [48, 0], sizes = [8, 800], strides = [1, 1]} : vector<128x800xf32> to vector<8x800xf32>
    %mul3A_939 = vector.broadcast %slice3A_937 : vector<1x800xf32> to vector<8x800xf32>
    %mul3A_940 = arith.mulf %mul3A_939, %slice3A_938 : vector<8x800xf32>
    %add3A_941 = arith.addf %add3A_936, %mul3A_940 : vector<8x800xf32>
    %slice3A_942 = vector.extract_strided_slice %slice3A_669 {offsets = [55, 0], sizes = [1, 800], strides = [1, 1]} : vector<64x800xf32> to vector<1x800xf32>
    %slice3A_943 = vector.extract_strided_slice %slice3A_670 {offsets = [56, 0], sizes = [8, 800], strides = [1, 1]} : vector<128x800xf32> to vector<8x800xf32>
    %mul3A_944 = vector.broadcast %slice3A_942 : vector<1x800xf32> to vector<8x800xf32>
    %mul3A_945 = arith.mulf %mul3A_944, %slice3A_943 : vector<8x800xf32>
    %add3A_946 = arith.addf %add3A_941, %mul3A_945 : vector<8x800xf32>
    %slice3A_947 = vector.extract_strided_slice %slice3A_669 {offsets = [56, 0], sizes = [1, 800], strides = [1, 1]} : vector<64x800xf32> to vector<1x800xf32>
    %slice3A_948 = vector.extract_strided_slice %slice3A_670 {offsets = [64, 0], sizes = [8, 800], strides = [1, 1]} : vector<128x800xf32> to vector<8x800xf32>
    %mul3A_949 = vector.broadcast %slice3A_947 : vector<1x800xf32> to vector<8x800xf32>
    %mul3A_950 = arith.mulf %mul3A_949, %slice3A_948 : vector<8x800xf32>
    %add3A_951 = arith.addf %add3A_946, %mul3A_950 : vector<8x800xf32>
    %slice3A_952 = vector.extract_strided_slice %slice3A_669 {offsets = [57, 0], sizes = [1, 800], strides = [1, 1]} : vector<64x800xf32> to vector<1x800xf32>
    %slice3A_953 = vector.extract_strided_slice %slice3A_670 {offsets = [72, 0], sizes = [8, 800], strides = [1, 1]} : vector<128x800xf32> to vector<8x800xf32>
    %mul3A_954 = vector.broadcast %slice3A_952 : vector<1x800xf32> to vector<8x800xf32>
    %mul3A_955 = arith.mulf %mul3A_954, %slice3A_953 : vector<8x800xf32>
    %add3A_956 = arith.addf %add3A_951, %mul3A_955 : vector<8x800xf32>
    %slice3A_957 = vector.extract_strided_slice %slice3A_669 {offsets = [58, 0], sizes = [1, 800], strides = [1, 1]} : vector<64x800xf32> to vector<1x800xf32>
    %slice3A_958 = vector.extract_strided_slice %slice3A_670 {offsets = [80, 0], sizes = [8, 800], strides = [1, 1]} : vector<128x800xf32> to vector<8x800xf32>
    %mul3A_959 = vector.broadcast %slice3A_957 : vector<1x800xf32> to vector<8x800xf32>
    %mul3A_960 = arith.mulf %mul3A_959, %slice3A_958 : vector<8x800xf32>
    %add3A_961 = arith.addf %add3A_956, %mul3A_960 : vector<8x800xf32>
    %slice3A_962 = vector.extract_strided_slice %slice3A_669 {offsets = [59, 0], sizes = [1, 800], strides = [1, 1]} : vector<64x800xf32> to vector<1x800xf32>
    %slice3A_963 = vector.extract_strided_slice %slice3A_670 {offsets = [88, 0], sizes = [8, 800], strides = [1, 1]} : vector<128x800xf32> to vector<8x800xf32>
    %mul3A_964 = vector.broadcast %slice3A_962 : vector<1x800xf32> to vector<8x800xf32>
    %mul3A_965 = arith.mulf %mul3A_964, %slice3A_963 : vector<8x800xf32>
    %add3A_966 = arith.addf %add3A_961, %mul3A_965 : vector<8x800xf32>
    %slice3A_967 = vector.extract_strided_slice %slice3A_669 {offsets = [60, 0], sizes = [1, 800], strides = [1, 1]} : vector<64x800xf32> to vector<1x800xf32>
    %slice3A_968 = vector.extract_strided_slice %slice3A_670 {offsets = [96, 0], sizes = [8, 800], strides = [1, 1]} : vector<128x800xf32> to vector<8x800xf32>
    %mul3A_969 = vector.broadcast %slice3A_967 : vector<1x800xf32> to vector<8x800xf32>
    %mul3A_970 = arith.mulf %mul3A_969, %slice3A_968 : vector<8x800xf32>
    %add3A_971 = arith.addf %add3A_966, %mul3A_970 : vector<8x800xf32>
    %slice3A_972 = vector.extract_strided_slice %slice3A_669 {offsets = [61, 0], sizes = [1, 800], strides = [1, 1]} : vector<64x800xf32> to vector<1x800xf32>
    %slice3A_973 = vector.extract_strided_slice %slice3A_670 {offsets = [104, 0], sizes = [8, 800], strides = [1, 1]} : vector<128x800xf32> to vector<8x800xf32>
    %mul3A_974 = vector.broadcast %slice3A_972 : vector<1x800xf32> to vector<8x800xf32>
    %mul3A_975 = arith.mulf %mul3A_974, %slice3A_973 : vector<8x800xf32>
    %add3A_976 = arith.addf %add3A_971, %mul3A_975 : vector<8x800xf32>
    %slice3A_977 = vector.extract_strided_slice %slice3A_669 {offsets = [62, 0], sizes = [1, 800], strides = [1, 1]} : vector<64x800xf32> to vector<1x800xf32>
    %slice3A_978 = vector.extract_strided_slice %slice3A_670 {offsets = [112, 0], sizes = [8, 800], strides = [1, 1]} : vector<128x800xf32> to vector<8x800xf32>
    %mul3A_979 = vector.broadcast %slice3A_977 : vector<1x800xf32> to vector<8x800xf32>
    %mul3A_980 = arith.mulf %mul3A_979, %slice3A_978 : vector<8x800xf32>
    %add3A_981 = arith.addf %add3A_976, %mul3A_980 : vector<8x800xf32>
    %slice3A_982 = vector.extract_strided_slice %slice3A_669 {offsets = [63, 0], sizes = [1, 800], strides = [1, 1]} : vector<64x800xf32> to vector<1x800xf32>
    %slice3A_983 = vector.extract_strided_slice %slice3A_670 {offsets = [120, 0], sizes = [8, 800], strides = [1, 1]} : vector<128x800xf32> to vector<8x800xf32>
    %mul3A_984 = vector.broadcast %slice3A_982 : vector<1x800xf32> to vector<8x800xf32>
    %mul3A_985 = arith.mulf %mul3A_984, %slice3A_983 : vector<8x800xf32>
    %add3A_986 = arith.addf %add3A_981, %mul3A_985 : vector<8x800xf32>
    %slice3A_987 = vector.extract_strided_slice %dot_general3A_32 {offsets = [0, 2400], sizes = [64, 800], strides = [1, 1]} : vector<64x3200xf32> to vector<64x800xf32>
    %slice3A_988 = vector.extract_strided_slice %transpose3A {offsets = [0, 2400], sizes = [128, 800], strides = [1, 1]} : vector<128x3200xf32> to vector<128x800xf32>
    %slice3A_989 = vector.extract_strided_slice %slice3A_987 {offsets = [0, 0], sizes = [1, 800], strides = [1, 1]} : vector<64x800xf32> to vector<1x800xf32>
    %slice3A_990 = vector.extract_strided_slice %slice3A_988 {offsets = [0, 0], sizes = [8, 800], strides = [1, 1]} : vector<128x800xf32> to vector<8x800xf32>
    %mul3A_991 = vector.broadcast %slice3A_989 : vector<1x800xf32> to vector<8x800xf32>
    %mul3A_992 = arith.mulf %mul3A_991, %slice3A_990 : vector<8x800xf32>
    %slice3A_993 = vector.extract_strided_slice %slice3A_987 {offsets = [1, 0], sizes = [1, 800], strides = [1, 1]} : vector<64x800xf32> to vector<1x800xf32>
    %slice3A_994 = vector.extract_strided_slice %slice3A_988 {offsets = [8, 0], sizes = [8, 800], strides = [1, 1]} : vector<128x800xf32> to vector<8x800xf32>
    %mul3A_995 = vector.broadcast %slice3A_993 : vector<1x800xf32> to vector<8x800xf32>
    %mul3A_996 = arith.mulf %mul3A_995, %slice3A_994 : vector<8x800xf32>
    %add3A_997 = arith.addf %mul3A_992, %mul3A_996 : vector<8x800xf32>
    %slice3A_998 = vector.extract_strided_slice %slice3A_987 {offsets = [2, 0], sizes = [1, 800], strides = [1, 1]} : vector<64x800xf32> to vector<1x800xf32>
    %slice3A_999 = vector.extract_strided_slice %slice3A_988 {offsets = [16, 0], sizes = [8, 800], strides = [1, 1]} : vector<128x800xf32> to vector<8x800xf32>
    %mul3A_1000 = vector.broadcast %slice3A_998 : vector<1x800xf32> to vector<8x800xf32>
    %mul3A_1001 = arith.mulf %mul3A_1000, %slice3A_999 : vector<8x800xf32>
    %add3A_1002 = arith.addf %add3A_997, %mul3A_1001 : vector<8x800xf32>
    %slice3A_1003 = vector.extract_strided_slice %slice3A_987 {offsets = [3, 0], sizes = [1, 800], strides = [1, 1]} : vector<64x800xf32> to vector<1x800xf32>
    %slice3A_1004 = vector.extract_strided_slice %slice3A_988 {offsets = [24, 0], sizes = [8, 800], strides = [1, 1]} : vector<128x800xf32> to vector<8x800xf32>
    %mul3A_1005 = vector.broadcast %slice3A_1003 : vector<1x800xf32> to vector<8x800xf32>
    %mul3A_1006 = arith.mulf %mul3A_1005, %slice3A_1004 : vector<8x800xf32>
    %add3A_1007 = arith.addf %add3A_1002, %mul3A_1006 : vector<8x800xf32>
    %slice3A_1008 = vector.extract_strided_slice %slice3A_987 {offsets = [4, 0], sizes = [1, 800], strides = [1, 1]} : vector<64x800xf32> to vector<1x800xf32>
    %slice3A_1009 = vector.extract_strided_slice %slice3A_988 {offsets = [32, 0], sizes = [8, 800], strides = [1, 1]} : vector<128x800xf32> to vector<8x800xf32>
    %mul3A_1010 = vector.broadcast %slice3A_1008 : vector<1x800xf32> to vector<8x800xf32>
    %mul3A_1011 = arith.mulf %mul3A_1010, %slice3A_1009 : vector<8x800xf32>
    %add3A_1012 = arith.addf %add3A_1007, %mul3A_1011 : vector<8x800xf32>
    %slice3A_1013 = vector.extract_strided_slice %slice3A_987 {offsets = [5, 0], sizes = [1, 800], strides = [1, 1]} : vector<64x800xf32> to vector<1x800xf32>
    %slice3A_1014 = vector.extract_strided_slice %slice3A_988 {offsets = [40, 0], sizes = [8, 800], strides = [1, 1]} : vector<128x800xf32> to vector<8x800xf32>
    %mul3A_1015 = vector.broadcast %slice3A_1013 : vector<1x800xf32> to vector<8x800xf32>
    %mul3A_1016 = arith.mulf %mul3A_1015, %slice3A_1014 : vector<8x800xf32>
    %add3A_1017 = arith.addf %add3A_1012, %mul3A_1016 : vector<8x800xf32>
    %slice3A_1018 = vector.extract_strided_slice %slice3A_987 {offsets = [6, 0], sizes = [1, 800], strides = [1, 1]} : vector<64x800xf32> to vector<1x800xf32>
    %slice3A_1019 = vector.extract_strided_slice %slice3A_988 {offsets = [48, 0], sizes = [8, 800], strides = [1, 1]} : vector<128x800xf32> to vector<8x800xf32>
    %mul3A_1020 = vector.broadcast %slice3A_1018 : vector<1x800xf32> to vector<8x800xf32>
    %mul3A_1021 = arith.mulf %mul3A_1020, %slice3A_1019 : vector<8x800xf32>
    %add3A_1022 = arith.addf %add3A_1017, %mul3A_1021 : vector<8x800xf32>
    %slice3A_1023 = vector.extract_strided_slice %slice3A_987 {offsets = [7, 0], sizes = [1, 800], strides = [1, 1]} : vector<64x800xf32> to vector<1x800xf32>
    %slice3A_1024 = vector.extract_strided_slice %slice3A_988 {offsets = [56, 0], sizes = [8, 800], strides = [1, 1]} : vector<128x800xf32> to vector<8x800xf32>
    %mul3A_1025 = vector.broadcast %slice3A_1023 : vector<1x800xf32> to vector<8x800xf32>
    %mul3A_1026 = arith.mulf %mul3A_1025, %slice3A_1024 : vector<8x800xf32>
    %add3A_1027 = arith.addf %add3A_1022, %mul3A_1026 : vector<8x800xf32>
    %slice3A_1028 = vector.extract_strided_slice %slice3A_987 {offsets = [8, 0], sizes = [1, 800], strides = [1, 1]} : vector<64x800xf32> to vector<1x800xf32>
    %slice3A_1029 = vector.extract_strided_slice %slice3A_988 {offsets = [64, 0], sizes = [8, 800], strides = [1, 1]} : vector<128x800xf32> to vector<8x800xf32>
    %mul3A_1030 = vector.broadcast %slice3A_1028 : vector<1x800xf32> to vector<8x800xf32>
    %mul3A_1031 = arith.mulf %mul3A_1030, %slice3A_1029 : vector<8x800xf32>
    %add3A_1032 = arith.addf %add3A_1027, %mul3A_1031 : vector<8x800xf32>
    %slice3A_1033 = vector.extract_strided_slice %slice3A_987 {offsets = [9, 0], sizes = [1, 800], strides = [1, 1]} : vector<64x800xf32> to vector<1x800xf32>
    %slice3A_1034 = vector.extract_strided_slice %slice3A_988 {offsets = [72, 0], sizes = [8, 800], strides = [1, 1]} : vector<128x800xf32> to vector<8x800xf32>
    %mul3A_1035 = vector.broadcast %slice3A_1033 : vector<1x800xf32> to vector<8x800xf32>
    %mul3A_1036 = arith.mulf %mul3A_1035, %slice3A_1034 : vector<8x800xf32>
    %add3A_1037 = arith.addf %add3A_1032, %mul3A_1036 : vector<8x800xf32>
    %slice3A_1038 = vector.extract_strided_slice %slice3A_987 {offsets = [10, 0], sizes = [1, 800], strides = [1, 1]} : vector<64x800xf32> to vector<1x800xf32>
    %slice3A_1039 = vector.extract_strided_slice %slice3A_988 {offsets = [80, 0], sizes = [8, 800], strides = [1, 1]} : vector<128x800xf32> to vector<8x800xf32>
    %mul3A_1040 = vector.broadcast %slice3A_1038 : vector<1x800xf32> to vector<8x800xf32>
    %mul3A_1041 = arith.mulf %mul3A_1040, %slice3A_1039 : vector<8x800xf32>
    %add3A_1042 = arith.addf %add3A_1037, %mul3A_1041 : vector<8x800xf32>
    %slice3A_1043 = vector.extract_strided_slice %slice3A_987 {offsets = [11, 0], sizes = [1, 800], strides = [1, 1]} : vector<64x800xf32> to vector<1x800xf32>
    %slice3A_1044 = vector.extract_strided_slice %slice3A_988 {offsets = [88, 0], sizes = [8, 800], strides = [1, 1]} : vector<128x800xf32> to vector<8x800xf32>
    %mul3A_1045 = vector.broadcast %slice3A_1043 : vector<1x800xf32> to vector<8x800xf32>
    %mul3A_1046 = arith.mulf %mul3A_1045, %slice3A_1044 : vector<8x800xf32>
    %add3A_1047 = arith.addf %add3A_1042, %mul3A_1046 : vector<8x800xf32>
    %slice3A_1048 = vector.extract_strided_slice %slice3A_987 {offsets = [12, 0], sizes = [1, 800], strides = [1, 1]} : vector<64x800xf32> to vector<1x800xf32>
    %slice3A_1049 = vector.extract_strided_slice %slice3A_988 {offsets = [96, 0], sizes = [8, 800], strides = [1, 1]} : vector<128x800xf32> to vector<8x800xf32>
    %mul3A_1050 = vector.broadcast %slice3A_1048 : vector<1x800xf32> to vector<8x800xf32>
    %mul3A_1051 = arith.mulf %mul3A_1050, %slice3A_1049 : vector<8x800xf32>
    %add3A_1052 = arith.addf %add3A_1047, %mul3A_1051 : vector<8x800xf32>
    %slice3A_1053 = vector.extract_strided_slice %slice3A_987 {offsets = [13, 0], sizes = [1, 800], strides = [1, 1]} : vector<64x800xf32> to vector<1x800xf32>
    %slice3A_1054 = vector.extract_strided_slice %slice3A_988 {offsets = [104, 0], sizes = [8, 800], strides = [1, 1]} : vector<128x800xf32> to vector<8x800xf32>
    %mul3A_1055 = vector.broadcast %slice3A_1053 : vector<1x800xf32> to vector<8x800xf32>
    %mul3A_1056 = arith.mulf %mul3A_1055, %slice3A_1054 : vector<8x800xf32>
    %add3A_1057 = arith.addf %add3A_1052, %mul3A_1056 : vector<8x800xf32>
    %slice3A_1058 = vector.extract_strided_slice %slice3A_987 {offsets = [14, 0], sizes = [1, 800], strides = [1, 1]} : vector<64x800xf32> to vector<1x800xf32>
    %slice3A_1059 = vector.extract_strided_slice %slice3A_988 {offsets = [112, 0], sizes = [8, 800], strides = [1, 1]} : vector<128x800xf32> to vector<8x800xf32>
    %mul3A_1060 = vector.broadcast %slice3A_1058 : vector<1x800xf32> to vector<8x800xf32>
    %mul3A_1061 = arith.mulf %mul3A_1060, %slice3A_1059 : vector<8x800xf32>
    %add3A_1062 = arith.addf %add3A_1057, %mul3A_1061 : vector<8x800xf32>
    %slice3A_1063 = vector.extract_strided_slice %slice3A_987 {offsets = [15, 0], sizes = [1, 800], strides = [1, 1]} : vector<64x800xf32> to vector<1x800xf32>
    %slice3A_1064 = vector.extract_strided_slice %slice3A_988 {offsets = [120, 0], sizes = [8, 800], strides = [1, 1]} : vector<128x800xf32> to vector<8x800xf32>
    %mul3A_1065 = vector.broadcast %slice3A_1063 : vector<1x800xf32> to vector<8x800xf32>
    %mul3A_1066 = arith.mulf %mul3A_1065, %slice3A_1064 : vector<8x800xf32>
    %add3A_1067 = arith.addf %add3A_1062, %mul3A_1066 : vector<8x800xf32>
    %slice3A_1068 = vector.extract_strided_slice %slice3A_987 {offsets = [16, 0], sizes = [1, 800], strides = [1, 1]} : vector<64x800xf32> to vector<1x800xf32>
    %slice3A_1069 = vector.extract_strided_slice %slice3A_988 {offsets = [0, 0], sizes = [8, 800], strides = [1, 1]} : vector<128x800xf32> to vector<8x800xf32>
    %mul3A_1070 = vector.broadcast %slice3A_1068 : vector<1x800xf32> to vector<8x800xf32>
    %mul3A_1071 = arith.mulf %mul3A_1070, %slice3A_1069 : vector<8x800xf32>
    %slice3A_1072 = vector.extract_strided_slice %slice3A_987 {offsets = [17, 0], sizes = [1, 800], strides = [1, 1]} : vector<64x800xf32> to vector<1x800xf32>
    %slice3A_1073 = vector.extract_strided_slice %slice3A_988 {offsets = [8, 0], sizes = [8, 800], strides = [1, 1]} : vector<128x800xf32> to vector<8x800xf32>
    %mul3A_1074 = vector.broadcast %slice3A_1072 : vector<1x800xf32> to vector<8x800xf32>
    %mul3A_1075 = arith.mulf %mul3A_1074, %slice3A_1073 : vector<8x800xf32>
    %add3A_1076 = arith.addf %mul3A_1071, %mul3A_1075 : vector<8x800xf32>
    %slice3A_1077 = vector.extract_strided_slice %slice3A_987 {offsets = [18, 0], sizes = [1, 800], strides = [1, 1]} : vector<64x800xf32> to vector<1x800xf32>
    %slice3A_1078 = vector.extract_strided_slice %slice3A_988 {offsets = [16, 0], sizes = [8, 800], strides = [1, 1]} : vector<128x800xf32> to vector<8x800xf32>
    %mul3A_1079 = vector.broadcast %slice3A_1077 : vector<1x800xf32> to vector<8x800xf32>
    %mul3A_1080 = arith.mulf %mul3A_1079, %slice3A_1078 : vector<8x800xf32>
    %add3A_1081 = arith.addf %add3A_1076, %mul3A_1080 : vector<8x800xf32>
    %slice3A_1082 = vector.extract_strided_slice %slice3A_987 {offsets = [19, 0], sizes = [1, 800], strides = [1, 1]} : vector<64x800xf32> to vector<1x800xf32>
    %slice3A_1083 = vector.extract_strided_slice %slice3A_988 {offsets = [24, 0], sizes = [8, 800], strides = [1, 1]} : vector<128x800xf32> to vector<8x800xf32>
    %mul3A_1084 = vector.broadcast %slice3A_1082 : vector<1x800xf32> to vector<8x800xf32>
    %mul3A_1085 = arith.mulf %mul3A_1084, %slice3A_1083 : vector<8x800xf32>
    %add3A_1086 = arith.addf %add3A_1081, %mul3A_1085 : vector<8x800xf32>
    %slice3A_1087 = vector.extract_strided_slice %slice3A_987 {offsets = [20, 0], sizes = [1, 800], strides = [1, 1]} : vector<64x800xf32> to vector<1x800xf32>
    %slice3A_1088 = vector.extract_strided_slice %slice3A_988 {offsets = [32, 0], sizes = [8, 800], strides = [1, 1]} : vector<128x800xf32> to vector<8x800xf32>
    %mul3A_1089 = vector.broadcast %slice3A_1087 : vector<1x800xf32> to vector<8x800xf32>
    %mul3A_1090 = arith.mulf %mul3A_1089, %slice3A_1088 : vector<8x800xf32>
    %add3A_1091 = arith.addf %add3A_1086, %mul3A_1090 : vector<8x800xf32>
    %slice3A_1092 = vector.extract_strided_slice %slice3A_987 {offsets = [21, 0], sizes = [1, 800], strides = [1, 1]} : vector<64x800xf32> to vector<1x800xf32>
    %slice3A_1093 = vector.extract_strided_slice %slice3A_988 {offsets = [40, 0], sizes = [8, 800], strides = [1, 1]} : vector<128x800xf32> to vector<8x800xf32>
    %mul3A_1094 = vector.broadcast %slice3A_1092 : vector<1x800xf32> to vector<8x800xf32>
    %mul3A_1095 = arith.mulf %mul3A_1094, %slice3A_1093 : vector<8x800xf32>
    %add3A_1096 = arith.addf %add3A_1091, %mul3A_1095 : vector<8x800xf32>
    %slice3A_1097 = vector.extract_strided_slice %slice3A_987 {offsets = [22, 0], sizes = [1, 800], strides = [1, 1]} : vector<64x800xf32> to vector<1x800xf32>
    %slice3A_1098 = vector.extract_strided_slice %slice3A_988 {offsets = [48, 0], sizes = [8, 800], strides = [1, 1]} : vector<128x800xf32> to vector<8x800xf32>
    %mul3A_1099 = vector.broadcast %slice3A_1097 : vector<1x800xf32> to vector<8x800xf32>
    %mul3A_1100 = arith.mulf %mul3A_1099, %slice3A_1098 : vector<8x800xf32>
    %add3A_1101 = arith.addf %add3A_1096, %mul3A_1100 : vector<8x800xf32>
    %slice3A_1102 = vector.extract_strided_slice %slice3A_987 {offsets = [23, 0], sizes = [1, 800], strides = [1, 1]} : vector<64x800xf32> to vector<1x800xf32>
    %slice3A_1103 = vector.extract_strided_slice %slice3A_988 {offsets = [56, 0], sizes = [8, 800], strides = [1, 1]} : vector<128x800xf32> to vector<8x800xf32>
    %mul3A_1104 = vector.broadcast %slice3A_1102 : vector<1x800xf32> to vector<8x800xf32>
    %mul3A_1105 = arith.mulf %mul3A_1104, %slice3A_1103 : vector<8x800xf32>
    %add3A_1106 = arith.addf %add3A_1101, %mul3A_1105 : vector<8x800xf32>
    %slice3A_1107 = vector.extract_strided_slice %slice3A_987 {offsets = [24, 0], sizes = [1, 800], strides = [1, 1]} : vector<64x800xf32> to vector<1x800xf32>
    %slice3A_1108 = vector.extract_strided_slice %slice3A_988 {offsets = [64, 0], sizes = [8, 800], strides = [1, 1]} : vector<128x800xf32> to vector<8x800xf32>
    %mul3A_1109 = vector.broadcast %slice3A_1107 : vector<1x800xf32> to vector<8x800xf32>
    %mul3A_1110 = arith.mulf %mul3A_1109, %slice3A_1108 : vector<8x800xf32>
    %add3A_1111 = arith.addf %add3A_1106, %mul3A_1110 : vector<8x800xf32>
    %slice3A_1112 = vector.extract_strided_slice %slice3A_987 {offsets = [25, 0], sizes = [1, 800], strides = [1, 1]} : vector<64x800xf32> to vector<1x800xf32>
    %slice3A_1113 = vector.extract_strided_slice %slice3A_988 {offsets = [72, 0], sizes = [8, 800], strides = [1, 1]} : vector<128x800xf32> to vector<8x800xf32>
    %mul3A_1114 = vector.broadcast %slice3A_1112 : vector<1x800xf32> to vector<8x800xf32>
    %mul3A_1115 = arith.mulf %mul3A_1114, %slice3A_1113 : vector<8x800xf32>
    %add3A_1116 = arith.addf %add3A_1111, %mul3A_1115 : vector<8x800xf32>
    %slice3A_1117 = vector.extract_strided_slice %slice3A_987 {offsets = [26, 0], sizes = [1, 800], strides = [1, 1]} : vector<64x800xf32> to vector<1x800xf32>
    %slice3A_1118 = vector.extract_strided_slice %slice3A_988 {offsets = [80, 0], sizes = [8, 800], strides = [1, 1]} : vector<128x800xf32> to vector<8x800xf32>
    %mul3A_1119 = vector.broadcast %slice3A_1117 : vector<1x800xf32> to vector<8x800xf32>
    %mul3A_1120 = arith.mulf %mul3A_1119, %slice3A_1118 : vector<8x800xf32>
    %add3A_1121 = arith.addf %add3A_1116, %mul3A_1120 : vector<8x800xf32>
    %slice3A_1122 = vector.extract_strided_slice %slice3A_987 {offsets = [27, 0], sizes = [1, 800], strides = [1, 1]} : vector<64x800xf32> to vector<1x800xf32>
    %slice3A_1123 = vector.extract_strided_slice %slice3A_988 {offsets = [88, 0], sizes = [8, 800], strides = [1, 1]} : vector<128x800xf32> to vector<8x800xf32>
    %mul3A_1124 = vector.broadcast %slice3A_1122 : vector<1x800xf32> to vector<8x800xf32>
    %mul3A_1125 = arith.mulf %mul3A_1124, %slice3A_1123 : vector<8x800xf32>
    %add3A_1126 = arith.addf %add3A_1121, %mul3A_1125 : vector<8x800xf32>
    %slice3A_1127 = vector.extract_strided_slice %slice3A_987 {offsets = [28, 0], sizes = [1, 800], strides = [1, 1]} : vector<64x800xf32> to vector<1x800xf32>
    %slice3A_1128 = vector.extract_strided_slice %slice3A_988 {offsets = [96, 0], sizes = [8, 800], strides = [1, 1]} : vector<128x800xf32> to vector<8x800xf32>
    %mul3A_1129 = vector.broadcast %slice3A_1127 : vector<1x800xf32> to vector<8x800xf32>
    %mul3A_1130 = arith.mulf %mul3A_1129, %slice3A_1128 : vector<8x800xf32>
    %add3A_1131 = arith.addf %add3A_1126, %mul3A_1130 : vector<8x800xf32>
    %slice3A_1132 = vector.extract_strided_slice %slice3A_987 {offsets = [29, 0], sizes = [1, 800], strides = [1, 1]} : vector<64x800xf32> to vector<1x800xf32>
    %slice3A_1133 = vector.extract_strided_slice %slice3A_988 {offsets = [104, 0], sizes = [8, 800], strides = [1, 1]} : vector<128x800xf32> to vector<8x800xf32>
    %mul3A_1134 = vector.broadcast %slice3A_1132 : vector<1x800xf32> to vector<8x800xf32>
    %mul3A_1135 = arith.mulf %mul3A_1134, %slice3A_1133 : vector<8x800xf32>
    %add3A_1136 = arith.addf %add3A_1131, %mul3A_1135 : vector<8x800xf32>
    %slice3A_1137 = vector.extract_strided_slice %slice3A_987 {offsets = [30, 0], sizes = [1, 800], strides = [1, 1]} : vector<64x800xf32> to vector<1x800xf32>
    %slice3A_1138 = vector.extract_strided_slice %slice3A_988 {offsets = [112, 0], sizes = [8, 800], strides = [1, 1]} : vector<128x800xf32> to vector<8x800xf32>
    %mul3A_1139 = vector.broadcast %slice3A_1137 : vector<1x800xf32> to vector<8x800xf32>
    %mul3A_1140 = arith.mulf %mul3A_1139, %slice3A_1138 : vector<8x800xf32>
    %add3A_1141 = arith.addf %add3A_1136, %mul3A_1140 : vector<8x800xf32>
    %slice3A_1142 = vector.extract_strided_slice %slice3A_987 {offsets = [31, 0], sizes = [1, 800], strides = [1, 1]} : vector<64x800xf32> to vector<1x800xf32>
    %slice3A_1143 = vector.extract_strided_slice %slice3A_988 {offsets = [120, 0], sizes = [8, 800], strides = [1, 1]} : vector<128x800xf32> to vector<8x800xf32>
    %mul3A_1144 = vector.broadcast %slice3A_1142 : vector<1x800xf32> to vector<8x800xf32>
    %mul3A_1145 = arith.mulf %mul3A_1144, %slice3A_1143 : vector<8x800xf32>
    %add3A_1146 = arith.addf %add3A_1141, %mul3A_1145 : vector<8x800xf32>
    %slice3A_1147 = vector.extract_strided_slice %slice3A_987 {offsets = [32, 0], sizes = [1, 800], strides = [1, 1]} : vector<64x800xf32> to vector<1x800xf32>
    %slice3A_1148 = vector.extract_strided_slice %slice3A_988 {offsets = [0, 0], sizes = [8, 800], strides = [1, 1]} : vector<128x800xf32> to vector<8x800xf32>
    %mul3A_1149 = vector.broadcast %slice3A_1147 : vector<1x800xf32> to vector<8x800xf32>
    %mul3A_1150 = arith.mulf %mul3A_1149, %slice3A_1148 : vector<8x800xf32>
    %slice3A_1151 = vector.extract_strided_slice %slice3A_987 {offsets = [33, 0], sizes = [1, 800], strides = [1, 1]} : vector<64x800xf32> to vector<1x800xf32>
    %slice3A_1152 = vector.extract_strided_slice %slice3A_988 {offsets = [8, 0], sizes = [8, 800], strides = [1, 1]} : vector<128x800xf32> to vector<8x800xf32>
    %mul3A_1153 = vector.broadcast %slice3A_1151 : vector<1x800xf32> to vector<8x800xf32>
    %mul3A_1154 = arith.mulf %mul3A_1153, %slice3A_1152 : vector<8x800xf32>
    %add3A_1155 = arith.addf %mul3A_1150, %mul3A_1154 : vector<8x800xf32>
    %slice3A_1156 = vector.extract_strided_slice %slice3A_987 {offsets = [34, 0], sizes = [1, 800], strides = [1, 1]} : vector<64x800xf32> to vector<1x800xf32>
    %slice3A_1157 = vector.extract_strided_slice %slice3A_988 {offsets = [16, 0], sizes = [8, 800], strides = [1, 1]} : vector<128x800xf32> to vector<8x800xf32>
    %mul3A_1158 = vector.broadcast %slice3A_1156 : vector<1x800xf32> to vector<8x800xf32>
    %mul3A_1159 = arith.mulf %mul3A_1158, %slice3A_1157 : vector<8x800xf32>
    %add3A_1160 = arith.addf %add3A_1155, %mul3A_1159 : vector<8x800xf32>
    %slice3A_1161 = vector.extract_strided_slice %slice3A_987 {offsets = [35, 0], sizes = [1, 800], strides = [1, 1]} : vector<64x800xf32> to vector<1x800xf32>
    %slice3A_1162 = vector.extract_strided_slice %slice3A_988 {offsets = [24, 0], sizes = [8, 800], strides = [1, 1]} : vector<128x800xf32> to vector<8x800xf32>
    %mul3A_1163 = vector.broadcast %slice3A_1161 : vector<1x800xf32> to vector<8x800xf32>
    %mul3A_1164 = arith.mulf %mul3A_1163, %slice3A_1162 : vector<8x800xf32>
    %add3A_1165 = arith.addf %add3A_1160, %mul3A_1164 : vector<8x800xf32>
    %slice3A_1166 = vector.extract_strided_slice %slice3A_987 {offsets = [36, 0], sizes = [1, 800], strides = [1, 1]} : vector<64x800xf32> to vector<1x800xf32>
    %slice3A_1167 = vector.extract_strided_slice %slice3A_988 {offsets = [32, 0], sizes = [8, 800], strides = [1, 1]} : vector<128x800xf32> to vector<8x800xf32>
    %mul3A_1168 = vector.broadcast %slice3A_1166 : vector<1x800xf32> to vector<8x800xf32>
    %mul3A_1169 = arith.mulf %mul3A_1168, %slice3A_1167 : vector<8x800xf32>
    %add3A_1170 = arith.addf %add3A_1165, %mul3A_1169 : vector<8x800xf32>
    %slice3A_1171 = vector.extract_strided_slice %slice3A_987 {offsets = [37, 0], sizes = [1, 800], strides = [1, 1]} : vector<64x800xf32> to vector<1x800xf32>
    %slice3A_1172 = vector.extract_strided_slice %slice3A_988 {offsets = [40, 0], sizes = [8, 800], strides = [1, 1]} : vector<128x800xf32> to vector<8x800xf32>
    %mul3A_1173 = vector.broadcast %slice3A_1171 : vector<1x800xf32> to vector<8x800xf32>
    %mul3A_1174 = arith.mulf %mul3A_1173, %slice3A_1172 : vector<8x800xf32>
    %add3A_1175 = arith.addf %add3A_1170, %mul3A_1174 : vector<8x800xf32>
    %slice3A_1176 = vector.extract_strided_slice %slice3A_987 {offsets = [38, 0], sizes = [1, 800], strides = [1, 1]} : vector<64x800xf32> to vector<1x800xf32>
    %slice3A_1177 = vector.extract_strided_slice %slice3A_988 {offsets = [48, 0], sizes = [8, 800], strides = [1, 1]} : vector<128x800xf32> to vector<8x800xf32>
    %mul3A_1178 = vector.broadcast %slice3A_1176 : vector<1x800xf32> to vector<8x800xf32>
    %mul3A_1179 = arith.mulf %mul3A_1178, %slice3A_1177 : vector<8x800xf32>
    %add3A_1180 = arith.addf %add3A_1175, %mul3A_1179 : vector<8x800xf32>
    %slice3A_1181 = vector.extract_strided_slice %slice3A_987 {offsets = [39, 0], sizes = [1, 800], strides = [1, 1]} : vector<64x800xf32> to vector<1x800xf32>
    %slice3A_1182 = vector.extract_strided_slice %slice3A_988 {offsets = [56, 0], sizes = [8, 800], strides = [1, 1]} : vector<128x800xf32> to vector<8x800xf32>
    %mul3A_1183 = vector.broadcast %slice3A_1181 : vector<1x800xf32> to vector<8x800xf32>
    %mul3A_1184 = arith.mulf %mul3A_1183, %slice3A_1182 : vector<8x800xf32>
    %add3A_1185 = arith.addf %add3A_1180, %mul3A_1184 : vector<8x800xf32>
    %slice3A_1186 = vector.extract_strided_slice %slice3A_987 {offsets = [40, 0], sizes = [1, 800], strides = [1, 1]} : vector<64x800xf32> to vector<1x800xf32>
    %slice3A_1187 = vector.extract_strided_slice %slice3A_988 {offsets = [64, 0], sizes = [8, 800], strides = [1, 1]} : vector<128x800xf32> to vector<8x800xf32>
    %mul3A_1188 = vector.broadcast %slice3A_1186 : vector<1x800xf32> to vector<8x800xf32>
    %mul3A_1189 = arith.mulf %mul3A_1188, %slice3A_1187 : vector<8x800xf32>
    %add3A_1190 = arith.addf %add3A_1185, %mul3A_1189 : vector<8x800xf32>
    %slice3A_1191 = vector.extract_strided_slice %slice3A_987 {offsets = [41, 0], sizes = [1, 800], strides = [1, 1]} : vector<64x800xf32> to vector<1x800xf32>
    %slice3A_1192 = vector.extract_strided_slice %slice3A_988 {offsets = [72, 0], sizes = [8, 800], strides = [1, 1]} : vector<128x800xf32> to vector<8x800xf32>
    %mul3A_1193 = vector.broadcast %slice3A_1191 : vector<1x800xf32> to vector<8x800xf32>
    %mul3A_1194 = arith.mulf %mul3A_1193, %slice3A_1192 : vector<8x800xf32>
    %add3A_1195 = arith.addf %add3A_1190, %mul3A_1194 : vector<8x800xf32>
    %slice3A_1196 = vector.extract_strided_slice %slice3A_987 {offsets = [42, 0], sizes = [1, 800], strides = [1, 1]} : vector<64x800xf32> to vector<1x800xf32>
    %slice3A_1197 = vector.extract_strided_slice %slice3A_988 {offsets = [80, 0], sizes = [8, 800], strides = [1, 1]} : vector<128x800xf32> to vector<8x800xf32>
    %mul3A_1198 = vector.broadcast %slice3A_1196 : vector<1x800xf32> to vector<8x800xf32>
    %mul3A_1199 = arith.mulf %mul3A_1198, %slice3A_1197 : vector<8x800xf32>
    %add3A_1200 = arith.addf %add3A_1195, %mul3A_1199 : vector<8x800xf32>
    %slice3A_1201 = vector.extract_strided_slice %slice3A_987 {offsets = [43, 0], sizes = [1, 800], strides = [1, 1]} : vector<64x800xf32> to vector<1x800xf32>
    %slice3A_1202 = vector.extract_strided_slice %slice3A_988 {offsets = [88, 0], sizes = [8, 800], strides = [1, 1]} : vector<128x800xf32> to vector<8x800xf32>
    %mul3A_1203 = vector.broadcast %slice3A_1201 : vector<1x800xf32> to vector<8x800xf32>
    %mul3A_1204 = arith.mulf %mul3A_1203, %slice3A_1202 : vector<8x800xf32>
    %add3A_1205 = arith.addf %add3A_1200, %mul3A_1204 : vector<8x800xf32>
    %slice3A_1206 = vector.extract_strided_slice %slice3A_987 {offsets = [44, 0], sizes = [1, 800], strides = [1, 1]} : vector<64x800xf32> to vector<1x800xf32>
    %slice3A_1207 = vector.extract_strided_slice %slice3A_988 {offsets = [96, 0], sizes = [8, 800], strides = [1, 1]} : vector<128x800xf32> to vector<8x800xf32>
    %mul3A_1208 = vector.broadcast %slice3A_1206 : vector<1x800xf32> to vector<8x800xf32>
    %mul3A_1209 = arith.mulf %mul3A_1208, %slice3A_1207 : vector<8x800xf32>
    %add3A_1210 = arith.addf %add3A_1205, %mul3A_1209 : vector<8x800xf32>
    %slice3A_1211 = vector.extract_strided_slice %slice3A_987 {offsets = [45, 0], sizes = [1, 800], strides = [1, 1]} : vector<64x800xf32> to vector<1x800xf32>
    %slice3A_1212 = vector.extract_strided_slice %slice3A_988 {offsets = [104, 0], sizes = [8, 800], strides = [1, 1]} : vector<128x800xf32> to vector<8x800xf32>
    %mul3A_1213 = vector.broadcast %slice3A_1211 : vector<1x800xf32> to vector<8x800xf32>
    %mul3A_1214 = arith.mulf %mul3A_1213, %slice3A_1212 : vector<8x800xf32>
    %add3A_1215 = arith.addf %add3A_1210, %mul3A_1214 : vector<8x800xf32>
    %slice3A_1216 = vector.extract_strided_slice %slice3A_987 {offsets = [46, 0], sizes = [1, 800], strides = [1, 1]} : vector<64x800xf32> to vector<1x800xf32>
    %slice3A_1217 = vector.extract_strided_slice %slice3A_988 {offsets = [112, 0], sizes = [8, 800], strides = [1, 1]} : vector<128x800xf32> to vector<8x800xf32>
    %mul3A_1218 = vector.broadcast %slice3A_1216 : vector<1x800xf32> to vector<8x800xf32>
    %mul3A_1219 = arith.mulf %mul3A_1218, %slice3A_1217 : vector<8x800xf32>
    %add3A_1220 = arith.addf %add3A_1215, %mul3A_1219 : vector<8x800xf32>
    %slice3A_1221 = vector.extract_strided_slice %slice3A_987 {offsets = [47, 0], sizes = [1, 800], strides = [1, 1]} : vector<64x800xf32> to vector<1x800xf32>
    %slice3A_1222 = vector.extract_strided_slice %slice3A_988 {offsets = [120, 0], sizes = [8, 800], strides = [1, 1]} : vector<128x800xf32> to vector<8x800xf32>
    %mul3A_1223 = vector.broadcast %slice3A_1221 : vector<1x800xf32> to vector<8x800xf32>
    %mul3A_1224 = arith.mulf %mul3A_1223, %slice3A_1222 : vector<8x800xf32>
    %add3A_1225 = arith.addf %add3A_1220, %mul3A_1224 : vector<8x800xf32>
    %slice3A_1226 = vector.extract_strided_slice %slice3A_987 {offsets = [48, 0], sizes = [1, 800], strides = [1, 1]} : vector<64x800xf32> to vector<1x800xf32>
    %slice3A_1227 = vector.extract_strided_slice %slice3A_988 {offsets = [0, 0], sizes = [8, 800], strides = [1, 1]} : vector<128x800xf32> to vector<8x800xf32>
    %mul3A_1228 = vector.broadcast %slice3A_1226 : vector<1x800xf32> to vector<8x800xf32>
    %mul3A_1229 = arith.mulf %mul3A_1228, %slice3A_1227 : vector<8x800xf32>
    %slice3A_1230 = vector.extract_strided_slice %slice3A_987 {offsets = [49, 0], sizes = [1, 800], strides = [1, 1]} : vector<64x800xf32> to vector<1x800xf32>
    %slice3A_1231 = vector.extract_strided_slice %slice3A_988 {offsets = [8, 0], sizes = [8, 800], strides = [1, 1]} : vector<128x800xf32> to vector<8x800xf32>
    %mul3A_1232 = vector.broadcast %slice3A_1230 : vector<1x800xf32> to vector<8x800xf32>
    %mul3A_1233 = arith.mulf %mul3A_1232, %slice3A_1231 : vector<8x800xf32>
    %add3A_1234 = arith.addf %mul3A_1229, %mul3A_1233 : vector<8x800xf32>
    %slice3A_1235 = vector.extract_strided_slice %slice3A_987 {offsets = [50, 0], sizes = [1, 800], strides = [1, 1]} : vector<64x800xf32> to vector<1x800xf32>
    %slice3A_1236 = vector.extract_strided_slice %slice3A_988 {offsets = [16, 0], sizes = [8, 800], strides = [1, 1]} : vector<128x800xf32> to vector<8x800xf32>
    %mul3A_1237 = vector.broadcast %slice3A_1235 : vector<1x800xf32> to vector<8x800xf32>
    %mul3A_1238 = arith.mulf %mul3A_1237, %slice3A_1236 : vector<8x800xf32>
    %add3A_1239 = arith.addf %add3A_1234, %mul3A_1238 : vector<8x800xf32>
    %slice3A_1240 = vector.extract_strided_slice %slice3A_987 {offsets = [51, 0], sizes = [1, 800], strides = [1, 1]} : vector<64x800xf32> to vector<1x800xf32>
    %slice3A_1241 = vector.extract_strided_slice %slice3A_988 {offsets = [24, 0], sizes = [8, 800], strides = [1, 1]} : vector<128x800xf32> to vector<8x800xf32>
    %mul3A_1242 = vector.broadcast %slice3A_1240 : vector<1x800xf32> to vector<8x800xf32>
    %mul3A_1243 = arith.mulf %mul3A_1242, %slice3A_1241 : vector<8x800xf32>
    %add3A_1244 = arith.addf %add3A_1239, %mul3A_1243 : vector<8x800xf32>
    %slice3A_1245 = vector.extract_strided_slice %slice3A_987 {offsets = [52, 0], sizes = [1, 800], strides = [1, 1]} : vector<64x800xf32> to vector<1x800xf32>
    %slice3A_1246 = vector.extract_strided_slice %slice3A_988 {offsets = [32, 0], sizes = [8, 800], strides = [1, 1]} : vector<128x800xf32> to vector<8x800xf32>
    %mul3A_1247 = vector.broadcast %slice3A_1245 : vector<1x800xf32> to vector<8x800xf32>
    %mul3A_1248 = arith.mulf %mul3A_1247, %slice3A_1246 : vector<8x800xf32>
    %add3A_1249 = arith.addf %add3A_1244, %mul3A_1248 : vector<8x800xf32>
    %slice3A_1250 = vector.extract_strided_slice %slice3A_987 {offsets = [53, 0], sizes = [1, 800], strides = [1, 1]} : vector<64x800xf32> to vector<1x800xf32>
    %slice3A_1251 = vector.extract_strided_slice %slice3A_988 {offsets = [40, 0], sizes = [8, 800], strides = [1, 1]} : vector<128x800xf32> to vector<8x800xf32>
    %mul3A_1252 = vector.broadcast %slice3A_1250 : vector<1x800xf32> to vector<8x800xf32>
    %mul3A_1253 = arith.mulf %mul3A_1252, %slice3A_1251 : vector<8x800xf32>
    %add3A_1254 = arith.addf %add3A_1249, %mul3A_1253 : vector<8x800xf32>
    %slice3A_1255 = vector.extract_strided_slice %slice3A_987 {offsets = [54, 0], sizes = [1, 800], strides = [1, 1]} : vector<64x800xf32> to vector<1x800xf32>
    %slice3A_1256 = vector.extract_strided_slice %slice3A_988 {offsets = [48, 0], sizes = [8, 800], strides = [1, 1]} : vector<128x800xf32> to vector<8x800xf32>
    %mul3A_1257 = vector.broadcast %slice3A_1255 : vector<1x800xf32> to vector<8x800xf32>
    %mul3A_1258 = arith.mulf %mul3A_1257, %slice3A_1256 : vector<8x800xf32>
    %add3A_1259 = arith.addf %add3A_1254, %mul3A_1258 : vector<8x800xf32>
    %slice3A_1260 = vector.extract_strided_slice %slice3A_987 {offsets = [55, 0], sizes = [1, 800], strides = [1, 1]} : vector<64x800xf32> to vector<1x800xf32>
    %slice3A_1261 = vector.extract_strided_slice %slice3A_988 {offsets = [56, 0], sizes = [8, 800], strides = [1, 1]} : vector<128x800xf32> to vector<8x800xf32>
    %mul3A_1262 = vector.broadcast %slice3A_1260 : vector<1x800xf32> to vector<8x800xf32>
    %mul3A_1263 = arith.mulf %mul3A_1262, %slice3A_1261 : vector<8x800xf32>
    %add3A_1264 = arith.addf %add3A_1259, %mul3A_1263 : vector<8x800xf32>
    %slice3A_1265 = vector.extract_strided_slice %slice3A_987 {offsets = [56, 0], sizes = [1, 800], strides = [1, 1]} : vector<64x800xf32> to vector<1x800xf32>
    %slice3A_1266 = vector.extract_strided_slice %slice3A_988 {offsets = [64, 0], sizes = [8, 800], strides = [1, 1]} : vector<128x800xf32> to vector<8x800xf32>
    %mul3A_1267 = vector.broadcast %slice3A_1265 : vector<1x800xf32> to vector<8x800xf32>
    %mul3A_1268 = arith.mulf %mul3A_1267, %slice3A_1266 : vector<8x800xf32>
    %add3A_1269 = arith.addf %add3A_1264, %mul3A_1268 : vector<8x800xf32>
    %slice3A_1270 = vector.extract_strided_slice %slice3A_987 {offsets = [57, 0], sizes = [1, 800], strides = [1, 1]} : vector<64x800xf32> to vector<1x800xf32>
    %slice3A_1271 = vector.extract_strided_slice %slice3A_988 {offsets = [72, 0], sizes = [8, 800], strides = [1, 1]} : vector<128x800xf32> to vector<8x800xf32>
    %mul3A_1272 = vector.broadcast %slice3A_1270 : vector<1x800xf32> to vector<8x800xf32>
    %mul3A_1273 = arith.mulf %mul3A_1272, %slice3A_1271 : vector<8x800xf32>
    %add3A_1274 = arith.addf %add3A_1269, %mul3A_1273 : vector<8x800xf32>
    %slice3A_1275 = vector.extract_strided_slice %slice3A_987 {offsets = [58, 0], sizes = [1, 800], strides = [1, 1]} : vector<64x800xf32> to vector<1x800xf32>
    %slice3A_1276 = vector.extract_strided_slice %slice3A_988 {offsets = [80, 0], sizes = [8, 800], strides = [1, 1]} : vector<128x800xf32> to vector<8x800xf32>
    %mul3A_1277 = vector.broadcast %slice3A_1275 : vector<1x800xf32> to vector<8x800xf32>
    %mul3A_1278 = arith.mulf %mul3A_1277, %slice3A_1276 : vector<8x800xf32>
    %add3A_1279 = arith.addf %add3A_1274, %mul3A_1278 : vector<8x800xf32>
    %slice3A_1280 = vector.extract_strided_slice %slice3A_987 {offsets = [59, 0], sizes = [1, 800], strides = [1, 1]} : vector<64x800xf32> to vector<1x800xf32>
    %slice3A_1281 = vector.extract_strided_slice %slice3A_988 {offsets = [88, 0], sizes = [8, 800], strides = [1, 1]} : vector<128x800xf32> to vector<8x800xf32>
    %mul3A_1282 = vector.broadcast %slice3A_1280 : vector<1x800xf32> to vector<8x800xf32>
    %mul3A_1283 = arith.mulf %mul3A_1282, %slice3A_1281 : vector<8x800xf32>
    %add3A_1284 = arith.addf %add3A_1279, %mul3A_1283 : vector<8x800xf32>
    %slice3A_1285 = vector.extract_strided_slice %slice3A_987 {offsets = [60, 0], sizes = [1, 800], strides = [1, 1]} : vector<64x800xf32> to vector<1x800xf32>
    %slice3A_1286 = vector.extract_strided_slice %slice3A_988 {offsets = [96, 0], sizes = [8, 800], strides = [1, 1]} : vector<128x800xf32> to vector<8x800xf32>
    %mul3A_1287 = vector.broadcast %slice3A_1285 : vector<1x800xf32> to vector<8x800xf32>
    %mul3A_1288 = arith.mulf %mul3A_1287, %slice3A_1286 : vector<8x800xf32>
    %add3A_1289 = arith.addf %add3A_1284, %mul3A_1288 : vector<8x800xf32>
    %slice3A_1290 = vector.extract_strided_slice %slice3A_987 {offsets = [61, 0], sizes = [1, 800], strides = [1, 1]} : vector<64x800xf32> to vector<1x800xf32>
    %slice3A_1291 = vector.extract_strided_slice %slice3A_988 {offsets = [104, 0], sizes = [8, 800], strides = [1, 1]} : vector<128x800xf32> to vector<8x800xf32>
    %mul3A_1292 = vector.broadcast %slice3A_1290 : vector<1x800xf32> to vector<8x800xf32>
    %mul3A_1293 = arith.mulf %mul3A_1292, %slice3A_1291 : vector<8x800xf32>
    %add3A_1294 = arith.addf %add3A_1289, %mul3A_1293 : vector<8x800xf32>
    %slice3A_1295 = vector.extract_strided_slice %slice3A_987 {offsets = [62, 0], sizes = [1, 800], strides = [1, 1]} : vector<64x800xf32> to vector<1x800xf32>
    %slice3A_1296 = vector.extract_strided_slice %slice3A_988 {offsets = [112, 0], sizes = [8, 800], strides = [1, 1]} : vector<128x800xf32> to vector<8x800xf32>
    %mul3A_1297 = vector.broadcast %slice3A_1295 : vector<1x800xf32> to vector<8x800xf32>
    %mul3A_1298 = arith.mulf %mul3A_1297, %slice3A_1296 : vector<8x800xf32>
    %add3A_1299 = arith.addf %add3A_1294, %mul3A_1298 : vector<8x800xf32>
    %slice3A_1300 = vector.extract_strided_slice %slice3A_987 {offsets = [63, 0], sizes = [1, 800], strides = [1, 1]} : vector<64x800xf32> to vector<1x800xf32>
    %slice3A_1301 = vector.extract_strided_slice %slice3A_988 {offsets = [120, 0], sizes = [8, 800], strides = [1, 1]} : vector<128x800xf32> to vector<8x800xf32>
    %mul3A_1302 = vector.broadcast %slice3A_1300 : vector<1x800xf32> to vector<8x800xf32>
    %mul3A_1303 = arith.mulf %mul3A_1302, %slice3A_1301 : vector<8x800xf32>
    %add3A_1304 = arith.addf %add3A_1299, %mul3A_1303 : vector<8x800xf32>
    %concatenate3A = tpu.concatenate %add3A_113, %add3A_192, %add3A_271, %add3A_350, %add3A_431, %add3A_510, %add3A_589, %add3A_668, %add3A_749, %add3A_828, %add3A_907, %add3A_986, %add3A_1067, %add3A_1146, %add3A_1225, %add3A_1304 in 0 : vector<8x800xf32>, vector<8x800xf32>, vector<8x800xf32>, vector<8x800xf32>, vector<8x800xf32>, vector<8x800xf32>, vector<8x800xf32>, vector<8x800xf32>, vector<8x800xf32>, vector<8x800xf32>, vector<8x800xf32>, vector<8x800xf32>, vector<8x800xf32>, vector<8x800xf32>, vector<8x800xf32>, vector<8x800xf32> -> vector<128x800xf32>
    %transpose3A_1305 = tpu.transpose %concatenate3A, [1, 0] : vector<128x800xf32> -> vector<800x128xf32>
    %swap3A = arith.constant 0 : index
    %swap3A_1306 = arith.constant 0 : index
    %swap3A_1307 = vector.load %arg4[%swap3A, %swap3A_1306] : memref<800x128xf32, #tpu.memory_space<vmem>>, vector<800x128xf32>
    tpu.vector_store %arg4[%swap3A, %swap3A_1306], %transpose3A_1305 {strides = array<i32>} : memref<800x128xf32, #tpu.memory_space<vmem>>, vector<800x128xf32>,
    return
  }
  func.func @transform_0(%arg0: i32) -> (i32, i32, i32) {
    %c0_i32 = arith.constant 0 : i32
    %c0_i32_0 = arith.constant 0 : i32
    %c0_i32_1 = arith.constant 0 : i32
    return %arg0, %c0_i32, %c0_i32_0 : i32, i32, i32
  }
  func.func @transform_1(%arg0: i32) -> (i32, i32) {
    %c0_i32 = arith.constant 0 : i32
    %c0_i32_0 = arith.constant 0 : i32
    return %arg0, %c0_i32 : i32, i32
  }
  func.func @transform_2(%arg0: i32) -> (i32, i32) {
    %c0_i32 = arith.constant 0 : i32
    %c0_i32_0 = arith.constant 0 : i32
    %c0_i32_1 = arith.constant 0 : i32
    return %c0_i32, %c0_i32_0 : i32, i32
  }
  func.func @transform_3(%arg0: i32) -> (i32, i32) {
    %c0_i32 = arith.constant 0 : i32
    %c0_i32_0 = arith.constant 0 : i32
    return %arg0, %c0_i32 : i32, i32
  }
}

</mosaic_0001>

<sc_bundles>
// kernel: kernel.5.cloned.1.call-start
scs
__scs_entry_jumppad:
0x0: {  	(pc) =	sbr.rel $0x88, $3  }
0x1: {  	(tag) =	ssettag $0x0;
	lr =	simm.s32 $0x1  }
0x2: {  	[smem:$0x3F9D] =	sst lr;
	_ =	strace $0xD0000000  }
0x3: {  	_ = 	snop  }
0x4: {  	_ = 	snop  }
0x5: {  	_ = 	snop  }
0x6: {  	_ = 	snop  }
0x7: {  	_ = 	snop  }
__scs_overlays_trampoline_lowered:
0x8: {  	[smem:$0x3FAC] =	sst s0  }
0x9: {  	[smem:$0x3FAD] =	sst s1  }
0xa: {  	[smem:$0x3FAE] =	sst s2  }
0xb: {  	[smem:$0x3FAF] =	sst s3  }
0xc: {  	[smem:$0x3FB0] =	sst s4  }
0xd: {  	[smem:$0x3FB1] =	sst s5  }
0xe: {  	[smem:$0x3FB2] =	sst s6  }
0xf: {  	[smem:$0x3FB3] =	sst s7  }
0x10: {  	[smem:$0x3FB4] =	sst s8  }
0x11: {  	[smem:$0x3FB5] =	sst s9;
	s0 =	simm.s32 @!p0 $0x0  }
0x12: {  	s1 =	sld [smem:$0x3F9B];
	s0 =	simm.s32 @p0 $0x1  }
0x13: {  	[smem:$0x3FB6] =	sst s0;
	s0 =	simm.s32 @!p1 $0x0  }
0x14: {  	s2 =	sld [smem:$0x3F9A];
	s0 =	simm.s32 @p1 $0x1  }
0x15: {  	[smem:$0x3FB7] =	sst s0;
	s0 =	simm.s32 @!p2 $0x0  }
0x16: {  	s3 =	sld [smem:$0x3FDB];
	s0 =	simm.s32 @p2 $0x1  }
0x17: {  	s4 =	simm.s32 $0x1BF5;
	[smem:$0x3FB9] =	sst s0  }
0x18: {  	s0 =	sld [smem:$0x3F9C];
	_ =	swait.ge [sflag:s4], $0x0  }
0x19: {  	s7 =	sld [smem:$0x3F9D]  }
0x1a: {  	s8 =	sadd.s32 $0xFFFFE003, lr  }
0x1b: {  	s9 =	sadd.s32 $0xFFFFFEF7, lr;
	s5 =	simm.s32 $0xFFFFFFFF;
	p2 =	slt.u32 s8, $0xFFFFF086  }
0x1c: {  	p1 =	slt.u32 s9, $0xF7A;
	s5 =	simm.s32 @!p2 $0x0  }
0x1d: {  	s5 =	simm.s32 @p1 $0x1;
	p0 =	seq.s32 s7, s2  }
0x1e: {  	s7 =	smul.u32 @!p0 $0xF7A, s2;
	p2 =	seq.s32 @!p0 s5, $0x0  }
0x1f: {  	s9 =	smul.u32 $0xF7A, s1;
	s8 =	simm.s32 @!p0 $0x1BF5;
	p2 =	por !p2, p0  }
0x20: {  	[sflag:s8] =	ssyncset.s32 @!p0 $0xFFFFF086;
	s6 =	sadd.s32 @!p0 s3, s7;
	s7 =	simm.s32 @!p0 $0x108  }
0x21: {  	s3 =	sadd.s32 s3, s9;
	s6 =	sadd.s32 @!p0 $0x88, s6;
	s7 =	simm.s32 @p2 $0x1082  }
0x22: {  	[simem:s7], [sflag:s8] =	dma.local @!p0 [hbm:s6], $0xF7A  }
0x23: {  	s9 =	sor.u32 $0xD0000000, s2;
	s6 =	simm.s32 $0x108;
	_ =	swait.ge @!p0 [sflag:s8], $0x0  }
0x24: {  	s3 =	sadd.s32 $0x88, s3;
	s6 =	simm.s32 @!p1 $0x1082;
	[sflag:s4] =	ssyncset.s32 $0xFFFFF086  }
0x25: {  	[simem:s6], [sflag:s4] =	dma.local [hbm:s3], $0xF7A  }
0x26: {  	[smem:$0x3F9D] =	sst s1;
	(tag) =	ssettag s2;
	_ =	strace s9  }
0x27: {  	s1 =	sld [smem:$0x3FAD]  }
0x28: {  	s2 =	sld [smem:$0x3FAE]  }
0x29: {  	s4 =	sld [smem:$0x3FB0]  }
0x2a: {  	p0 =	seq.s32 s5, $0x0;
	s5 =	sld [smem:$0x3FB1]  }
0x2b: {  	s6 =	sld [smem:$0x3FB2]  }
0x2c: {  	s7 =	sld [smem:$0x3FB3]  }
0x2d: {  	s3 =	simm.s32 $0x108;
	s8 =	sld [smem:$0x3FB4]  }
0x2e: {  	s3 =	simm.s32 @!p0 $0x1082;
	s9 =	sld [smem:$0x3FB5]  }
0x2f: {  	lr =	sadd.s32 s0, s3;
	s0 =	sld [smem:$0x3FAC]  }
0x30: {  	s3 =	sld [smem:$0x3FAF]  }
0x31: {  	[smem:$0x3FB8] =	sst s10  }
0x32: {  	s10 =	sld [smem:$0x3FB6];
	_ =	sdelay $0x3  }
0x33: {  	p0 =	seq.s32 s10, $0x1;
	s10 =	sld [smem:$0x3FB8];
	_ =	sdelay $0x3  }
0x34: {  	[smem:$0x3FB8] =	sst s10  }
0x35: {  	s10 =	sld [smem:$0x3FB7];
	_ =	sdelay $0x3  }
0x36: {  	p1 =	seq.s32 s10, $0x1;
	s10 =	sld [smem:$0x3FB8];
	_ =	sdelay $0x3  }
0x37: {  	[smem:$0x3FB8] =	sst s10  }
0x38: {  	s10 =	sld [smem:$0x3FB9]  }
0x39: {  	_ = 	snop;
	(pc) =	sbr.ind lr, $3  }
0x3a: {  	_ = 	snop  }
0x3b: {  	_ = 	snop  }
0x3c: {  	p2 =	seq.s32 s10, $0x1;
	s10 =	sld [smem:$0x3FB8]  }
0x3d: {  	_ =	shalt  }
0x3e: {  	_ =	shalt  }
0x3f: {  	_ =	shalt  }
0x40: {  	_ =	shalt  }
0x41: {  	_ =	shalt  }
0x42: {  	_ =	shalt  }
0x43: {  	_ =	shalt  }
0x44: {  	_ =	shalt  }
0x45: {  	_ =	shalt  }
0x46: {  	_ =	shalt  }
0x47: {  	_ =	shalt  }
0x48: {  	_ =	shalt  }
0x49: {  	_ =	shalt  }
0x4a: {  	_ =	shalt  }
0x4b: {  	_ =	shalt  }
0x4c: {  	_ =	shalt  }
0x4d: {  	_ =	shalt  }
0x4e: {  	_ =	shalt  }
0x4f: {  	_ =	shalt  }
0x50: {  	_ =	shalt  }
0x51: {  	_ =	shalt  }
0x52: {  	_ =	shalt  }
0x53: {  	_ =	shalt  }
0x54: {  	_ =	shalt  }
0x55: {  	_ =	shalt  }
0x56: {  	_ =	shalt  }
0x57: {  	_ =	shalt  }
0x58: {  	_ =	shalt  }
0x59: {  	_ =	shalt  }
0x5a: {  	_ =	shalt  }
0x5b: {  	_ =	shalt  }
0x5c: {  	_ =	shalt  }
0x5d: {  	_ =	shalt  }
0x5e: {  	_ =	shalt  }
0x5f: {  	_ =	shalt  }
0x60: {  	_ =	shalt  }
0x61: {  	_ =	shalt  }
0x62: {  	_ =	shalt  }
0x63: {  	_ =	shalt  }
0x64: {  	_ =	shalt  }
0x65: {  	_ =	shalt  }
0x66: {  	_ =	shalt  }
0x67: {  	_ =	shalt  }
0x68: {  	_ =	shalt  }
0x69: {  	_ =	shalt  }
0x6a: {  	_ =	shalt  }
0x6b: {  	_ =	shalt  }
0x6c: {  	_ =	shalt  }
0x6d: {  	_ =	shalt  }
0x6e: {  	_ =	shalt  }
0x6f: {  	_ =	shalt  }
0x70: {  	_ =	shalt  }
0x71: {  	_ =	shalt  }
0x72: {  	_ =	shalt  }
0x73: {  	_ =	shalt  }
0x74: {  	_ =	shalt  }
0x75: {  	_ =	shalt  }
0x76: {  	_ =	shalt  }
0x77: {  	_ =	shalt  }
0x78: {  	_ =	shalt  }
0x79: {  	_ =	shalt  }
0x7a: {  	_ =	shalt  }
0x7b: {  	_ =	shalt  }
0x7c: {  	_ =	shalt  }
0x7d: {  	_ =	shalt  }
0x7e: {  	_ =	shalt  }
0x7f: {  	_ =	shalt  }
0x80: {  	_ =	shalt  }
0x81: {  	_ =	shalt  }
0x82: {  	_ =	shalt  }
0x83: {  	_ =	shalt  }
0x84: {  	_ =	shalt  }
0x85: {  	_ =	shalt  }
0x86: {  	_ =	shalt  }
0x87: {  	_ =	shalt  }
.Lfunc_end0:
.L_simem_size_0:
called_computation_lowered:
.L_overlay_start_0:
0x88: {  	s2 =	sld [smem:$0x3FD9]  }
0x89: {  	s3 =	sld [smem:$0x3FFE];
	_ =	sdelay $0x1  }
0x8a: {  	s1 =	srdreg.scid  }
0x8b: {  	s0 =	sand.u32 $0x1, s1  }
0x8c: {  	s17 =	sshll.u32 s0, $0xA;
	s2 =	sadd.s32 s3, s2  }
0x8d: {  	s2 =	sadd.s32 s2, s17  }
0x8e: {  	[smem:$0x3FC4] =	sst s2  }
0x8f: {  	_ = 	snop  }
0x90: {  	s2 =	sld [smem:$0x3FD0];
	(tm) =	ssettm $0x1  }
0x91: {  	s18 =	sld [smem:$0x3FFB];
	_ =	sdelay $0x3  }
0x92: {  	_ =	strace s18  }
0x93: {  	s3 =	sld [smem:$0x3FFC];
	_ =	sdelay $0x3  }
0x94: {  	_ =	strace s3  }
0x95: {  	s3 =	sld [smem:$0x3FFD];
	_ =	sdelay $0x3  }
0x96: {  	_ =	strace s3  }
0x97: {  	_ =	strace $0x8FFFFFFF  }
0x98: {  	s19 =	sld [smem:$0x3FDB];
	_ =	sdelay $0x1  }
0x99: {  	s4 =	simm.s32 $_scs_section_size  }
0x9a: {  	s5 =	simm.s32 $_size__tile_overlayer_lowered;
	s6 =	simm.s32 $_tile_overlayer_lowered  }
0x9b: {  	s22 =	simm.s32 $0x1BFF;
	s21 =	sshll.u32 s6, $0x1;
	s3 =	sadd.s32 s4, s19  }
0x9c: {  	s7 =	simm.s32 $0x0;
	s20 =	sshll.u32 s5, $0x1;
	s5 =	sadd.s32 s21, s3  }
0x9d: {  	[timem:s7], [sflag:s22] =	dma.local [hbm:s5], s20  }
0x9e: {  	_ =	swait.ge [sflag:s22], s20  }
0x9f: {  	s4 =	ssub.s32 $0x0, s20;
	[sflag:s22] =	ssyncset.done $0x0  }
0xa0: {  	[sflag:s22] =	ssyncadd.s32 s4;
	_ =	sdelay $0x1  }
0xa1: {  	s23 =	simm.s32 $0x1B8B  }
0xa2: {  	_ =	swait.ge [sflag:s23], $0x1  }
0xa3: {  	[sflag:s23] =	ssyncset.done $0x0  }
0xa4: {  	s25 =	simm.s32 $0x1B8E;
	s24 =	sld [smem:$0x3FFE];
	[sflag:s23] =	ssyncadd.s32 $0xFFFFFFFF  }
0xa5: {  	s26 =	simm.s32 $execute0_lowered;
	[smem:$0x3FD2] =	sst s25  }
0xa6: {  	s5 =	sshll.u32 s26, $0x1;
	_ =	strace $0x80000046;
	[dreg:$0x1] =	wrdreg $0xFFFFFFFF  }
0xa7: {  	s28 =	simm.s32 $_size_execute0_lowered;
	s3 =	sadd.s32 s3, s5;
	[dreg:$0x0] =	wrdreg $0x0  }
0xa8: {  	s5 =	sshll.u32 s28, $0x1;
	[dreg:$0x2] =	wrdreg s3  }
0xa9: {  	[dreg:$0x3] =	wrdreg s5  }
0xaa: {  	[dreg:$0x4] =	wrdreg $0xC0  }
0xab: {  	_ =	task [dreg:s7], $0x5FFFF  }
0xac: {  	[dreg:$0x1] =	wrdreg $0xFFFFFFFF  }
0xad: {  	[dreg:$0x0] =	wrdreg $0x60  }
0xae: {  	[dreg:$0x2] =	wrdreg s24  }
0xaf: {  	[dreg:$0x3] =	wrdreg s2  }
0xb0: {  	[dreg:$0x4] =	wrdreg $0x9  }
0xb1: {  	_ =	task.clear_ibuf [dreg:s7], $0x5FFFF;
	_ =	strace $0x90000046  }
0xb2: {  	s29 =	simm.s32 $0x9;
	_ =	strace $0x80000048  }
0xb3: {  	_ =	swait.ge [sflag:s29], $0x1  }
0xb4: {  	[sflag:s29] =	ssyncadd.s32 $0xFFFFFFFF  }
0xb5: {  	_ =	strace $0x90000048  }
0xb6: {  	_ =	sfence  }
0xb7: {  	s30 =	sld [smem:$0x0];
	_ =	sdelay $0x2  }
0xb8: {  	s31 =	sshll.u32 s1, $0xD;
	s1 =	sshrl.u32 s1, $0x2  }
0xb9: {  	s3 =	sand.u32 $0x4000, s31;
	s1 =	sadd.s32 s1, s30  }
0xba: {  	s0 =	sor.u32 s3, s0;
	s1 =	sshll.u32 s1, $0x11  }
0xbb: {  	s0 =	sor.u32 s1, s0  }
0xbc: {  	s0 =	sadd.s32 $0x8F2B, s0  }
0xbd: {  	[sflag:s0] =	ssyncadd.remote.s32 $0x1  }
0xbe: {  	_ =	sfence.sel $0xFFFF  }
0xbf: {  	[dreg:$0x0] =	wrdreg $0xFFFFFFFF;
	(pc) =	sbr.abs _section_cstart, $3  }
0xc0: {  	[dreg:$0x1] =	wrdreg $0xFFFFFFFF  }
0xc1: {  	_ =	task.clear_ibuf [dreg:s7], $0x2FFFF;
	_ =	strace $0x9FFFFFFF  }
0xc2: {  	(tm) =	ssettm $0x7FFFFFFF  }
0xc3: {  	_ =	shalt  }
tec
execute0_lowered:
.L_overlay_start_1:
0x0: {  	(tag) =	ssettag $0x1  }
0x1: {  	s1 =	srdreg.scid;
	s3 =	stileid.u32  }
0x2: {  	s1 =	sand.u32 $0x1, s1;
	s2 =	sshll.u32 s3, $0x1  }
0x3: {  	s2 =	sor.u32 s1, s2  }
0x4: {  	s0 =	rddreg [dreg:$0x0];
	s7 =	simm.s32 $0x0;
	s2 =	smul.u32 $0x1900, s2  }
0x5: {  	v0 =	vimm.s32 $0xECA86420;
	vm0 =	vcmask $0xB08;
	vm1 =	vcmask $0x1310;
	[smem:$0x7FF] =	sst s7;
	s3 =	smul.u32 $0x32000, s3  }
0x6: {  	vm2 =	vcmask $0x1B18;
	vm3 =	vcmask $0x300;
	vm4 =	vcmask $0x2320;
	_ =	strace $0x80000047;
	s4 =	ssub.s32 $0x2, s1;
	s2 =	sshrl.u32 s2, $0x3  }
0x7: {  	vm5 =	vcmask $0x2B28;
	vm6 =	vcmask $0x3330;
	vm7 =	vcmask $0x3B38;
	s1 =	smul.u32 $0x19000, s1;
	s30 =	sshrl.u32 s4, $0x1;
	s2 =	sadd.s32 s2, s0  }
0x8: {  	v1 =	vlaneseq.u32;
	vm8 =	vmmov $0xff;
	vm9 =	vcmask $0x704;
	s0 =	sadd.s32 s3, s0;
	s3 =	ssub.s32 s4, s30;
	s2 =	sadd.s32 $0x800, s2  }
0x9: {  	vm10 =	vcmask $0xF0C;
	vm11 =	vcmask $0x1714;
	v0 =	vunpack.c.l.s4.s8 v0;
	s0 =	sadd.s32 s1, s0;
	s31 =	smax.u32 s3, $0x1;
	[dreg:$0x5] =	wrdreg s2  }
0xa: {  	vm12 =	vcmask $0x1F1C;
	vm13 =	vcmask $0x2724;
	vm14 =	vcmask $0x2F2C;
	[dreg:$0x6] =	wrdreg s31;
	s0 =	sadd.s32 $0x6C00, s0  }
0xb: {  	s8 =	simm.s32 $0x3;
	vm15 =	vcmask $0x3734;
	v1 =	vmul.u32 $0x2, v1;
	v0 =	vunpack.c.0.s8.s32 v0;
	s1 =	simm.s32 $0x0;
	[dreg:$0x7] =	wrdreg s0  }
.LBB2_1:
0xc: {  	[dreg:$0x8] =	wrdreg s1  }
0xd: {  	s0 =	rddreg [dreg:$0x5]  }
0xe: {  	[tilespmem:s7], [sflag:$0x3] =	stream.linear.gather [hbm4b:s0+s7], $0x1900, $0x38;
	[tilespmem:$0xB200] =	vst v63  }
0xf: {  	_ =	swait.ge [sflag:s8], $0x1900  }
0x10: {  	[sflag:s8] =	ssyncset.done $0x0  }
0x11: {  	s22 =	simm.s32 $0x0;
	[sflag:s8] =	ssyncadd.s32 $0xFFFFE700  }
0x12: {  	v2 =	vld [tilespmem:s22+$0x0];
	_ =	sdelay $0x4  }
0x13: {  	(v2sf) =	vpush v2, $0x0  }
0x14: {  	(v2sf) =	vpush v2, $0x7;
	_ =	sdelay $0x1  }
0x15: {  	(v2sf) =	vpush v2, $0x1  }
0x16: {  	(v2sf) =	vpush v2, $0x2;
	_ =	sdelay $0x1  }
0x17: {  	(v2sf) =	vpush v2, $0x6;
	_ =	sdelay $0x1  }
0x18: {  	(v2sf) =	vpush v2, $0x3  }
0x19: {  	(v2sf) =	vpush v2, $0x4;
	_ =	sdelay $0x1  }
0x1a: {  	(v2sf) =	vpush v2, $0xC  }
0x1b: {  	(v2sf) =	vpush v2, $0xD;
	_ =	sdelay $0x2  }
0x1c: {  	s24 =	spop (v2sf)  }
0x1d: {  	(v2sf) =	vpush v2, $0xE;
	s2 =	spop (v2sf);
	s0 =	smulhi.u32 $0x68DB8BAD, s24  }
0x1e: {  	(v2sf) =	vpush v2, $0xF;
	s4 =	sshra.s32 s2, $0x1F;
	s2 =	smulhi.u32 $0x68DB8BAD, s2  }
0x1f: {  	s3 =	spop (v2sf);
	s4 =	smul.u32 $0x68DB8BAD, s4  }
0x20: {  	s5 =	spop (v2sf);
	s25 =	smulhi.u32 $0x68DB8BAD, s3  }
0x21: {  	(v2sf) =	vpush v2, $0x8;
	s3 =	sshra.s32 s3, $0x1F;
	s26 =	smulhi.u32 $0x68DB8BAD, s5  }
0x22: {  	s6 =	spop (v2sf);
	s3 =	smul.u32 $0x68DB8BAD, s3  }
0x23: {  	(v2sf) =	vpush v2, $0x9;
	s5 =	sshra.s32 s5, $0x1F;
	s19 =	smulhi.u32 $0x68DB8BAD, s6  }
0x24: {  	(v2sf) =	vpush v2, $0x5;
	s9 =	spop (v2sf);
	s11 =	smul.u32 $0x68DB8BAD, s5  }
0x25: {  	s6 =	sshra.s32 s6, $0x1F;
	s10 =	spop (v2sf);
	s13 =	smulhi.u32 $0x68DB8BAD, s9  }
0x26: {  	s9 =	sshra.s32 s9, $0x1F;
	s11 =	sadd.s32 s11, s26;
	s26 =	smul.u32 $0x68DB8BAD, s6  }
0x27: {  	s28 =	sshra.s32 s10, $0x1F;
	s12 =	spop (v2sf);
	s9 =	smul.u32 $0x68DB8BAD, s9  }
0x28: {  	s23 =	simm.s32 $0x0;
	(v2sf) =	vpush v2, $0xB;
	s15 =	spop (v2sf);
	s22 =	smul.u32 $0x68DB8BAD, s28  }
0x29: {  	[dreg:$0x3] =	wrdreg s23;
	s1 =	sshra.s32 s12, $0x1F;
	s16 =	smulhi.u32 $0x68DB8BAD, s15  }
0x2a: {  	s20 =	sshra.s32 s24, $0x1F;
	(v2sf) =	vpush v2, $0xA;
	s17 =	sshra.s32 s15, $0x1F;
	s18 =	smul.u32 $0x68DB8BAD, s1  }
0x2b: {  	s3 =	sadd.s32 s3, s25;
	s15 =	sadd.s32 s4, s2;
	s2 =	smul.u32 $0x68DB8BAD, s17  }
0x2c: {  	s21 =	sshrl.u32 s3, $0x1F;
	s5 =	spop (v2sf);
	s17 =	smulhi.u32 $0x68DB8BAD, s12  }
0x2d: {  	[dreg:$0x4] =	wrdreg s21;
	s29 =	sshra.s32 s11, $0xC;
	s14 =	spop (v2sf)  }
0x2e: {  	s21 =	smulhi.u32 $0x68DB8BAD, s14;
	s28 =	sshra.s32 s14, $0x1F;
	s7 =	sadd.s32 s18, s17  }
0x2f: {  	s2 =	sadd.s32 s2, s16;
	s16 =	simm.s32 $0x10;
	s12 =	sshrl.u32 s7, $0x1F  }
0x30: {  	s7 =	sshra.s32 s7, $0xC;
	s31 =	sshra.s32 s2, $0xC;
	s23 =	spop (v2sf)  }
0x31: {  	s2 =	sshrl.u32 s2, $0x1F;
	s24 =	sshra.s32 s23, $0x1F;
	s1 =	smulhi.u32 $0x68DB8BAD, s23  }
0x32: {  	s25 =	spop (v2sf);
	s23 =	sadd.s32 s9, s13;
	s4 =	smul.u32 $0x68DB8BAD, s24  }
0x33: {  	s6 =	sshra.s32 s25, $0x1F;
	s8 =	smulhi.u32 $0x68DB8BAD, s25;
	s14 =	spop (v2sf)  }
0x34: {  	v3 =	vld [tilespmem:s16+$0x0];
	s25 =	sshra.s32 s3, $0x1F;
	s18 =	smul.u32 $0x68DB8BAD, s6;
	s17 =	sshra.s32 s14, $0x1F  }
0x35: {  	v4 =	vmov s12;
	s6 =	simm.s32 $0x80;
	s1 =	sadd.s32 s4, s1;
	s12 =	smul.u32 $0x68DB8BAD, s17  }
0x36: {  	s17 =	sshra.s32 s15, $0x1F;
	s24 =	sadd.s32 s18, s8;
	s18 =	smul.u32 $0x68DB8BAD, s20  }
0x37: {  	s20 =	spop (v2sf);
	s8 =	smulhi.u32 $0x68DB8BAD, s14;
	s14 =	sshrl.u32 s1, $0x1F  }
0x38: {  	v5 =	vmov s7;
	s13 =	sshra.s32 s1, $0xC;
	s30 =	smulhi.u32 $0x68DB8BAD, s20;
	s9 =	sshra.s32 s20, $0x1F  }
0x39: {  	v5 =	vsel vm0, s31, v5;
	(v2sf) =	vpush v3, $0x0;
	s20 =	sshra.s32 s11, $0x1F;
	s31 =	sshra.s32 s24, $0xC;
	s7 =	spop (v2sf)  }
0x3a: {  	v6 =	vsel vm0, s2, v4;
	(v2sf) =	vpush v3, $0x7;
	s4 =	sadd.s32 s18, s0;
	s18 =	sshrl.u32 s11, $0x1F;
	s11 =	smulhi.u32 $0x68DB8BAD, s10  }
0x3b: {  	v7 =	vmov s17;
	(v2sf) =	vpush v3, $0x1;
	v4 =	vmov s14;
	s0 =	sshra.s32 s3, $0xC;
	s10 =	sshra.s32 s5, $0x1F;
	s3 =	smul.u32 $0x68DB8BAD, s28  }
.LBB2_2:
0x3c: {  	s2 =	smulhi.u32 $0x68DB8BAD, s5  }
0x3d: {  	s5 =	sshra.s32 s4, $0xC;
	s14 =	sshra.s32 s4, $0x1F;
	s28 =	smov.u32 s6  }
0x3e: {  	s17 =	rddreg [dreg:$0x3];
	s10 =	smul.u32 $0x68DB8BAD, s10;
	v8 =	vmov s13;
	s13 =	sshra.s32 s7, $0x1F  }
0x3f: {  	(v2sf) =	vpush v3, $0x2;
	p0 =	sne.s32 s6, $0x63C0;
	s1 =	smov.u32 s17;
	s17 =	smov.u32 s16  }
0x40: {  	s11 =	sadd.s32 s22, s11;
	s12 =	sadd.s32 s12, s8;
	s22 =	smulhi.u32 $0x68DB8BAD, s7  }
0x41: {  	(v2sf) =	vpush v3, $0x6;
	s7 =	smul.u32 $0x68DB8BAD, s13;
	s13 =	sadd.s32 s26, s19;
	s16 =	sshrl.u32 s4, $0x1F  }
0x42: {  	v7 =	vsel vm3, s5, v7;
	s3 =	sadd.s32 s3, s21;
	[dreg:$0x3] =	wrdreg s17;
	(v2sf) =	vpush v3, $0x3;
	s5 =	sshrl.u32 s11, $0x1F  }
0x43: {  	s10 =	sadd.s32 s10, s2;
	s2 =	sshrl.u32 s23, $0x1F;
	s8 =	sshrl.u32 s13, $0x1F;
	(v2sf) =	vpush v3, $0x4  }
0x44: {  	v7 =	vsel vm9, s14, v7;
	s17 =	smul.u32 $0x68DB8BAD, s9;
	s9 =	sshrl.u32 s12, $0x1F;
	s26 =	sshra.s32 s3, $0xC  }
0x45: {  	s21 =	sshra.s32 s12, $0xC;
	s3 =	sshrl.u32 s3, $0x1F;
	v7 =	vsel vm0, s0, v7;
	s14 =	sshrl.u32 s10, $0x1F;
	(v2sf) =	vpush v3, $0xC  }
0x46: {  	v8 =	vsel vm0, s31, v8;
	v9 =	vmov s16;
	s10 =	sshra.s32 s10, $0xC;
	s7 =	sadd.s32 s7, s22;
	s22 =	sshra.s32 s23, $0xC;
	v7 =	vsel vm10, s25, v7  }
0x47: {  	s23 =	sshra.s32 s23, $0x1F;
	v9 =	vnsel vm3, $0x0, v9;
	s19 =	sshra.s32 s7, $0xC;
	s25 =	sshrl.u32 s24, $0x1F;
	v7 =	vsel vm1, s29, v7;
	(v2sf) =	vpush v3, $0xD  }
0x48: {  	v5 =	vsel vm1, s10, v5;
	s10 =	sshrl.u32 s15, $0x1F;
	s0 =	sadd.s32 s17, s30;
	s17 =	rddreg [dreg:$0x4];
	v4 =	vsel vm0, s25, v4;
	v7 =	vsel vm11, s20, v7  }
0x49: {  	s24 =	sshra.s32 s12, $0x1F;
	s7 =	sshrl.u32 s7, $0x1F;
	v9 =	vsel vm0, s17, v9;
	s25 =	sshra.s32 s13, $0xC;
	(v2sf) =	vpush v3, $0xE;
	v7 =	vsel vm2, s22, v7  }
0x4a: {  	v5 =	vsel vm2, s26, v5;
	s17 =	sshra.s32 s13, $0x1F;
	s20 =	sshra.s32 s11, $0xC;
	(v2sf) =	vpush v3, $0xF;
	v7 =	vsel vm12, s23, v7;
	s26 =	spop (v2sf)  }
0x4b: {  	v6 =	vsel vm1, s14, v6;
	v9 =	vsel vm1, s18, v9;
	s23 =	sshra.s32 s11, $0x1F;
	v7 =	vsel vm4, s20, v7;
	s4 =	smulhi.u32 $0x68DB8BAD, s26;
	s18 =	spop (v2sf)  }
0x4c: {  	v8 =	vsel vm1, s19, v8;
	s22 =	sshra.s32 s0, $0xC;
	(v2sf) =	vpush v3, $0x8;
	v7 =	vsel vm13, s23, v7;
	s20 =	sshra.s32 s18, $0x1F;
	s23 =	smulhi.u32 $0x68DB8BAD, s18  }
0x4d: {  	v6 =	vsel vm2, s3, v6;
	v4 =	vsel vm1, s7, v4;
	s0 =	sshrl.u32 s0, $0x1F;
	v7 =	vsel vm5, s21, v7;
	s21 =	spop (v2sf);
	s11 =	smul.u32 $0x68DB8BAD, s20  }
0x4e: {  	s19 =	sshra.s32 s15, $0xC;
	v8 =	vsel vm2, s22, v8;
	v4 =	vsel vm2, s0, v4;
	v7 =	vsel vm14, s24, v7;
	s24 =	spop (v2sf);
	s14 =	smulhi.u32 $0x68DB8BAD, s21  }
0x4f: {  	v4 =	vcombine.low v4, v6;
	s0 =	sshra.s32 s26, $0x1F;
	v6 =	vsel vm6, s25, v7;
	v7 =	vsel vm2, s2, v9;
	s22 =	sshra.s32 s21, $0x1F;
	s20 =	smulhi.u32 $0x68DB8BAD, s24  }
0x50: {  	s2 =	sadd.s32 $0x40, s6;
	v6 =	vsel vm15, s17, v6;
	v7 =	vsel vm4, s5, v7;
	s13 =	spop (v2sf);
	s22 =	smul.u32 $0x68DB8BAD, s22  }
0x51: {  	v6 =	vsel vm7, s19, v6;
	v7 =	vsel vm5, s9, v7;
	s25 =	sshra.s32 s24, $0x1F;
	s19 =	smulhi.u32 $0x68DB8BAD, s13;
	s26 =	spop (v2sf)  }
0x52: {  	(v2sf) =	vpush v3, $0x9;
	v7 =	vsel vm6, s8, v7;
	s15 =	sadd.s32 s11, s23;
	s7 =	smul.u32 $0x68DB8BAD, s25;
	s3 =	spop (v2sf)  }
0x53: {  	v7 =	vsel vm7, s10, v7;
	s12 =	sshra.s32 s26, $0x1F;
	s8 =	smulhi.u32 $0x68DB8BAD, s26;
	s21 =	sshra.s32 s3, $0x1F  }
0x54: {  	v4 =	vperm.xlane v4, v0;
	v7 =	vperm.xlane v7, v1;
	s6 =	sadd.s32 s22, s14;
	s16 =	spop (v2sf);
	s22 =	smul.u32 $0x68DB8BAD, s21  }
0x55: {  	v5 =	vcombine.low v8, v5;
	s11 =	sshra.s32 s15, $0x1F;
	s24 =	sshra.s32 s16, $0x1F;
	s16 =	smulhi.u32 $0x68DB8BAD, s16  }
0x56: {  	(v2sf) =	vpush v3, $0x5;
	s26 =	sshrl.u32 s6, $0x1F;
	s23 =	spop (v2sf);
	v4 =	vsel vm8, v7, v4;
	v7 =	vmov s11;
	s11 =	smulhi.u32 $0x68DB8BAD, s3  }
0x57: {  	v5 =	vperm.xlane v5, v0;
	v6 =	vperm.xlane v6, v1;
	(v2sf) =	vpush v3, $0xB;
	[dreg:$0x4] =	wrdreg s26;
	s14 =	smulhi.u32 $0x68DB8BAD, s23  }
0x58: {  	s25 =	sshra.s32 s23, $0x1F;
	s5 =	spop (v2sf);
	s17 =	smul.u32 $0x68DB8BAD, s24  }
0x59: {  	v5 =	vsel vm8, v6, v5;
	s29 =	sadd.s32 s7, s20;
	(v2sf) =	vpush v3, $0xA;
	s23 =	smul.u32 $0x68DB8BAD, s25;
	s26 =	spop (v2sf)  }
0x5a: {  	s13 =	sshra.s32 s13, $0x1F;
	s18 =	sshrl.u32 s29, $0x1F;
	v4 =	vadd.s32 v4, v5;
	s21 =	smulhi.u32 $0x68DB8BAD, s26  }
0x5b: {  	v4 =	vmul.u32 $0x2710, v4;
	s7 =	sshra.s32 s26, $0x1F;
	s24 =	spop (v2sf);
	s26 =	smul.u32 $0x68DB8BAD, s13  }
0x5c: {  	s20 =	sshra.s32 s29, $0x1F;
	s29 =	sshra.s32 s29, $0xC;
	s31 =	smulhi.u32 $0x68DB8BAD, s24  }
0x5d: {  	s16 =	sadd.s32 s17, s16;
	v4 =	vsub.s32 v2, v4;
	s25 =	sshra.s32 s24, $0x1F;
	s3 =	smul.u32 $0x68DB8BAD, s7  }
0x5e: {  	s10 =	sshra.s32 s5, $0x1F;
	[tilespmem:s1+$0x1900] =	vst v4;
	s13 =	smul.u32 $0x68DB8BAD, s25;
	s1 =	sshra.s32 s16, $0xC  }
0x5f: {  	s17 =	sshrl.u32 s16, $0x1F;
	s14 =	sadd.s32 s23, s14;
	v5 =	vmov s1;
	s1 =	smul.u32 $0x68DB8BAD, s12  }
0x60: {  	s16 =	sshra.s32 s28, $0x2;
	s23 =	sshra.s32 s14, $0xC;
	s25 =	sshra.s32 s6, $0x1F  }
0x61: {  	v2 =	vmov v3;
	v3 =	vld [tilespmem:s16+$0x0];
	v5 =	vsel vm0, s23, v5;
	s9 =	spop (v2sf);
	s23 =	sadd.s32 s1, s8;
	s1 =	smul.u32 $0x68DB8BAD, s0  }
0x62: {  	v4 =	vmov s17;
	s14 =	sshrl.u32 s14, $0x1F;
	s30 =	sshra.s32 s9, $0x1F;
	s9 =	smulhi.u32 $0x68DB8BAD, s9  }
0x63: {  	v6 =	vsel vm0, s14, v4;
	s14 =	sadd.s32 s13, s31;
	s0 =	sshra.s32 s6, $0xC;
	s24 =	smul.u32 $0x68DB8BAD, s30  }
.Ltmp0:
0x64: {  	s13 =	sshra.s32 s14, $0xC;
	s6 =	smov.u32 s2;
	(pc) =	sbr.rel @p0 .LBB2_2-.Ltmp0, $4  }
0x65: {  	s4 =	sadd.s32 s1, s4;
	s24 =	sadd.s32 s24, s9;
	s12 =	spop (v2sf)  }
0x66: {  	s28 =	sshra.s32 s12, $0x1F;
	s17 =	spop (v2sf);
	s8 =	smulhi.u32 $0x68DB8BAD, s12;
	(v2sf) =	vpush v3, $0x0  }
0x67: {  	s30 =	smulhi.u32 $0x68DB8BAD, s17;
	s9 =	sshra.s32 s17, $0x1F;
	(v2sf) =	vpush v3, $0x7;
	s17 =	sshrl.u32 s14, $0x1F  }
0x68: {  	s31 =	sshra.s32 s24, $0xC;
	s12 =	smul.u32 $0x68DB8BAD, s28;
	(v2sf) =	vpush v3, $0x1;
	v4 =	vmov s17;
	s7 =	spop (v2sf)  }
0x69: {  	(v2sf) =	vpush v3, $0x2;
	_ =	sdelay $0x1  }
0x6a: {  	(v2sf) =	vpush v3, $0x6;
	_ =	sdelay $0x2  }
0x6b: {  	(v2sf) =	vpush v3, $0x3  }
0x6c: {  	(v2sf) =	vpush v3, $0x4  }
0x6d: {  	s1 =	smul.u32 $0x68DB8BAD, s10;
	(v2sf) =	vpush v3, $0xC  }
0x6e: {  	s10 =	smulhi.u32 $0x68DB8BAD, s7;
	(v2sf) =	vpush v3, $0xD  }
0x6f: {  	s6 =	sshra.s32 s7, $0x1F;
	s28 =	smul.u32 $0x68DB8BAD, s9;
	[dreg:$0x16] =	wrdreg s1  }
0x70: {  	s14 =	smul.u32 $0x68DB8BAD, s6;
	[dreg:$0x12] =	wrdreg s10  }
0x71: {  	s17 =	smulhi.u32 $0x68DB8BAD, s5;
	[dreg:$0x11] =	wrdreg s28  }
0x72: {  	[dreg:$0x14] =	wrdreg s14;
	(v2sf) =	vpush v3, $0xE;
	s10 =	spop (v2sf)  }
0x73: {  	s8 =	sadd.s32 s12, s8;
	s12 =	rddreg [dreg:$0x16];
	(v2sf) =	vpush v3, $0xF;
	s1 =	spop (v2sf)  }
0x74: {  	(v2sf) =	vpush v3, $0x8;
	s14 =	sshra.s32 s1, $0x1F;
	s2 =	smulhi.u32 $0x68DB8BAD, s1;
	s5 =	spop (v2sf)  }
0x75: {  	s6 =	smul.u32 $0x68DB8BAD, s14;
	s28 =	spop (v2sf)  }
0x76: {  	s14 =	smulhi.u32 $0x68DB8BAD, s5;
	[dreg:$0x13] =	wrdreg s2  }
0x77: {  	s7 =	spop (v2sf);
	[dreg:$0x15] =	wrdreg s6  }
0x78: {  	s9 =	sshra.s32 s5, $0x1F;
	s2 =	smulhi.u32 $0x68DB8BAD, s28;
	[dreg:$0xf] =	wrdreg s7  }
0x79: {  	s28 =	sshra.s32 s28, $0x1F;
	s5 =	smul.u32 $0x68DB8BAD, s9;
	[dreg:$0x17] =	wrdreg s14  }
0x7a: {  	s6 =	spop (v2sf);
	s7 =	smul.u32 $0x68DB8BAD, s28  }
0x7b: {  	(v2sf) =	vpush v3, $0x9;
	[dreg:$0x18] =	wrdreg s2;
	s14 =	spop (v2sf)  }
0x7c: {  	[dreg:$0x1a] =	wrdreg s5;
	s9 =	sshra.s32 s14, $0x1F;
	s2 =	spop (v2sf)  }
0x7d: {  	s28 =	smul.u32 $0x68DB8BAD, s9;
	s5 =	spop (v2sf)  }
0x7e: {  	[dreg:$0x19] =	wrdreg s7;
	s9 =	smulhi.u32 $0x68DB8BAD, s5  }
0x7f: {  	[dreg:$0x10] =	wrdreg s28  }
0x80: {  	s28 =	sshra.s32 s2, $0x1F;
	[dreg:$0x1b] =	wrdreg s9  }
0x81: {  	s1 =	sshra.s32 s5, $0x1F;
	s5 =	smul.u32 $0x68DB8BAD, s28;
	s9 =	spop (v2sf)  }
0x82: {  	s1 =	smul.u32 $0x68DB8BAD, s1;
	s28 =	spop (v2sf)  }
0x83: {  	[dreg:$0x1e] =	wrdreg s5;
	s5 =	spop (v2sf)  }
0x84: {  	[dreg:$0x1d] =	wrdreg s1;
	s7 =	smulhi.u32 $0x68DB8BAD, s5  }
0x85: {  	[dreg:$0xc] =	wrdreg s28;
	s1 =	sshra.s32 s5, $0x1F;
	s5 =	smulhi.u32 $0x68DB8BAD, s6  }
0x86: {  	[dreg:$0x1c] =	wrdreg s7  }
0x87: {  	s12 =	sadd.s32 s12, s17;
	s1 =	smul.u32 $0x68DB8BAD, s1;
	[smem:$0x7FC] =	sst s5  }
0x88: {  	s17 =	sadd.s32 s26, s19;
	(v2sf) =	vpush v3, $0x5;
	s6 =	sshra.s32 s6, $0x1F;
	s5 =	rddreg [dreg:$0x12]  }
0x89: {  	s7 =	sadd.s32 s22, s11;
	s22 =	smulhi.u32 $0x68DB8BAD, s10;
	[dreg:$0x1f] =	wrdreg s1  }
0x8a: {  	s10 =	sshra.s32 s10, $0x1F;
	s1 =	smul.u32 $0x68DB8BAD, s6;
	s6 =	spop (v2sf)  }
0x8b: {  	s11 =	smulhi.u32 $0x68DB8BAD, s6;
	s19 =	sshra.s32 s6, $0x1F;
	s6 =	rddreg [dreg:$0x14]  }
0x8c: {  	s26 =	sadd.s32 s6, s5;
	s6 =	smul.u32 $0x68DB8BAD, s10;
	s10 =	rddreg [dreg:$0x11]  }
0x8d: {  	s5 =	smul.u32 $0x68DB8BAD, s19;
	s19 =	sadd.s32 s3, s21;
	s3 =	rddreg [dreg:$0x13]  }
0x8e: {  	s10 =	sadd.s32 s10, s30;
	s30 =	rddreg [dreg:$0x15]  }
0x8f: {  	s28 =	smulhi.u32 $0x68DB8BAD, s2;
	s2 =	sadd.s32 s30, s3;
	s30 =	rddreg [dreg:$0x1a]  }
0x90: {  	[dreg:$0xe] =	wrdreg s2  }
0x91: {  	s11 =	sadd.s32 s5, s11;
	s2 =	rddreg [dreg:$0x17]  }
0x92: {  	[dreg:$0x9] =	wrdreg s11  }
0x93: {  	s2 =	sadd.s32 s30, s2;
	s30 =	rddreg [dreg:$0x19]  }
0x94: {  	[dreg:$0xb] =	wrdreg s2  }
0x95: {  	s2 =	smulhi.u32 $0x68DB8BAD, s14;
	s14 =	rddreg [dreg:$0x18]  }
0x96: {  	s14 =	sadd.s32 s30, s14;
	s30 =	rddreg [dreg:$0x1e]  }
0x97: {  	s21 =	spop (v2sf);
	[dreg:$0xd] =	wrdreg s14  }
0x98: {  	s3 =	smulhi.u32 $0x68DB8BAD, s21;
	s21 =	sshra.s32 s21, $0x1F;
	s14 =	rddreg [dreg:$0x1b]  }
0x99: {  	s30 =	sadd.s32 s30, s28;
	s28 =	smul.u32 $0x68DB8BAD, s21;
	s21 =	rddreg [dreg:$0x1d]  }
0x9a: {  	v8 =	vmov s13;
	(v2sf) =	vpush v3, $0xB;
	s14 =	sadd.s32 s21, s14;
	s21 =	sld [smem:$0x7FC]  }
0x9b: {  	v8 =	vsel vm0, s31, v8;
	s31 =	sshra.s32 s17, $0xC;
	s13 =	sshrl.u32 s7, $0x1F;
	[smem:$0x7FD] =	sst s14  }
0x9c: {  	(v2sf) =	vpush v3, $0xA;
	s5 =	sshra.s32 s9, $0x1F;
	s14 =	smulhi.u32 $0x68DB8BAD, s9;
	s9 =	rddreg [dreg:$0x1c]  }
0x9d: {  	s5 =	smul.u32 $0x68DB8BAD, s5;
	s1 =	sadd.s32 s1, s21;
	s21 =	rddreg [dreg:$0x1f]  }
0x9e: {  	s22 =	sadd.s32 s6, s22;
	s3 =	sadd.s32 s28, s3;
	[dreg:$0xa] =	wrdreg s1  }
0x9f: {  	s28 =	sshra.s32 s23, $0xC;
	s14 =	sadd.s32 s5, s14;
	s1 =	rddreg [dreg:$0xf]  }
0xa0: {  	s5 =	sshra.s32 s4, $0xC;
	s11 =	smulhi.u32 $0x68DB8BAD, s1;
	s1 =	sshra.s32 s1, $0x1F  }
0xa1: {  	s9 =	sadd.s32 s21, s9;
	s21 =	rddreg [dreg:$0x10];
	s1 =	smul.u32 $0x68DB8BAD, s1  }
0xa2: {  	s6 =	sadd.s32 s21, s2;
	s2 =	sshrl.u32 s12, $0x1F;
	s21 =	sshrl.u32 s4, $0x1F  }
0xa3: {  	v7 =	vsel vm3, s5, v7;
	v9 =	vmov s21;
	s21 =	sshra.s32 s26, $0xC;
	s5 =	sadd.s32 s1, s11;
	s11 =	sshra.s32 s4, $0x1F  }
0xa4: {  	v6 =	vsel vm1, s2, v6;
	s2 =	sshra.s32 s8, $0xC;
	v8 =	vsel vm1, s21, v8;
	s21 =	sshra.s32 s15, $0xC;
	s1 =	sshra.s32 s12, $0xC;
	v7 =	vsel vm9, s11, v7  }
0xa5: {  	s12 =	sshra.s32 s23, $0x1F;
	s4 =	sshrl.u32 s15, $0x1F;
	s15 =	sshra.s32 s14, $0xC;
	v7 =	vsel vm0, s0, v7  }
0xa6: {  	s11 =	sshrl.u32 s23, $0x1F;
	s23 =	sshrl.u32 s24, $0x1F;
	s24 =	sshra.s32 s7, $0xC;
	v7 =	vsel vm10, s25, v7  }
0xa7: {  	s7 =	sshra.s32 s7, $0x1F;
	v5 =	vsel vm1, s1, v5;
	s1 =	sshrl.u32 s8, $0x1F;
	s8 =	sshra.s32 s8, $0x1F;
	v7 =	vsel vm1, s29, v7  }
0xa8: {  	v9 =	vnsel vm3, $0x0, v9;
	s0 =	sshrl.u32 s10, $0x1F;
	v4 =	vsel vm0, s23, v4;
	s25 =	sshra.s32 s10, $0xC;
	s29 =	rddreg [dreg:$0x4];
	v7 =	vsel vm11, s20, v7  }
0xa9: {  	s23 =	spop (v2sf);
	v8 =	vsel vm2, s25, v8;
	s20 =	sshrl.u32 s26, $0x1F;
	s26 =	sshra.s32 s19, $0xC;
	v9 =	vsel vm0, s29, v9;
	v7 =	vsel vm2, s28, v7  }
0xaa: {  	s29 =	sshra.s32 s22, $0xC;
	s28 =	sshrl.u32 s19, $0x1F;
	v9 =	vsel vm1, s18, v9;
	v5 =	vsel vm2, s26, v5;
	v4 =	vsel vm1, s20, v4;
	s20 =	sshrl.u32 s30, $0x1F  }
0xab: {  	s26 =	spop (v2sf);
	s19 =	rddreg [dreg:$0xd];
	v7 =	vsel vm12, s12, v7;
	s12 =	sshrl.u32 s17, $0x1F;
	v6 =	vsel vm2, s28, v6;
	v4 =	vsel vm2, s0, v4  }
0xac: {  	s17 =	sshra.s32 s17, $0x1F;
	s0 =	sshra.s32 s30, $0xC;
	v9 =	vsel vm2, s11, v9;
	s28 =	sshra.s32 s26, $0x1F;
	v12 =	vmov s20;
	v7 =	vsel vm4, s24, v7  }
0xad: {  	s10 =	sshra.s32 s19, $0x1F;
	s11 =	smulhi.u32 $0x68DB8BAD, s23;
	v5 =	vcombine.low v8, v5;
	s24 =	rddreg [dreg:$0xc];
	v9 =	vsel vm4, s13, v9;
	v7 =	vsel vm13, s7, v7  }
0xae: {  	v11 =	vmov s0;
	v4 =	vcombine.low v4, v6;
	s18 =	sshra.s32 s24, $0x1F;
	s7 =	smulhi.u32 $0x68DB8BAD, s24;
	s24 =	rddreg [dreg:$0xe];
	v7 =	vsel vm5, s2, v7  }
0xaf: {  	s30 =	sshra.s32 s22, $0x1F;
	v9 =	vsel vm5, s1, v9;
	v5 =	vperm.xlane v5, v0;
	s25 =	sshra.s32 s24, $0x1F;
	s2 =	smulhi.u32 $0x68DB8BAD, s26;
	v7 =	vsel vm14, s8, v7  }
0xb0: {  	s13 =	sshrl.u32 s14, $0x1F;
	v9 =	vsel vm6, s12, v9;
	v10 =	vmov s25;
	s8 =	smul.u32 $0x68DB8BAD, s28;
	v7 =	vsel vm6, s31, v7;
	s31 =	sld [smem:$0x7FD]  }
0xb1: {  	s12 =	sshra.s32 s9, $0xC;
	v4 =	vperm.xlane v4, v0;
	v9 =	vsel vm7, s4, v9;
	v10 =	vsel vm3, s29, v10;
	s29 =	smul.u32 $0x68DB8BAD, s18;
	s18 =	rddreg [dreg:$0xa]  }
0xb2: {  	v14 =	vmov s12;
	v9 =	vperm.xlane v9, v1;
	v7 =	vsel vm15, s17, v7;
	s17 =	rddreg [dreg:$0xb];
	s2 =	sadd.s32 s8, s2;
	s8 =	sshrl.u32 s9, $0x1F  }
0xb3: {  	v10 =	vsel vm9, s30, v10;
	s30 =	sshra.s32 s23, $0x1F;
	s25 =	sshra.s32 s17, $0xC;
	v7 =	vsel vm7, s21, v7;
	v13 =	vmov s8;
	s21 =	sshrl.u32 s22, $0x1F  }
0xb4: {  	s26 =	sshra.s32 s17, $0x1F;
	s1 =	sshra.s32 s31, $0xC;
	v10 =	vsel vm0, s25, v10;
	s28 =	sshrl.u32 s31, $0x1F;
	v15 =	vmov s21;
	v7 =	vperm.xlane v7, v1  }
0xb5: {  	s0 =	smul.u32 $0x68DB8BAD, s30;
	s31 =	sshra.s32 s19, $0xC;
	s25 =	rddreg [dreg:$0x9];
	v10 =	vsel vm10, s26, v10;
	v11 =	vsel vm0, s1, v11;
	v12 =	vsel vm0, s28, v12  }
0xb6: {  	s20 =	sshra.s32 s18, $0xC;
	s22 =	sshra.s32 s18, $0x1F;
	s26 =	sshra.s32 s25, $0xC;
	v15 =	vnsel vm3, $0x0, v15;
	v10 =	vsel vm1, s31, v10;
	v11 =	vsel vm1, s15, v11  }
0xb7: {  	s23 =	sshrl.u32 s17, $0x1F;
	s0 =	sadd.s32 s0, s11;
	s11 =	sshrl.u32 s25, $0x1F;
	v12 =	vsel vm1, s13, v12;
	v14 =	vsel vm0, s26, v14;
	v10 =	vsel vm11, s10, v10  }
0xb8: {  	s1 =	sadd.s32 s29, s7;
	s29 =	sshra.s32 s2, $0xC;
	v15 =	vsel vm0, s23, v15;
	s31 =	sshrl.u32 s19, $0x1F;
	v13 =	vsel vm0, s11, v13;
	v10 =	vsel vm2, s20, v10  }
0xb9: {  	s28 =	sshra.s32 s6, $0xC;
	s2 =	sshrl.u32 s2, $0x1F;
	s13 =	sshra.s32 s1, $0xC;
	v14 =	vsel vm1, s29, v14;
	v15 =	vsel vm1, s31, v15;
	v10 =	vsel vm12, s22, v10  }
0xba: {  	s30 =	sshra.s32 s6, $0x1F;
	s14 =	sshra.s32 s0, $0xC;
	s1 =	sshrl.u32 s1, $0x1F;
	v11 =	vsel vm2, s13, v11;
	v13 =	vsel vm1, s2, v13;
	v10 =	vsel vm4, s28, v10  }
0xbb: {  	s12 =	sshra.s32 s3, $0xC;
	s18 =	sshrl.u32 s18, $0x1F;
	s0 =	sshrl.u32 s0, $0x1F;
	v12 =	vsel vm2, s1, v12;
	v14 =	vsel vm2, s14, v14;
	v10 =	vsel vm13, s30, v10  }
0xbc: {  	s21 =	sshrl.u32 s6, $0x1F;
	s15 =	sshra.s32 s3, $0x1F;
	v13 =	vsel vm2, s0, v13;
	v15 =	vsel vm2, s18, v15;
	v10 =	vsel vm5, s12, v10  }
0xbd: {  	s17 =	sshra.s32 s5, $0xC;
	v61 =	vsel vm4, s21, v15;
	v11 =	vcombine.low v14, v11;
	s22 =	sshrl.u32 s3, $0x1F;
	v10 =	vsel vm14, s15, v10  }
0xbe: {  	s19 =	sshra.s32 s5, $0x1F;
	s23 =	sshrl.u32 s5, $0x1F;
	v62 =	vcombine.low v13, v12;
	v6 =	vsel vm5, s22, v61;
	v10 =	vsel vm6, s17, v10  }
0xbf: {  	s25 =	sshrl.u32 s24, $0x1F;
	s20 =	sshra.s32 s24, $0xC;
	v6 =	vsel vm6, s23, v6;
	v11 =	vperm.xlane v11, v0;
	v10 =	vsel vm15, s19, v10  }
0xc0: {  	v8 =	vperm.xlane v62, v0;
	v6 =	vsel vm7, s25, v6;
	v10 =	vsel vm7, s20, v10  }
0xc1: {  	v6 =	vperm.xlane v6, v1;
	v10 =	vperm.xlane v10, v1  }
0xc2: {  	v4 =	vsel vm8, v9, v4;
	v5 =	vsel vm8, v7, v5  }
0xc3: {  	v4 =	vadd.s32 v4, v5;
	v6 =	vsel vm8, v6, v8;
	v63 =	vsel vm8, v10, v11  }
0xc4: {  	v4 =	vmul.u32 $0x2710, v4;
	v5 =	vadd.s32 v6, v63  }
0xc5: {  	v5 =	vmul.u32 $0x2710, v5  }
0xc6: {  	s26 =	rddreg [dreg:$0x3];
	v2 =	vsub.s32 v2, v4  }
0xc7: {  	s9 =	simm.s32 $0x80;
	[tilespmem:s26+$0x1900] =	vst v2;
	v2 =	vsub.s32 v3, v5  }
0xc8: {  	s6 =	rddreg [dreg:$0x1];
	s10 =	simm.s32 $0x3200;
	s28 =	simm.s32 $0x1900;
	[tilespmem:s16+$0x1900] =	vst v2  }
0xc9: {  	[tilespmem:s10], [sflag:$0x1] =	stream.indirect.gather [hbm4b:s6+s9], $0x80, s28, s9, $0xb8;
	[tilespmem:$0xB200] =	vst v63  }
0xca: {  	s11 =	simm.s32 $0x7200;
	s29 =	simm.s32 $0x1980;
	s12 =	simm.s32 $0x1  }
0xcb: {  	[tilespmem:s11], [sflag:$0x2] =	stream.indirect.gather [hbm4b:s6+s9], $0x80, s29, s9, $0xb8;
	[tilespmem:$0xB200] =	vst v63  }
0xcc: {  	_ =	swait.ge [sflag:s12], $0x4000  }
0xcd: {  	s8 =	simm.s32 $0x3;
	[sflag:s12] =	ssyncset.done $0x0  }
0xce: {  	s7 =	simm.s32 $0x0;
	s30 =	rddreg [dreg:$0x7];
	[sflag:s12] =	ssyncadd.s32 $0xFFFFC000  }
0xcf: {  	[hbm4b:s30+s7] =	stream.linear.scatter [tilespmem:s10], [sflag:$0x3], $0x4000, $0x38;
	[tilespmem:$0xB200] =	vst v63  }
0xd0: {  	_ =	swait.ge [sflag:s8], $0x4000  }
0xd1: {  	[sflag:s8] =	ssyncset.done $0x0  }
0xd2: {  	s13 =	simm.s32 $0x2;
	[sflag:s8] =	ssyncadd.s32 $0xFFFFC000  }
0xd3: {  	_ =	swait.ge [sflag:s13], $0x4000  }
0xd4: {  	[sflag:s13] =	ssyncset.done $0x0  }
0xd5: {  	s31 =	sadd.s32 $0x800, s30;
	[sflag:s13] =	ssyncadd.s32 $0xFFFFC000  }
0xd6: {  	[hbm4b:s31+s7] =	stream.linear.scatter [tilespmem:s11], [sflag:$0x3], $0x4000, $0x38;
	[tilespmem:$0xB200] =	vst v63  }
0xd7: {  	s2 =	simm.s32 $0x800;
	_ =	swait.ge [sflag:s8], $0x4000  }
0xd8: {  	s1 =	simm.s32 $0x100;
	s0 =	sadd.s32 $0x1000, s30;
	[sflag:s8] =	ssyncset.done $0x0  }
.LBB2_4:
0xd9: {  	s3 =	sadd.s32 $0x1900, s1  }
0xda: {  	[sflag:s8] =	ssyncadd.s32 $0xFFFFC000;
	s4 =	smov.u32 s2;
	s5 =	sadd.s32 $0x400, s2  }
0xdb: {  	[tilespmem:s10], [sflag:$0x1] =	stream.indirect.gather [hbm4b:s6+s9], $0x80, s3, s9, $0xb8;
	[tilespmem:$0xB200] =	vst v63  }
0xdc: {  	p0 =	sne.s32 s2, $0x6000;
	s1 =	sadd.s32 $0x1980, s1  }
0xdd: {  	[tilespmem:s11], [sflag:$0x2] =	stream.indirect.gather [hbm4b:s6+s9], $0x80, s1, s9, $0xb8;
	[tilespmem:$0xB200] =	vst v63  }
0xde: {  	_ =	swait.ge [sflag:s12], $0x4000  }
0xdf: {  	[sflag:s12] =	ssyncset.done $0x0  }
0xe0: {  	[sflag:s12] =	ssyncadd.s32 $0xFFFFC000  }
0xe1: {  	[hbm4b:s0+s7] =	stream.linear.scatter [tilespmem:s10], [sflag:$0x3], $0x4000, $0x38;
	[tilespmem:$0xB200] =	vst v63  }
0xe2: {  	_ =	swait.ge [sflag:s8], $0x4000  }
0xe3: {  	[sflag:s8] =	ssyncset.done $0x0  }
0xe4: {  	[sflag:s8] =	ssyncadd.s32 $0xFFFFC000  }
0xe5: {  	_ =	swait.ge [sflag:s13], $0x4000  }
.Ltmp1:
0xe6: {  	[sflag:s13] =	ssyncset.done $0x0;
	(pc) =	sbr.rel @p0 .LBB2_4-.Ltmp1, $4  }
0xe7: {  	s1 =	sadd.s32 $0x800, s0;
	[sflag:s13] =	ssyncadd.s32 $0xFFFFC000  }
0xe8: {  	[hbm4b:s1+s7] =	stream.linear.scatter [tilespmem:s11], [sflag:$0x3], $0x4000, $0x38;
	[tilespmem:$0xB200] =	vst v63  }
0xe9: {  	s2 =	smov.u32 s5;
	_ =	swait.ge [sflag:s8], $0x4000  }
0xea: {  	s0 =	sadd.s32 $0x1000, s0;
	s1 =	sshra.s32 s4, $0x2;
	[sflag:s8] =	ssyncset.done $0x0  }
0xeb: {  	s2 =	sadd.s32 $0x1900, s1;
	[sflag:s8] =	ssyncadd.s32 $0xFFFFC000  }
0xec: {  	[tilespmem:s10], [sflag:$0x1] =	stream.indirect.gather [hbm4b:s6+s9], $0x80, s2, s9, $0xb8;
	[tilespmem:$0xB200] =	vst v63  }
0xed: {  	s28 =	sadd.s32 $0x1980, s1  }
0xee: {  	[tilespmem:s11], [sflag:$0x2] =	stream.indirect.gather [hbm4b:s6+s9], $0x80, s28, s9, $0xb8;
	[tilespmem:$0xB200] =	vst v63  }
0xef: {  	_ =	swait.ge [sflag:s12], $0x4000  }
0xf0: {  	[sflag:s12] =	ssyncset.done $0x0  }
0xf1: {  	[sflag:s12] =	ssyncadd.s32 $0xFFFFC000  }
0xf2: {  	[hbm4b:s0+s7] =	stream.linear.scatter [tilespmem:s10], [sflag:$0x3], $0x4000, $0x38;
	[tilespmem:$0xB200] =	vst v63  }
0xf3: {  	_ =	swait.ge [sflag:s8], $0x4000  }
0xf4: {  	[sflag:s8] =	ssyncset.done $0x0  }
0xf5: {  	[sflag:s8] =	ssyncadd.s32 $0xFFFFC000  }
0xf6: {  	_ =	swait.ge [sflag:s13], $0x4000  }
0xf7: {  	[sflag:s13] =	ssyncset.done $0x0  }
0xf8: {  	s29 =	sadd.s32 $0x800, s0;
	[sflag:s13] =	ssyncadd.s32 $0xFFFFC000  }
0xf9: {  	[hbm4b:s29+s7] =	stream.linear.scatter [tilespmem:s11], [sflag:$0x3], $0x4000, $0x38;
	[tilespmem:$0xB200] =	vst v63  }
0xfa: {  	_ =	swait.ge [sflag:s8], $0x4000  }
0xfb: {  	s30 =	rddreg [dreg:$0x8]  }
0xfc: {  	s31 =	rddreg [dreg:$0x6];
	s1 =	sadd.s32 $0x1, s30  }
0xfd: {  	p0 =	sne.s32 s1, s31  }
.Ltmp2:
0xfe: {  	_ = 	snop;
	(pc) =	sbr.rel @p0 .LBB2_1-.Ltmp2, $3  }
0xff: {  	_ =	sdelay $0x1  }
0x100: {  	[sflag:s8] =	ssyncset.done $0x0  }
0x101: {  	[sflag:s8] =	ssyncadd.s32 $0xFFFFC000  }
0x102: {  	_ =	sfence.sel $0x180000  }
0x103: {  	[bflag:$0x0] =	sbarrier.arrive $0xFFFF  }
0x104: {  	_ =	strace $0x90000047  }
0x105: {  	s0 =	stileid.u32;
	[bflag:$0x2] =	sbarrier.arrive $0xFFFF  }
0x106: {  	p0 =	sne.s32 s0, $0x0;
	s0 =	rddreg [dreg:$0x2]  }
0x107: {  	s0 =	sadd.s32 @!p0 $0x100000, s0  }
0x108: {  	[sflag:s0] =	ssyncadd.tile.s32 @!p0 $0x1;
	_ =	shalt  }
.Lfunc_end2:
_tile_overlayer_lowered:
.L_overlay_start_2:
0x109: {  	(tag) =	ssettag $0x2  }
0x10a: {  	s0 =	rddreg [dreg:$0x0];
	s2 =	stileid.u32  }
0x10b: {  	s1 =	rddreg [dreg:$0x1];
	p0 =	sne.s32 s2, $0x0  }
0x10c: {  	s3 =	rddreg [dreg:$0x2];
	[bflag:$0x3] =	sbarrier.arrive $0xFFFF;
	s2 =	simm.s32 @!p0 $0x1C03  }
0x10d: {  	[timem:s3], [sflag:s2] =	dma.local @!p0 [hbm:s0], s1  }
0x10e: {  	s0 =	simm.s32 @!p0 $0x3  }
0x10f: {  	_ =	swait.ge @!p0 [sflag:s0], s1  }
0x110: {  	s1 =	ssub.s32 @!p0 $0x0, s1;
	[sflag:s0] =	ssyncset.done @!p0 $0x0  }
0x111: {  	[sflag:s0] =	ssyncadd.s32 @!p0 s1  }
0x112: {  	[bflag:$0x3] =	sbarrier.arrive $0xFFFF  }
0x113: {  	_ =	shalt  }

</sc_bundles>
